<compile_context>
chip_gen: v7x
topology: tpu7x:2x2x1
jax: 0.10.2.dev20260603
libtpu: 0.0.44.dev20260713+nightly
codegen_flags: <defaults>
</compile_context>

<pallas_src>
import functools

import jax
import jax.numpy as jnp
from jax import lax
from jax.experimental import pallas as pl
from jax.experimental.pallas import tpu as pltpu
from jax.experimental.pallas import tpu_sc as plsc

N = 10000
E = 320000
H = 128
NG = 64

NROWS = 10240
JUNK = 256
NW = 32
EPW = E // NW
C = 200
NCHUNK = EPW // C
NFILL = (C + 15) // 16
RPT = NROWS // 16
PSL = (NROWS + JUNK) // 16
SPW = NROWS // NW
BLK = 640
GRID = NROWS // BLK

_mesh = plsc.VectorSubcoreMesh(core_axis_name="c", subcore_axis_name="s")
F32 = jnp.float32
I32 = jnp.int32


def _fill1d(ref, n, value):
    def fill(i, _):
        ref[pl.ds(jnp.minimum(i * 16, n - 16), 16)] = jnp.full((16,), value,
                                                               ref.dtype)
        return 0
    lax.fori_loop(0, (n + 15) // 16, fill, 0)


def _deg_body(dst_hbm, out_hbm, didx, ones, zb, acc):
    c = lax.axis_index("c")
    s = lax.axis_index("s")
    w = c * 16 + s
    _fill1d(zb, RPT, 0.0)
    pltpu.sync_copy(zb, acc.at[pl.ds(s * RPT, RPT)])
    _fill1d(ones, C, 1.0)
    plsc.subcore_barrier()

    def chunk(i, _):
        off = w * EPW + i * C
        pltpu.sync_copy(dst_hbm.at[pl.ds(off, C)], didx)
        pltpu.sync_copy(ones, acc.at[didx], add=True)
        return 0
    lax.fori_loop(0, NCHUNK, chunk, 0)
    plsc.subcore_barrier()
    pltpu.sync_copy(acc.at[pl.ds(s * RPT, RPT)], zb)
    pltpu.sync_copy(zb, out_hbm.at[c, pl.ds(s * RPT, RPT)])


_sc_deg = functools.partial(
    pl.kernel, _deg_body, mesh=_mesh,
    out_type=jax.ShapeDtypeStruct((2, NROWS), F32),
    scratch_types=[
        pltpu.VMEM((C,), I32),
        pltpu.VMEM((C,), F32),
        pltpu.VMEM((RPT,), F32),
        pltpu.VMEM_SHARED((NROWS,), F32),
    ])()


def _mp_body(hp_hbm, src_hbm, dst_hbm, zeros2, out_hbm, sidx, didx, rows, acc,
             sem):
    c = lax.axis_index("c")
    s = lax.axis_index("s")
    w = c * 16 + s
    pltpu.sync_copy(zeros2.at[pl.ds(0, 160)], rows.at[pl.ds(0, 160)])
    for t in range(4):
        pltpu.sync_copy(rows.at[pl.ds(0, 160)],
                        acc.at[pl.ds(s * RPT + t * 160, 160)])
    plsc.subcore_barrier()

    def chunk(i, _):
        off = w * EPW + i * C
        pltpu.sync_copy(src_hbm.at[pl.ds(off, C)], sidx)
        pltpu.sync_copy(dst_hbm.at[pl.ds(off, C)], didx)
        pltpu.async_copy(hp_hbm.at[sidx], rows, sem).wait()
        pltpu.sync_copy(rows, acc.at[didx], add=True)
        return 0
    lax.fori_loop(0, NCHUNK, chunk, 0)
    plsc.subcore_barrier()
    for t in range(4):
        pltpu.sync_copy(acc.at[pl.ds(s * RPT + t * 160, 160)],
                        rows.at[pl.ds(0, 160)])
        pltpu.sync_copy(rows.at[pl.ds(0, 160)],
                        out_hbm.at[c, pl.ds(s * RPT + t * 160, 160)])


_sc_mp = functools.partial(
    pl.kernel, _mp_body, mesh=_mesh,
    out_type=jax.ShapeDtypeStruct((2, NROWS, H), F32),
    scratch_types=[
        pltpu.VMEM((C,), I32),
        pltpu.VMEM((C,), I32),
        pltpu.VMEM((C, H), F32),
        pltpu.VMEM_SHARED((NROWS, H), F32),
        pltpu.SemaphoreType.DMA,
    ])()


def _rm_body(remap_hbm, src_hbm, dst_hbm, x1s_hbm,
             srcp_hbm, dstp_hbm, deg2_hbm, xp_hbm,
             remap_v, srcb, dstb, rsb, rdb, spb, dpb, ones, updb, tgtb, pidx,
             rowsb, pbuf, zb, perm_sh, deg2_sh, sem):
    c = lax.axis_index("c")
    s = lax.axis_index("s")
    w = c * 16 + s
    pltpu.sync_copy(remap_hbm.at[pl.ds(s * RPT, RPT)], remap_v)

    def pfill(i, _):
        o = jnp.minimum(i * 16, PSL - 16)
        slot = s * PSL + o + lax.iota(I32, 16)
        pbuf[pl.ds(o, 16)] = N + (slot & 127)
        return 0
    lax.fori_loop(0, (PSL + 15) // 16, pfill, 0)
    pltpu.sync_copy(pbuf, perm_sh.at[pl.ds(s * PSL, PSL)])
    _fill1d(zb, RPT, 0.0)
    pltpu.sync_copy(zb, deg2_sh.at[pl.ds(s * RPT, RPT)])
    _fill1d(ones, C, 1.0)
    plsc.subcore_barrier()

    base = s * RPT

    def bfill(j, _):
        nid = base + j * 16 + lax.iota(I32, 16)
        rm = remap_v[pl.ds(j * 16, 16)]
        tgt = jnp.where(rm < 0, NROWS + (nid & (JUNK - 1)), rm)
        updb[pl.ds(j * 16, 16)] = nid
        tgtb[pl.ds(j * 16, 16)] = tgt
        return 0
    lax.fori_loop(0, RPT // 16, bfill, 0)
    pltpu.sync_copy(updb, perm_sh.at[tgtb])
    plsc.subcore_barrier()

    jbase = w * SPW
    pltpu.sync_copy(perm_sh.at[pl.ds(jbase, SPW)], pidx)
    pltpu.async_copy(x1s_hbm.at[pidx], rowsb, sem).wait()
    pltpu.sync_copy(rowsb, xp_hbm.at[pl.ds(jbase, SPW)])

    def echunk(i, _):
        off = w * EPW + i * C
        pltpu.sync_copy(src_hbm.at[pl.ds(off, C)], srcb)
        pltpu.sync_copy(dst_hbm.at[pl.ds(off, C)], dstb)
        pltpu.async_copy(remap_hbm.at[srcb], rsb, sem).wait()
        pltpu.async_copy(remap_hbm.at[dstb], rdb, sem).wait()

        def inner(j, _):
            jo = jnp.minimum(j * 16, C - 16)
            rs = rsb[pl.ds(jo, 16)]
            rd = rdb[pl.ds(jo, 16)]
            keep = (rs >= 0) & (rd >= 0)
            eid = off + jo + lax.iota(I32, 16)
            pad = N + (eid & 127)
            spb[pl.ds(jo, 16)] = jnp.where(keep, rs, pad)
            dpb[pl.ds(jo, 16)] = jnp.where(keep, rd, pad)
            return 0
        lax.fori_loop(0, NFILL, inner, 0)
        pltpu.sync_copy(spb, srcp_hbm.at[pl.ds(off, C)])
        pltpu.sync_copy(dpb, dstp_hbm.at[pl.ds(off, C)])
        pltpu.sync_copy(ones, deg2_sh.at[dpb], add=True)
        return 0
    lax.fori_loop(0, NCHUNK, echunk, 0)
    plsc.subcore_barrier()
    pltpu.sync_copy(deg2_sh.at[pl.ds(s * RPT, RPT)], zb)
    pltpu.sync_copy(zb, deg2_hbm.at[c, pl.ds(s * RPT, RPT)])


_sc_rm = functools.partial(
    pl.kernel, _rm_body, mesh=_mesh,
    out_type=(
        jax.ShapeDtypeStruct((E,), I32),
        jax.ShapeDtypeStruct((E,), I32),
        jax.ShapeDtypeStruct((2, NROWS), F32),
        jax.ShapeDtypeStruct((NROWS, H), F32),
    ),
    scratch_types=[
        pltpu.VMEM((RPT,), I32),
        pltpu.VMEM((C,), I32),
        pltpu.VMEM((C,), I32),
        pltpu.VMEM((C,), I32),
        pltpu.VMEM((C,), I32),
        pltpu.VMEM((C,), I32),
        pltpu.VMEM((C,), I32),
        pltpu.VMEM((C,), F32),
        pltpu.VMEM((RPT,), I32),
        pltpu.VMEM((RPT,), I32),
        pltpu.VMEM((SPW,), I32),
        pltpu.VMEM((SPW, H), F32),
        pltpu.VMEM((PSL,), I32),
        pltpu.VMEM((RPT,), F32),
        pltpu.VMEM_SHARED((NROWS + JUNK,), I32),
        pltpu.VMEM_SHARED((NROWS,), F32),
        pltpu.SemaphoreType.DMA,
    ])()


def _ta_body(x_ref, w_ref, degt_ref, h_ref, hp_ref, dinv_ref):
    h = jnp.dot(x_ref[...], w_ref[...], preferred_element_type=F32)
    deg = degt_ref[...]
    dinv = lax.rsqrt(deg[:, 0:1] + deg[:, 1:2] + 1.0)
    h_ref[...] = h
    hp_ref[...] = h * dinv
    dinv_ref[...] = dinv


def _ta(x_pad, W1, degT):
    return pl.pallas_call(
        _ta_body,
        grid=(GRID,),
        in_specs=[
            pl.BlockSpec((BLK, H), lambda i: (i, 0)),
            pl.BlockSpec((H, H), lambda i: (0, 0)),
            pl.BlockSpec((BLK, 2), lambda i: (i, 0)),
        ],
        out_specs=[
            pl.BlockSpec((BLK, H), lambda i: (i, 0)),
            pl.BlockSpec((BLK, H), lambda i: (i, 0)),
            pl.BlockSpec((BLK, 1), lambda i: (i, 0)),
        ],
        out_shape=[
            jax.ShapeDtypeStruct((NROWS, H), F32),
            jax.ShapeDtypeStruct((NROWS, H), F32),
            jax.ShapeDtypeStruct((NROWS, 1), F32),
        ],
    )(x_pad, W1, degT)


def _tb1_body(s1_ref, h_ref, dinv_ref, b1_ref, pw_ref, x1s_ref, sc_ref):
    i = pl.program_id(0)
    sp = s1_ref[...]
    S = sp[0] + sp[1]
    dinv = dinv_ref[...]
    x1 = dinv * S + dinv * dinv * h_ref[...] + b1_ref[...]
    row = i * BLK + lax.broadcasted_iota(I32, (BLK, 1), 0)
    x1 = jnp.where(row < N, x1, 0.0)
    pw = pw_ref[...]
    nrm = jnp.sqrt(jnp.sum(pw * pw))
    sc = jnp.tanh(jnp.dot(x1, pw, preferred_element_type=F32) / nrm)
    sc_ref[...] = sc
    x1s_ref[...] = x1 * sc


def _tb1(s1p, h_pad, dinv, b1r, pwc):
    return pl.pallas_call(
        _tb1_body,
        grid=(GRID,),
        in_specs=[
            pl.BlockSpec((2, BLK, H), lambda i: (0, i, 0)),
            pl.BlockSpec((BLK, H), lambda i: (i, 0)),
            pl.BlockSpec((BLK, 1), lambda i: (i, 0)),
            pl.BlockSpec((1, H), lambda i: (0, 0)),
            pl.BlockSpec((H, 1), lambda i: (0, 0)),
        ],
        out_specs=[
            pl.BlockSpec((BLK, H), lambda i: (i, 0)),
            pl.BlockSpec((BLK, 1), lambda i: (i, 0)),
        ],
        out_shape=[
            jax.ShapeDtypeStruct((NROWS, H), F32),
            jax.ShapeDtypeStruct((NROWS, 1), F32),
        ],
    )(s1p, h_pad, dinv, b1r, pwc)


_WND = 2048
_NWND = NROWS // _WND


def _tb2_body(scc_ref, bc_ref, scr_ref, br_ref, remap_ref):
    i = pl.program_id(0)
    sc_r = scc_ref[...]
    b_r = bc_ref[...]
    idx_r = i * BLK + lax.broadcasted_iota(I32, (BLK, 1), 0)
    rank = jnp.zeros((BLK, 1), F32)
    gc = lax.broadcasted_iota(I32, (NG, 1), 0)
    gr = lax.broadcasted_iota(I32, (1, NG), 1)
    counts = jnp.zeros((NG, 1), F32)
    for wnd in range(_NWND):
        bw = br_ref[pl.ds(wnd, 1), :]
        sw = scr_ref[pl.ds(wnd, 1), :]
        iw = wnd * _WND + lax.broadcasted_iota(I32, (1, _WND), 1)
        same = b_r == bw
        better = (sw > sc_r) | ((sw == sc_r) & (iw < idx_r))
        rank = rank + jnp.sum(jnp.where(same & better, 1.0, 0.0),
                              axis=1, keepdims=True)
        counts = counts + jnp.sum(jnp.where(bw == gc, 1.0, 0.0),
                                  axis=1, keepdims=True)
    k = jnp.floor((counts + 1.0) * 0.5)
    tri = jnp.where(gr < gc, 1.0, 0.0)
    hi = jax.lax.Precision.HIGHEST
    kstart = jnp.floor(jnp.dot(tri, k, preferred_element_type=F32,
                               precision=hi) + 0.5)
    onehot = jnp.where(b_r == gr, 1.0, 0.0)
    k_r = jnp.floor(jnp.dot(onehot, k, preferred_element_type=F32,
                            precision=hi) + 0.5)
    ks_r = jnp.floor(jnp.dot(onehot, kstart, preferred_element_type=F32,
                             precision=hi) + 0.5)
    keep = rank < k_r
    remap_ref[...] = jnp.where(keep, ks_r + rank, -1.0).astype(I32)


def _tb2(score_col, bcol, scr5, br5):
    return pl.pallas_call(
        _tb2_body,
        grid=(GRID,),
        in_specs=[
            pl.BlockSpec((BLK, 1), lambda i: (i, 0)),
            pl.BlockSpec((BLK, 1), lambda i: (i, 0)),
            pl.BlockSpec((_NWND, _WND), lambda i: (0, 0)),
            pl.BlockSpec((_NWND, _WND), lambda i: (0, 0)),
        ],
        out_specs=pl.BlockSpec((BLK, 1), lambda i: (i, 0)),
        out_shape=jax.ShapeDtypeStruct((NROWS, 1), I32),
    )(score_col, bcol, scr5, br5)


def _tc_body(xp_ref, w2_ref, degt_ref, h2_ref, h2p_ref, dinv2_ref):
    h2 = jnp.dot(xp_ref[...], w2_ref[...], preferred_element_type=F32)
    deg = degt_ref[...]
    dinv2 = lax.rsqrt(deg[:, 0:1] + deg[:, 1:2] + 1.0)
    h2_ref[...] = h2
    h2p_ref[...] = h2 * dinv2
    dinv2_ref[...] = dinv2


def _tc(xp, W2, deg2T):
    return pl.pallas_call(
        _tc_body,
        grid=(GRID,),
        in_specs=[
            pl.BlockSpec((BLK, H), lambda i: (i, 0)),
            pl.BlockSpec((H, H), lambda i: (0, 0)),
            pl.BlockSpec((BLK, 2), lambda i: (i, 0)),
        ],
        out_specs=[
            pl.BlockSpec((BLK, H), lambda i: (i, 0)),
            pl.BlockSpec((BLK, H), lambda i: (i, 0)),
            pl.BlockSpec((BLK, 1), lambda i: (i, 0)),
        ],
        out_shape=[
            jax.ShapeDtypeStruct((NROWS, H), F32),
            jax.ShapeDtypeStruct((NROWS, H), F32),
            jax.ShapeDtypeStruct((NROWS, 1), F32),
        ],
    )(xp, W2, deg2T)


def _te_body(s2_ref, h2_ref, dinv2_ref, b2_ref, bc_ref, lw_ref, lb_ref,
             out_ref, acc_ref):
    i = pl.program_id(0)
    sp = s2_ref[...]
    S2 = sp[0] + sp[1]
    dinv2 = dinv2_ref[...]
    x2 = dinv2 * S2 + dinv2 * dinv2 * h2_ref[...] + b2_ref[...]
    bc = bc_ref[...]
    gr = lax.broadcasted_iota(I32, (1, NG), 1)
    cmp = jnp.where(bc == gr, 1.0, 0.0)
    counts = jnp.sum(cmp, axis=0, keepdims=True)
    k = jnp.floor((counts + 1.0) * 0.5)
    ga = lax.broadcasted_iota(I32, (NG, 1), 0)
    gb = lax.broadcasted_iota(I32, (1, NG), 1)
    tri = jnp.where(ga < gb, 1.0, 0.0)
    hi = jax.lax.Precision.HIGHEST
    kstart = jnp.floor(jnp.dot(k, tri, preferred_element_type=F32,
                               precision=hi) + 0.5)
    kend = kstart + k
    jcol = i * BLK + lax.broadcasted_iota(I32, (BLK, 1), 0)
    jf = jcol.astype(F32)
    M = jnp.where((jf >= kstart) & (jf < kend), 1.0, 0.0)
    contrib = lax.dot_general(M, x2, (((0,), (0,)), ((), ())),
                              preferred_element_type=F32, precision=hi)

    @pl.when(i == 0)
    def _():
        acc_ref[...] = jnp.zeros((NG, H), F32)

    acc_ref[...] += contrib

    @pl.when(i == GRID - 1)
    def _():
        out_ref[...] = (jnp.dot(acc_ref[...], lw_ref[...],
                                preferred_element_type=F32,
                                precision=jax.lax.Precision.HIGHEST)
                        + lb_ref[...])


def _te(s2p, h2, dinv2, b2r, bcol, lwc, lbr):
    return pl.pallas_call(
        _te_body,
        grid=(GRID,),
        in_specs=[
            pl.BlockSpec((2, BLK, H), lambda i: (0, i, 0)),
            pl.BlockSpec((BLK, H), lambda i: (i, 0)),
            pl.BlockSpec((BLK, 1), lambda i: (i, 0)),
            pl.BlockSpec((1, H), lambda i: (0, 0)),
            pl.BlockSpec((NROWS, 1), lambda i: (0, 0)),
            pl.BlockSpec((H, 1), lambda i: (0, 0)),
            pl.BlockSpec((1, 1), lambda i: (0, 0)),
        ],
        out_specs=pl.BlockSpec((NG, 1), lambda i: (0, 0)),
        out_shape=jax.ShapeDtypeStruct((NG, 1), F32),
        scratch_shapes=[pltpu.VMEM((NG, H), F32)],
    )(s2p, h2, dinv2, b2r, bcol, lwc, lbr)


def kernel(x, edge_index, batch, W1, b1, W2, b2, p_weight, lin_w, lin_b):
    src = edge_index[0]
    dst = edge_index[1]
    x_pad = jnp.pad(x, ((0, NROWS - N), (0, 0)))
    zeros2 = jnp.zeros((NROWS, H), F32)
    batch_pad = jnp.pad(batch.astype(I32), (0, NROWS - N),
                        constant_values=127)
    bcol = batch_pad.reshape(NROWS, 1)
    brow = batch_pad.reshape(1, NROWS)

    deg1p = _sc_deg(dst)
    h_pad, hp_pad, dinv = _ta(x_pad, W1, deg1p.T)
    s1p = _sc_mp(hp_pad, src, dst, zeros2)
    x1s, score_col = _tb1(s1p, h_pad, dinv, b1.reshape(1, H),
                          p_weight.reshape(H, 1))
    remap_col = _tb2(score_col, bcol, score_col.reshape(_NWND, _WND),
                     batch_pad.reshape(_NWND, _WND))
    srcp, dstp, deg2p, xp = _sc_rm(remap_col.reshape(NROWS), src, dst, x1s)
    h2, h2p, dinv2 = _tc(xp, W2, deg2p.T)
    s2p = _sc_mp(h2p, srcp, dstp, zeros2)
    out = _te(s2p, h2, dinv2, b2.reshape(1, H), bcol,
              lin_w.reshape(H, 1), lin_b.reshape(1, 1))
    return out

# --- scband reference (transcript-rebuilt; emitter-appended) ---
"""Pipeline reference for scband-top-kpool-reg-64278480552407 (READ-ONLY COPY).

The authoritative reference and input builder live on the scoring server;
editing this copy changes nothing except your own understanding.
"""

import jax, jax.numpy as jnp
import numpy as np
import math

N = 10000
E = 320000
D = 128
H = 128
NUM_GRAPHS = 64
RATIO = 0.5


def gcn_conv(x, src, dst, W, b, num_nodes):
    # PyG GCNConv: lin -> gcn_norm (with self-loops) -> scatter-add -> + bias
    h = x @ W
    loops = jnp.arange(num_nodes, dtype=src.dtype)
    si = jnp.concatenate([src, loops])
    di = jnp.concatenate([dst, loops])
    ones = jnp.ones(si.shape[0], dtype=x.dtype)
    deg = jax.ops.segment_sum(ones, di, num_segments=num_nodes)
    dinv = jnp.where(deg > 0, 1.0 / jnp.sqrt(deg), 0.0)
    norm = dinv[si] * dinv[di]
    msgs = h[si] * norm[:, None]
    out = jax.ops.segment_sum(msgs, di, num_segments=num_nodes)
    return out + b


def setup_inputs(seed: int = 0):
    key = jax.random.key(seed)
    ks = jax.random.split(key, 10)
    x = jax.random.normal(ks[0], (N, D), dtype=jnp.float32)
    edge_index = jax.random.randint(ks[1], (2, E), 0, N, dtype=jnp.int32)
    batch = jnp.sort(jax.random.randint(ks[2], (N,), 0, NUM_GRAPHS, dtype=jnp.int32))
    s1 = 1.0 / math.sqrt(D)
    s2 = 1.0 / math.sqrt(H)
    W1 = jax.random.uniform(ks[3], (D, H), dtype=jnp.float32, minval=-s1, maxval=s1)
    b1 = jnp.zeros((H,), dtype=jnp.float32)
    W2 = jax.random.uniform(ks[4], (H, H), dtype=jnp.float32, minval=-s2, maxval=s2)
    b2 = jnp.zeros((H,), dtype=jnp.float32)
    p_weight = jax.random.uniform(ks[5], (H,), dtype=jnp.float32, minval=-s2, maxval=s2)
    lin_w = jax.random.uniform(ks[6], (1, H), dtype=jnp.float32, minval=-s2, maxval=s2)
    lin_b = jax.random.uniform(ks[7], (1,), dtype=jnp.float32, minval=-s2, maxval=s2)
    return {"x": x, "edge_index": edge_index, "batch": batch, "W1": W1, "b1": b1,
            "W2": W2, "b2": b2, "p_weight": p_weight, "lin_w": lin_w, "lin_b": lin_b}


def _topk_pool_indices(score, batch, src, dst):
    counts = jax.ops.segment_sum(jnp.ones((N,), dtype=jnp.int32), batch,
                                 num_segments=NUM_GRAPHS)
    k = jnp.ceil(RATIO * counts.astype(jnp.float32)).astype(jnp.int32)
    idx = jnp.arange(N, dtype=jnp.int32)
    order = jnp.lexsort((idx, -score, batch)).astype(jnp.int32)
    sb = batch[order]
    starts = jnp.cumsum(counts) - counts
    rank = idx - starts[sb].astype(jnp.int32)
    keep_sorted = rank < k[sb]
    newpos = jnp.cumsum(keep_sorted.astype(jnp.int32)) - 1
    n_new = jnp.sum(keep_sorted.astype(jnp.int32))
    tgt = jnp.where(keep_sorted, newpos, N)
    perm = jnp.zeros((N,), dtype=jnp.int32).at[tgt].set(order, mode='drop')
    remap = jnp.full((N,), -1, dtype=jnp.int32).at[order].set(
        jnp.where(keep_sorted, newpos, -1))
    keep_e = (remap[src] >= 0) & (remap[dst] >= 0)
    src_p = jnp.where(keep_e, remap[src], N).astype(jnp.int32)
    dst_p = jnp.where(keep_e, remap[dst], N).astype(jnp.int32)
    valid = idx < n_new
    return perm, src_p, dst_p, valid


def reference(x, edge_index, batch, W1, b1, W2, b2, p_weight, lin_w, lin_b):
    src, dst = edge_index[0], edge_index[1]
    x1 = gcn_conv(x, src, dst, W1, b1, N)
    # NOTE: original code calls x_l1.relu() without assignment -> no-op; kept faithful.
    score = jnp.tanh((x1 @ p_weight) / jnp.linalg.norm(p_weight))
    perm, src_p, dst_p, valid = _topk_pool_indices(score, batch, src, dst)
    x_p = x1[perm] * score[perm][:, None]
    x_p = jnp.where(valid[:, None], x_p, 0.0)
    x_p_pad = jnp.concatenate([x_p, jnp.zeros((1, H), dtype=x_p.dtype)])
    x2 = gcn_conv(x_p_pad, src_p, dst_p, W2, b2, N + 1)[:N]
    x2 = jnp.where(valid[:, None], x2, 0.0)
    batch_p = jnp.where(valid, batch[perm], NUM_GRAPHS)
    pooled = jax.ops.segment_sum(x2, batch_p, num_segments=NUM_GRAPHS)
    out = pooled @ lin_w.T + lin_b
    return out

if __name__ == "__main__":
    import jax
    _d = setup_inputs()
    print(jax.jit(kernel)(*tuple(_d.values())))

</pallas_src>

<mosaic_0001>
#map = affine_map<(d0, d1) -> (0)>
#map1 = affine_map<(d0, d1) -> (0, 0)>
module attributes {stable_mosaic.version = 14 : i64} {
  func.func @_deg_body(%arg0: i32, %arg1: i32, %arg2: memref<320000xi32, #tpu.memory_space<hbm>>, %arg3: memref<2x10240xf32, #tpu.memory_space<hbm>>, %arg4: memref<200xi32, #tpu.memory_space<vmem>>, %arg5: memref<200xf32, #tpu.memory_space<vmem>>, %arg6: memref<640xf32, #tpu.memory_space<vmem>>, %arg7: memref<10240xf32, #tpu.memory_space<vmem_shared>>) attributes {dimension_semantics = [#tpu.dimension_semantics<core_parallel>, #tpu.dimension_semantics<subcore_parallel>], iteration_bounds = array<i64: 2, 16>, scalar_prefetch = 0 : i64, scratch_operands = 4 : i64, tpu.core_type = #tpu.core_type<sc_vector_subcore>, window_params = [{transform_indices = #map}, {transform_indices = #map1}]} {
    %mul3A = arith.constant 16 : i32
    %mul3A_0 = arith.muli %arg0, %mul3A : i32
    %add3A = arith.addi %mul3A_0, %arg1 : i32
    %scan3A = arith.constant 0 : i32
    %scan3A_1 = arith.constant 0 : i32
    %scan3A_2 = arith.constant 40 : i32
    %scan3A_3 = arith.addi %scan3A_1, %scan3A_2 : i32
    %scan3A_4 = arith.constant 1 : i32
    %scan3A_5 = scf.for %scan3A_28 = %scan3A_1 to %scan3A_3 step %scan3A_4 iter_args(%scan3A_29 = %scan3A) -> (i32)  : i32 {
      %broadcast_in_dim3A = arith.constant 0.000000e+00 : f32
      %broadcast_in_dim3A_30 = vector.broadcast %broadcast_in_dim3A : f32 to vector<16xf32>
      %mul3A_31 = arith.constant 16 : i32
      %mul3A_32 = arith.muli %scan3A_28, %mul3A_31 : i32
      %min3A = arith.constant 624 : i32
      %min3A_33 = arith.minsi %mul3A_32, %min3A : i32
      %swap3A = arith.index_cast %min3A_33 : i32 to index
      %swap3A_34 = tpu.vector_load %arg6[%swap3A] {strides = array<i32>} : memref<640xf32, #tpu.memory_space<vmem>>, vector<16xf32>,
      %swap3A_35 = vector.shape_cast %swap3A_34 : vector<16xf32> to vector<16xf32>
      %swap3A_36 = vector.shape_cast %broadcast_in_dim3A_30 : vector<16xf32> to vector<16xf32>
      tpu.vector_store %arg6[%swap3A], %swap3A_36 {strides = array<i32>} : memref<640xf32, #tpu.memory_space<vmem>>, vector<16xf32>,
      %scan3A_37 = arith.constant 0 : i32
      scf.yield %scan3A_37 : i32
    }
    %scan3A_6 = arith.constant 40 : i32
    %mul3A_7 = arith.constant 640 : i32
    %mul3A_8 = arith.muli %arg1, %mul3A_7 : i32
    "tpu.region"() ({
      %run_scoped3A = tpu.sem_alloc : memref<!tpu.dma_semaphore, #tpu.memory_space<semaphore_mem>>
      %dma_start3A = tpu.memref_slice %arg7[%mul3A_8] : memref<10240xf32, #tpu.memory_space<vmem_shared>> -> memref<640xf32, #tpu.memory_space<vmem_shared>>
      %dma_start3A_28 = tpu.memref_slice %arg7[%mul3A_8] : memref<10240xf32, #tpu.memory_space<vmem_shared>> -> memref<640xf32, #tpu.memory_space<vmem_shared>>
      tpu.enqueue_dma source(%arg6 : memref<640xf32, #tpu.memory_space<vmem>>) target(%dma_start3A_28 : memref<640xf32, #tpu.memory_space<vmem_shared>>) target_semaphore(%run_scoped3A : memref<!tpu.dma_semaphore, #tpu.memory_space<semaphore_mem>>)
      %dma_wait3A = tpu.memref_slice %arg7[%mul3A_8] : memref<10240xf32, #tpu.memory_space<vmem_shared>> -> memref<640xf32, #tpu.memory_space<vmem_shared>>
      %dma_wait3A_29 = tpu.memref_slice %arg7[%mul3A_8] : memref<10240xf32, #tpu.memory_space<vmem_shared>> -> memref<640xf32, #tpu.memory_space<vmem_shared>>
      tpu.wait_dma2 semaphore(%run_scoped3A : memref<!tpu.dma_semaphore, #tpu.memory_space<semaphore_mem>>) src(%arg6 : memref<640xf32, #tpu.memory_space<vmem>>) dst(%dma_wait3A_29 : memref<640xf32, #tpu.memory_space<vmem_shared>>)
      tpu.yield
    }) : () -> ()
    %scan3A_9 = arith.constant 0 : i32
    %scan3A_10 = arith.constant 0 : i32
    %scan3A_11 = arith.constant 13 : i32
    %scan3A_12 = arith.addi %scan3A_10, %scan3A_11 : i32
    %scan3A_13 = arith.constant 1 : i32
    %scan3A_14 = scf.for %scan3A_28 = %scan3A_10 to %scan3A_12 step %scan3A_13 iter_args(%scan3A_29 = %scan3A_9) -> (i32)  : i32 {
      %broadcast_in_dim3A = arith.constant 1.000000e+00 : f32
      %broadcast_in_dim3A_30 = vector.broadcast %broadcast_in_dim3A : f32 to vector<16xf32>
      %mul3A_31 = arith.constant 16 : i32
      %mul3A_32 = arith.muli %scan3A_28, %mul3A_31 : i32
      %min3A = arith.constant 184 : i32
      %min3A_33 = arith.minsi %mul3A_32, %min3A : i32
      %swap3A = arith.index_cast %min3A_33 : i32 to index
      %swap3A_34 = tpu.vector_load %arg5[%swap3A] {strides = array<i32>} : memref<200xf32, #tpu.memory_space<vmem>>, vector<16xf32>,
      %swap3A_35 = vector.shape_cast %swap3A_34 : vector<16xf32> to vector<16xf32>
      %swap3A_36 = vector.shape_cast %broadcast_in_dim3A_30 : vector<16xf32> to vector<16xf32>
      tpu.vector_store %arg5[%swap3A], %swap3A_36 {strides = array<i32>} : memref<200xf32, #tpu.memory_space<vmem>>, vector<16xf32>,
      %scan3A_37 = arith.constant 0 : i32
      scf.yield %scan3A_37 : i32
    }
    %scan3A_15 = arith.constant 13 : i32
    %barrier3A = arith.constant 0 : index
    tpu.barrier barrier_id(%barrier3A)
    %scan3A_16 = arith.constant 0 : i32
    %scan3A_17 = arith.constant 0 : i32
    %scan3A_18 = arith.constant 50 : i32
    %scan3A_19 = arith.addi %scan3A_17, %scan3A_18 : i32
    %scan3A_20 = arith.constant 1 : i32
    %scan3A_21 = scf.for %scan3A_28 = %scan3A_17 to %scan3A_19 step %scan3A_20 iter_args(%scan3A_29 = %scan3A_16) -> (i32)  : i32 {
      %mul3A_30 = arith.constant 10000 : i32
      %mul3A_31 = arith.muli %add3A, %mul3A_30 : i32
      %mul3A_32 = arith.constant 200 : i32
      %mul3A_33 = arith.muli %scan3A_28, %mul3A_32 : i32
      %add3A_34 = arith.addi %mul3A_31, %mul3A_33 : i32
      "tpu.region"() ({
        %run_scoped3A = tpu.sem_alloc : memref<!tpu.dma_semaphore, #tpu.memory_space<semaphore_mem>>
        %dma_start3A = tpu.memref_slice %arg2[%add3A_34] : memref<320000xi32, #tpu.memory_space<hbm>> -> memref<200xi32, #tpu.memory_space<hbm>>
        %dma_start3A_36 = tpu.memref_slice %arg2[%add3A_34] : memref<320000xi32, #tpu.memory_space<hbm>> -> memref<200xi32, #tpu.memory_space<hbm>>
        tpu.enqueue_dma source(%dma_start3A_36 : memref<200xi32, #tpu.memory_space<hbm>>) target(%arg4 : memref<200xi32, #tpu.memory_space<vmem>>) target_semaphore(%run_scoped3A : memref<!tpu.dma_semaphore, #tpu.memory_space<semaphore_mem>>)
        %dma_wait3A = tpu.memref_slice %arg2[%add3A_34] : memref<320000xi32, #tpu.memory_space<hbm>> -> memref<200xi32, #tpu.memory_space<hbm>>
        %dma_wait3A_37 = tpu.memref_slice %arg2[%add3A_34] : memref<320000xi32, #tpu.memory_space<hbm>> -> memref<200xi32, #tpu.memory_space<hbm>>
        tpu.wait_dma2 semaphore(%run_scoped3A : memref<!tpu.dma_semaphore, #tpu.memory_space<semaphore_mem>>) src(%dma_wait3A_37 : memref<200xi32, #tpu.memory_space<hbm>>) dst(%arg4 : memref<200xi32, #tpu.memory_space<vmem>>)
        tpu.yield
      }) : () -> ()
      "tpu.region"() ({
        %run_scoped3A = tpu.sem_alloc : memref<!tpu.dma_semaphore, #tpu.memory_space<semaphore_mem>>
        %dma_start3A = arith.constant 0 : i32
        %dma_start3A_36 = tpu.memref_slice %arg7[%dma_start3A] : memref<10240xf32, #tpu.memory_space<vmem_shared>> -> memref<10240xf32, #tpu.memory_space<vmem_shared>>
        tpu.enqueue_indirect_dma source(%arg5 : memref<200xf32, #tpu.memory_space<vmem>>) target(%dma_start3A_36 : memref<10240xf32, #tpu.memory_space<vmem_shared>>) offsets(%arg4 : memref<200xi32, #tpu.memory_space<vmem>>) semaphore(%run_scoped3A : memref<!tpu.dma_semaphore, #tpu.memory_space<semaphore_mem>>) {add = true}
        %dma_wait3A = arith.constant 0 : i32
        %dma_wait3A_37 = tpu.memref_slice %arg7[%dma_wait3A] : memref<10240xf32, #tpu.memory_space<vmem_shared>> -> memref<10240xf32, #tpu.memory_space<vmem_shared>>
        tpu.wait_indirect_dma semaphore(%run_scoped3A : memref<!tpu.dma_semaphore, #tpu.memory_space<semaphore_mem>>) src(%arg5 : memref<200xf32, #tpu.memory_space<vmem>>) dst(%dma_wait3A_37 : memref<10240xf32, #tpu.memory_space<vmem_shared>>)
        tpu.yield
      }) : () -> ()
      %scan3A_35 = arith.constant 0 : i32
      scf.yield %scan3A_35 : i32
    }
    %scan3A_22 = arith.constant 50 : i32
    %barrier3A_23 = arith.constant 0 : index
    tpu.barrier barrier_id(%barrier3A_23)
    %mul3A_24 = arith.constant 640 : i32
    %mul3A_25 = arith.muli %arg1, %mul3A_24 : i32
    "tpu.region"() ({
      %run_scoped3A = tpu.sem_alloc : memref<!tpu.dma_semaphore, #tpu.memory_space<semaphore_mem>>
      %dma_start3A = tpu.memref_slice %arg7[%mul3A_25] : memref<10240xf32, #tpu.memory_space<vmem_shared>> -> memref<640xf32, #tpu.memory_space<vmem_shared>>
      %dma_start3A_28 = tpu.memref_slice %arg7[%mul3A_25] : memref<10240xf32, #tpu.memory_space<vmem_shared>> -> memref<640xf32, #tpu.memory_space<vmem_shared>>
      tpu.enqueue_dma source(%dma_start3A_28 : memref<640xf32, #tpu.memory_space<vmem_shared>>) target(%arg6 : memref<640xf32, #tpu.memory_space<vmem>>) target_semaphore(%run_scoped3A : memref<!tpu.dma_semaphore, #tpu.memory_space<semaphore_mem>>)
      %dma_wait3A = tpu.memref_slice %arg7[%mul3A_25] : memref<10240xf32, #tpu.memory_space<vmem_shared>> -> memref<640xf32, #tpu.memory_space<vmem_shared>>
      %dma_wait3A_29 = tpu.memref_slice %arg7[%mul3A_25] : memref<10240xf32, #tpu.memory_space<vmem_shared>> -> memref<640xf32, #tpu.memory_space<vmem_shared>>
      tpu.wait_dma2 semaphore(%run_scoped3A : memref<!tpu.dma_semaphore, #tpu.memory_space<semaphore_mem>>) src(%dma_wait3A_29 : memref<640xf32, #tpu.memory_space<vmem_shared>>) dst(%arg6 : memref<640xf32, #tpu.memory_space<vmem>>)
      tpu.yield
    }) : () -> ()
    %mul3A_26 = arith.constant 640 : i32
    %mul3A_27 = arith.muli %arg1, %mul3A_26 : i32
    "tpu.region"() ({
      %run_scoped3A = tpu.sem_alloc : memref<!tpu.dma_semaphore, #tpu.memory_space<semaphore_mem>>
      %dma_start3A = tpu.memref_slice %arg3[%arg0, %mul3A_27] : memref<2x10240xf32, #tpu.memory_space<hbm>> -> memref<1x640xf32, #tpu.memory_space<hbm>>
      %dma_start3A_28 = tpu.memref_squeeze %dma_start3A : memref<1x640xf32, #tpu.memory_space<hbm>> -> memref<640xf32, #tpu.memory_space<hbm>>
      %dma_start3A_29 = tpu.memref_slice %arg3[%arg0, %mul3A_27] : memref<2x10240xf32, #tpu.memory_space<hbm>> -> memref<1x640xf32, #tpu.memory_space<hbm>>
      %dma_start3A_30 = tpu.memref_squeeze %dma_start3A_29 : memref<1x640xf32, #tpu.memory_space<hbm>> -> memref<640xf32, #tpu.memory_space<hbm>>
      tpu.enqueue_dma source(%arg6 : memref<640xf32, #tpu.memory_space<vmem>>) target(%dma_start3A_30 : memref<640xf32, #tpu.memory_space<hbm>>) target_semaphore(%run_scoped3A : memref<!tpu.dma_semaphore, #tpu.memory_space<semaphore_mem>>)
      %dma_wait3A = tpu.memref_slice %arg3[%arg0, %mul3A_27] : memref<2x10240xf32, #tpu.memory_space<hbm>> -> memref<1x640xf32, #tpu.memory_space<hbm>>
      %dma_wait3A_31 = tpu.memref_squeeze %dma_wait3A : memref<1x640xf32, #tpu.memory_space<hbm>> -> memref<640xf32, #tpu.memory_space<hbm>>
      %dma_wait3A_32 = tpu.memref_slice %arg3[%arg0, %mul3A_27] : memref<2x10240xf32, #tpu.memory_space<hbm>> -> memref<1x640xf32, #tpu.memory_space<hbm>>
      %dma_wait3A_33 = tpu.memref_squeeze %dma_wait3A_32 : memref<1x640xf32, #tpu.memory_space<hbm>> -> memref<640xf32, #tpu.memory_space<hbm>>
      tpu.wait_dma2 semaphore(%run_scoped3A : memref<!tpu.dma_semaphore, #tpu.memory_space<semaphore_mem>>) src(%arg6 : memref<640xf32, #tpu.memory_space<vmem>>) dst(%dma_wait3A_33 : memref<640xf32, #tpu.memory_space<hbm>>)
      tpu.yield
    }) : () -> ()
    return
  }
}

#map = affine_map<(d0, d1) -> (0)>
#map1 = affine_map<(d0, d1) -> (0, 0)>
module attributes {stable_mosaic.version = 14 : i64} {
  func.func @_rm_body(%arg0: i32, %arg1: i32, %arg2: memref<10240xi32, #tpu.memory_space<hbm>>, %arg3: memref<320000xi32, #tpu.memory_space<hbm>>, %arg4: memref<320000xi32, #tpu.memory_space<hbm>>, %arg5: memref<10240x128xf32, #tpu.memory_space<hbm>>, %arg6: memref<320000xi32, #tpu.memory_space<hbm>>, %arg7: memref<320000xi32, #tpu.memory_space<hbm>>, %arg8: memref<2x10240xf32, #tpu.memory_space<hbm>>, %arg9: memref<10240x128xf32, #tpu.memory_space<hbm>>, %arg10: memref<640xi32, #tpu.memory_space<vmem>>, %arg11: memref<200xi32, #tpu.memory_space<vmem>>, %arg12: memref<200xi32, #tpu.memory_space<vmem>>, %arg13: memref<200xi32, #tpu.memory_space<vmem>>, %arg14: memref<200xi32, #tpu.memory_space<vmem>>, %arg15: memref<200xi32, #tpu.memory_space<vmem>>, %arg16: memref<200xi32, #tpu.memory_space<vmem>>, %arg17: memref<200xf32, #tpu.memory_space<vmem>>, %arg18: memref<640xi32, #tpu.memory_space<vmem>>, %arg19: memref<640xi32, #tpu.memory_space<vmem>>, %arg20: memref<320xi32, #tpu.memory_space<vmem>>, %arg21: memref<320x128xf32, #tpu.memory_space<vmem>>, %arg22: memref<656xi32, #tpu.memory_space<vmem>>, %arg23: memref<640xf32, #tpu.memory_space<vmem>>, %arg24: memref<10496xi32, #tpu.memory_space<vmem_shared>>, %arg25: memref<10240xf32, #tpu.memory_space<vmem_shared>>, %arg26: memref<!tpu.dma_semaphore, #tpu.memory_space<semaphore_mem>>) attributes {dimension_semantics = [#tpu.dimension_semantics<core_parallel>, #tpu.dimension_semantics<subcore_parallel>], iteration_bounds = array<i64: 2, 16>, scalar_prefetch = 0 : i64, scratch_operands = 17 : i64, tpu.core_type = #tpu.core_type<sc_vector_subcore>, window_params = [{transform_indices = #map}, {transform_indices = #map}, {transform_indices = #map}, {transform_indices = #map1}, {transform_indices = #map}, {transform_indices = #map}, {transform_indices = #map1}, {transform_indices = #map1}]} {
    %mul3A = arith.constant 16 : i32
    %mul3A_0 = arith.muli %arg0, %mul3A : i32
    %add3A = arith.addi %mul3A_0, %arg1 : i32
    %mul3A_1 = arith.constant 640 : i32
    %mul3A_2 = arith.muli %arg1, %mul3A_1 : i32
    "tpu.region"() ({
      %run_scoped3A = tpu.sem_alloc : memref<!tpu.dma_semaphore, #tpu.memory_space<semaphore_mem>>
      %dma_start3A_55 = tpu.memref_slice %arg2[%mul3A_2] : memref<10240xi32, #tpu.memory_space<hbm>> -> memref<640xi32, #tpu.memory_space<hbm>>
      %dma_start3A_56 = tpu.memref_slice %arg2[%mul3A_2] : memref<10240xi32, #tpu.memory_space<hbm>> -> memref<640xi32, #tpu.memory_space<hbm>>
      tpu.enqueue_dma source(%dma_start3A_56 : memref<640xi32, #tpu.memory_space<hbm>>) target(%arg10 : memref<640xi32, #tpu.memory_space<vmem>>) target_semaphore(%run_scoped3A : memref<!tpu.dma_semaphore, #tpu.memory_space<semaphore_mem>>)
      %dma_wait3A_57 = tpu.memref_slice %arg2[%mul3A_2] : memref<10240xi32, #tpu.memory_space<hbm>> -> memref<640xi32, #tpu.memory_space<hbm>>
      %dma_wait3A_58 = tpu.memref_slice %arg2[%mul3A_2] : memref<10240xi32, #tpu.memory_space<hbm>> -> memref<640xi32, #tpu.memory_space<hbm>>
      tpu.wait_dma2 semaphore(%run_scoped3A : memref<!tpu.dma_semaphore, #tpu.memory_space<semaphore_mem>>) src(%dma_wait3A_58 : memref<640xi32, #tpu.memory_space<hbm>>) dst(%arg10 : memref<640xi32, #tpu.memory_space<vmem>>)
      tpu.yield
    }) : () -> ()
    %scan3A = arith.constant 0 : i32
    %scan3A_3 = arith.constant 0 : i32
    %scan3A_4 = arith.constant 41 : i32
    %scan3A_5 = arith.addi %scan3A_3, %scan3A_4 : i32
    %scan3A_6 = arith.constant 1 : i32
    %scan3A_7 = scf.for %scan3A_55 = %scan3A_3 to %scan3A_5 step %scan3A_6 iter_args(%scan3A_56 = %scan3A) -> (i32)  : i32 {
      %mul3A_57 = arith.constant 16 : i32
      %mul3A_58 = arith.muli %scan3A_55, %mul3A_57 : i32
      %min3A = arith.constant 640 : i32
      %min3A_59 = arith.minsi %mul3A_58, %min3A : i32
      %mul3A_60 = arith.constant 656 : i32
      %mul3A_61 = arith.muli %arg1, %mul3A_60 : i32
      %add3A_62 = arith.addi %mul3A_61, %min3A_59 : i32
      %iota3A = tpu.iota {dimensions = array<i32: 0>} : vector<16xi32>
      %add3A_63 = vector.broadcast %add3A_62 : i32 to vector<16xi32>
      %add3A_64 = arith.addi %add3A_63, %iota3A : vector<16xi32>
      %and3A = arith.constant 127 : i32
      %and3A_65 = vector.broadcast %and3A : i32 to vector<16xi32>
      %and3A_66 = arith.andi %add3A_64, %and3A_65 : vector<16xi32>
      %add3A_67 = arith.constant 10000 : i32
      %add3A_68 = vector.broadcast %add3A_67 : i32 to vector<16xi32>
      %add3A_69 = arith.addi %add3A_68, %and3A_66 : vector<16xi32>
      %swap3A = arith.index_cast %min3A_59 : i32 to index
      %swap3A_70 = tpu.vector_load %arg22[%swap3A] {strides = array<i32>} : memref<656xi32, #tpu.memory_space<vmem>>, vector<16xi32>,
      %swap3A_71 = vector.shape_cast %swap3A_70 : vector<16xi32> to vector<16xi32>
      %swap3A_72 = vector.shape_cast %add3A_69 : vector<16xi32> to vector<16xi32>
      tpu.vector_store %arg22[%swap3A], %swap3A_72 {strides = array<i32>} : memref<656xi32, #tpu.memory_space<vmem>>, vector<16xi32>,
      %scan3A_73 = arith.constant 0 : i32
      scf.yield %scan3A_73 : i32
    }
    %scan3A_8 = arith.constant 41 : i32
    %mul3A_9 = arith.constant 656 : i32
    %mul3A_10 = arith.muli %arg1, %mul3A_9 : i32
    "tpu.region"() ({
      %run_scoped3A = tpu.sem_alloc : memref<!tpu.dma_semaphore, #tpu.memory_space<semaphore_mem>>
      %dma_start3A_55 = tpu.memref_slice %arg24[%mul3A_10] : memref<10496xi32, #tpu.memory_space<vmem_shared>> -> memref<656xi32, #tpu.memory_space<vmem_shared>>
      %dma_start3A_56 = tpu.memref_slice %arg24[%mul3A_10] : memref<10496xi32, #tpu.memory_space<vmem_shared>> -> memref<656xi32, #tpu.memory_space<vmem_shared>>
      tpu.enqueue_dma source(%arg22 : memref<656xi32, #tpu.memory_space<vmem>>) target(%dma_start3A_56 : memref<656xi32, #tpu.memory_space<vmem_shared>>) target_semaphore(%run_scoped3A : memref<!tpu.dma_semaphore, #tpu.memory_space<semaphore_mem>>)
      %dma_wait3A_57 = tpu.memref_slice %arg24[%mul3A_10] : memref<10496xi32, #tpu.memory_space<vmem_shared>> -> memref<656xi32, #tpu.memory_space<vmem_shared>>
      %dma_wait3A_58 = tpu.memref_slice %arg24[%mul3A_10] : memref<10496xi32, #tpu.memory_space<vmem_shared>> -> memref<656xi32, #tpu.memory_space<vmem_shared>>
      tpu.wait_dma2 semaphore(%run_scoped3A : memref<!tpu.dma_semaphore, #tpu.memory_space<semaphore_mem>>) src(%arg22 : memref<656xi32, #tpu.memory_space<vmem>>) dst(%dma_wait3A_58 : memref<656xi32, #tpu.memory_space<vmem_shared>>)
      tpu.yield
    }) : () -> ()
    %scan3A_11 = arith.constant 0 : i32
    %scan3A_12 = arith.constant 0 : i32
    %scan3A_13 = arith.constant 40 : i32
    %scan3A_14 = arith.addi %scan3A_12, %scan3A_13 : i32
    %scan3A_15 = arith.constant 1 : i32
    %scan3A_16 = scf.for %scan3A_55 = %scan3A_12 to %scan3A_14 step %scan3A_15 iter_args(%scan3A_56 = %scan3A_11) -> (i32)  : i32 {
      %broadcast_in_dim3A = arith.constant 0.000000e+00 : f32
      %broadcast_in_dim3A_57 = vector.broadcast %broadcast_in_dim3A : f32 to vector<16xf32>
      %mul3A_58 = arith.constant 16 : i32
      %mul3A_59 = arith.muli %scan3A_55, %mul3A_58 : i32
      %min3A = arith.constant 624 : i32
      %min3A_60 = arith.minsi %mul3A_59, %min3A : i32
      %swap3A = arith.index_cast %min3A_60 : i32 to index
      %swap3A_61 = tpu.vector_load %arg23[%swap3A] {strides = array<i32>} : memref<640xf32, #tpu.memory_space<vmem>>, vector<16xf32>,
      %swap3A_62 = vector.shape_cast %swap3A_61 : vector<16xf32> to vector<16xf32>
      %swap3A_63 = vector.shape_cast %broadcast_in_dim3A_57 : vector<16xf32> to vector<16xf32>
      tpu.vector_store %arg23[%swap3A], %swap3A_63 {strides = array<i32>} : memref<640xf32, #tpu.memory_space<vmem>>, vector<16xf32>,
      %scan3A_64 = arith.constant 0 : i32
      scf.yield %scan3A_64 : i32
    }
    %scan3A_17 = arith.constant 40 : i32
    %mul3A_18 = arith.constant 640 : i32
    %mul3A_19 = arith.muli %arg1, %mul3A_18 : i32
    "tpu.region"() ({
      %run_scoped3A = tpu.sem_alloc : memref<!tpu.dma_semaphore, #tpu.memory_space<semaphore_mem>>
      %dma_start3A_55 = tpu.memref_slice %arg25[%mul3A_19] : memref<10240xf32, #tpu.memory_space<vmem_shared>> -> memref<640xf32, #tpu.memory_space<vmem_shared>>
      %dma_start3A_56 = tpu.memref_slice %arg25[%mul3A_19] : memref<10240xf32, #tpu.memory_space<vmem_shared>> -> memref<640xf32, #tpu.memory_space<vmem_shared>>
      tpu.enqueue_dma source(%arg23 : memref<640xf32, #tpu.memory_space<vmem>>) target(%dma_start3A_56 : memref<640xf32, #tpu.memory_space<vmem_shared>>) target_semaphore(%run_scoped3A : memref<!tpu.dma_semaphore, #tpu.memory_space<semaphore_mem>>)
      %dma_wait3A_57 = tpu.memref_slice %arg25[%mul3A_19] : memref<10240xf32, #tpu.memory_space<vmem_shared>> -> memref<640xf32, #tpu.memory_space<vmem_shared>>
      %dma_wait3A_58 = tpu.memref_slice %arg25[%mul3A_19] : memref<10240xf32, #tpu.memory_space<vmem_shared>> -> memref<640xf32, #tpu.memory_space<vmem_shared>>
      tpu.wait_dma2 semaphore(%run_scoped3A : memref<!tpu.dma_semaphore, #tpu.memory_space<semaphore_mem>>) src(%arg23 : memref<640xf32, #tpu.memory_space<vmem>>) dst(%dma_wait3A_58 : memref<640xf32, #tpu.memory_space<vmem_shared>>)
      tpu.yield
    }) : () -> ()
    %scan3A_20 = arith.constant 0 : i32
    %scan3A_21 = arith.constant 0 : i32
    %scan3A_22 = arith.constant 13 : i32
    %scan3A_23 = arith.addi %scan3A_21, %scan3A_22 : i32
    %scan3A_24 = arith.constant 1 : i32
    %scan3A_25 = scf.for %scan3A_55 = %scan3A_21 to %scan3A_23 step %scan3A_24 iter_args(%scan3A_56 = %scan3A_20) -> (i32)  : i32 {
      %broadcast_in_dim3A = arith.constant 1.000000e+00 : f32
      %broadcast_in_dim3A_57 = vector.broadcast %broadcast_in_dim3A : f32 to vector<16xf32>
      %mul3A_58 = arith.constant 16 : i32
      %mul3A_59 = arith.muli %scan3A_55, %mul3A_58 : i32
      %min3A = arith.constant 184 : i32
      %min3A_60 = arith.minsi %mul3A_59, %min3A : i32
      %swap3A = arith.index_cast %min3A_60 : i32 to index
      %swap3A_61 = tpu.vector_load %arg17[%swap3A] {strides = array<i32>} : memref<200xf32, #tpu.memory_space<vmem>>, vector<16xf32>,
      %swap3A_62 = vector.shape_cast %swap3A_61 : vector<16xf32> to vector<16xf32>
      %swap3A_63 = vector.shape_cast %broadcast_in_dim3A_57 : vector<16xf32> to vector<16xf32>
      tpu.vector_store %arg17[%swap3A], %swap3A_63 {strides = array<i32>} : memref<200xf32, #tpu.memory_space<vmem>>, vector<16xf32>,
      %scan3A_64 = arith.constant 0 : i32
      scf.yield %scan3A_64 : i32
    }
    %scan3A_26 = arith.constant 13 : i32
    %barrier3A = arith.constant 0 : index
    tpu.barrier barrier_id(%barrier3A)
    %mul3A_27 = arith.constant 640 : i32
    %mul3A_28 = arith.muli %arg1, %mul3A_27 : i32
    %scan3A_29 = arith.constant 0 : i32
    %scan3A_30 = arith.constant 0 : i32
    %scan3A_31 = arith.constant 40 : i32
    %scan3A_32 = arith.addi %scan3A_30, %scan3A_31 : i32
    %scan3A_33 = arith.constant 1 : i32
    %scan3A_34 = scf.for %scan3A_55 = %scan3A_30 to %scan3A_32 step %scan3A_33 iter_args(%scan3A_56 = %scan3A_29) -> (i32)  : i32 {
      %mul3A_57 = arith.constant 16 : i32
      %mul3A_58 = arith.muli %scan3A_55, %mul3A_57 : i32
      %add3A_59 = arith.addi %mul3A_28, %mul3A_58 : i32
      %iota3A = tpu.iota {dimensions = array<i32: 0>} : vector<16xi32>
      %add3A_60 = vector.broadcast %add3A_59 : i32 to vector<16xi32>
      %add3A_61 = arith.addi %add3A_60, %iota3A : vector<16xi32>
      %mul3A_62 = arith.constant 16 : i32
      %mul3A_63 = arith.muli %scan3A_55, %mul3A_62 : i32
      %get3A = arith.index_cast %mul3A_63 : i32 to index
      %get3A_64 = tpu.vector_load %arg10[%get3A] {strides = array<i32>} : memref<640xi32, #tpu.memory_space<vmem>>, vector<16xi32>,
      %get3A_65 = vector.shape_cast %get3A_64 : vector<16xi32> to vector<16xi32>
      %lt3A = arith.constant 0 : i32
      %lt3A_66 = vector.broadcast %lt3A : i32 to vector<16xi32>
      %lt3A_67 = arith.cmpi slt, %get3A_65, %lt3A_66 : vector<16xi32>
      %and3A = arith.constant 255 : i32
      %and3A_68 = vector.broadcast %and3A : i32 to vector<16xi32>
      %and3A_69 = arith.andi %add3A_61, %and3A_68 : vector<16xi32>
      %add3A_70 = arith.constant 10240 : i32
      %add3A_71 = vector.broadcast %add3A_70 : i32 to vector<16xi32>
      %add3A_72 = arith.addi %add3A_71, %and3A_69 : vector<16xi32>
      %select_n3A = arith.select %lt3A_67, %add3A_72, %get3A_65 : vector<16xi1>, vector<16xi32>
      %mul3A_73 = arith.constant 16 : i32
      %mul3A_74 = arith.muli %scan3A_55, %mul3A_73 : i32
      %swap3A = arith.index_cast %mul3A_74 : i32 to index
      %swap3A_75 = tpu.vector_load %arg18[%swap3A] {strides = array<i32>} : memref<640xi32, #tpu.memory_space<vmem>>, vector<16xi32>,
      %swap3A_76 = vector.shape_cast %swap3A_75 : vector<16xi32> to vector<16xi32>
      %swap3A_77 = vector.shape_cast %add3A_61 : vector<16xi32> to vector<16xi32>
      tpu.vector_store %arg18[%swap3A], %swap3A_77 {strides = array<i32>} : memref<640xi32, #tpu.memory_space<vmem>>, vector<16xi32>,
      %mul3A_78 = arith.constant 16 : i32
      %mul3A_79 = arith.muli %scan3A_55, %mul3A_78 : i32
      %swap3A_80 = arith.index_cast %mul3A_79 : i32 to index
      %swap3A_81 = tpu.vector_load %arg19[%swap3A_80] {strides = array<i32>} : memref<640xi32, #tpu.memory_space<vmem>>, vector<16xi32>,
      %swap3A_82 = vector.shape_cast %swap3A_81 : vector<16xi32> to vector<16xi32>
      %swap3A_83 = vector.shape_cast %select_n3A : vector<16xi32> to vector<16xi32>
      tpu.vector_store %arg19[%swap3A_80], %swap3A_83 {strides = array<i32>} : memref<640xi32, #tpu.memory_space<vmem>>, vector<16xi32>,
      %scan3A_84 = arith.constant 0 : i32
      scf.yield %scan3A_84 : i32
    }
    %scan3A_35 = arith.constant 40 : i32
    "tpu.region"() ({
      %run_scoped3A = tpu.sem_alloc : memref<!tpu.dma_semaphore, #tpu.memory_space<semaphore_mem>>
      %dma_start3A_55 = arith.constant 0 : i32
      %dma_start3A_56 = tpu.memref_slice %arg24[%dma_start3A_55] : memref<10496xi32, #tpu.memory_space<vmem_shared>> -> memref<10496xi32, #tpu.memory_space<vmem_shared>>
      tpu.enqueue_indirect_dma source(%arg18 : memref<640xi32, #tpu.memory_space<vmem>>) target(%dma_start3A_56 : memref<10496xi32, #tpu.memory_space<vmem_shared>>) offsets(%arg19 : memref<640xi32, #tpu.memory_space<vmem>>) semaphore(%run_scoped3A : memref<!tpu.dma_semaphore, #tpu.memory_space<semaphore_mem>>)
      %dma_wait3A_57 = arith.constant 0 : i32
      %dma_wait3A_58 = tpu.memref_slice %arg24[%dma_wait3A_57] : memref<10496xi32, #tpu.memory_space<vmem_shared>> -> memref<10496xi32, #tpu.memory_space<vmem_shared>>
      tpu.wait_indirect_dma semaphore(%run_scoped3A : memref<!tpu.dma_semaphore, #tpu.memory_space<semaphore_mem>>) src(%arg18 : memref<640xi32, #tpu.memory_space<vmem>>) dst(%dma_wait3A_58 : memref<10496xi32, #tpu.memory_space<vmem_shared>>)
      tpu.yield
    }) : () -> ()
    %barrier3A_36 = arith.constant 0 : index
    tpu.barrier barrier_id(%barrier3A_36)
    %mul3A_37 = arith.constant 320 : i32
    %mul3A_38 = arith.muli %add3A, %mul3A_37 : i32
    "tpu.region"() ({
      %run_scoped3A = tpu.sem_alloc : memref<!tpu.dma_semaphore, #tpu.memory_space<semaphore_mem>>
      %dma_start3A_55 = tpu.memref_slice %arg24[%mul3A_38] : memref<10496xi32, #tpu.memory_space<vmem_shared>> -> memref<320xi32, #tpu.memory_space<vmem_shared>>
      %dma_start3A_56 = tpu.memref_slice %arg24[%mul3A_38] : memref<10496xi32, #tpu.memory_space<vmem_shared>> -> memref<320xi32, #tpu.memory_space<vmem_shared>>
      tpu.enqueue_dma source(%dma_start3A_56 : memref<320xi32, #tpu.memory_space<vmem_shared>>) target(%arg20 : memref<320xi32, #tpu.memory_space<vmem>>) target_semaphore(%run_scoped3A : memref<!tpu.dma_semaphore, #tpu.memory_space<semaphore_mem>>)
      %dma_wait3A_57 = tpu.memref_slice %arg24[%mul3A_38] : memref<10496xi32, #tpu.memory_space<vmem_shared>> -> memref<320xi32, #tpu.memory_space<vmem_shared>>
      %dma_wait3A_58 = tpu.memref_slice %arg24[%mul3A_38] : memref<10496xi32, #tpu.memory_space<vmem_shared>> -> memref<320xi32, #tpu.memory_space<vmem_shared>>
      tpu.wait_dma2 semaphore(%run_scoped3A : memref<!tpu.dma_semaphore, #tpu.memory_space<semaphore_mem>>) src(%dma_wait3A_58 : memref<320xi32, #tpu.memory_space<vmem_shared>>) dst(%arg20 : memref<320xi32, #tpu.memory_space<vmem>>)
      tpu.yield
    }) : () -> ()
    %dma_start3A = arith.constant 0 : i32
    %dma_start3A_39 = arith.constant 0 : i32
    %dma_start3A_40 = tpu.memref_slice %arg5[%dma_start3A, %dma_start3A_39] : memref<10240x128xf32, #tpu.memory_space<hbm>> -> memref<10240x128xf32, #tpu.memory_space<hbm>>
    tpu.enqueue_indirect_dma source(%dma_start3A_40 : memref<10240x128xf32, #tpu.memory_space<hbm>>) target(%arg21 : memref<320x128xf32, #tpu.memory_space<vmem>>) offsets(%arg20 : memref<320xi32, #tpu.memory_space<vmem>>) semaphore(%arg26 : memref<!tpu.dma_semaphore, #tpu.memory_space<semaphore_mem>>)
    %dma_wait3A = arith.constant 0 : i32
    %dma_wait3A_41 = arith.constant 0 : i32
    %dma_wait3A_42 = tpu.memref_slice %arg5[%dma_wait3A, %dma_wait3A_41] : memref<10240x128xf32, #tpu.memory_space<hbm>> -> memref<10240x128xf32, #tpu.memory_space<hbm>>
    tpu.wait_indirect_dma semaphore(%arg26 : memref<!tpu.dma_semaphore, #tpu.memory_space<semaphore_mem>>) src(%dma_wait3A_42 : memref<10240x128xf32, #tpu.memory_space<hbm>>) dst(%arg21 : memref<320x128xf32, #tpu.memory_space<vmem>>)
    "tpu.region"() ({
      %run_scoped3A = tpu.sem_alloc : memref<!tpu.dma_semaphore, #tpu.memory_space<semaphore_mem>>
      %dma_start3A_55 = arith.constant 0 : i32
      %dma_start3A_56 = tpu.memref_slice %arg9[%mul3A_38, %dma_start3A_55] : memref<10240x128xf32, #tpu.memory_space<hbm>> -> memref<320x128xf32, #tpu.memory_space<hbm>>
      %dma_start3A_57 = arith.constant 0 : i32
      %dma_start3A_58 = tpu.memref_slice %arg9[%mul3A_38, %dma_start3A_57] : memref<10240x128xf32, #tpu.memory_space<hbm>> -> memref<320x128xf32, #tpu.memory_space<hbm>>
      tpu.enqueue_dma source(%arg21 : memref<320x128xf32, #tpu.memory_space<vmem>>) target(%dma_start3A_58 : memref<320x128xf32, #tpu.memory_space<hbm>>) target_semaphore(%run_scoped3A : memref<!tpu.dma_semaphore, #tpu.memory_space<semaphore_mem>>)
      %dma_wait3A_59 = arith.constant 0 : i32
      %dma_wait3A_60 = tpu.memref_slice %arg9[%mul3A_38, %dma_wait3A_59] : memref<10240x128xf32, #tpu.memory_space<hbm>> -> memref<320x128xf32, #tpu.memory_space<hbm>>
      %dma_wait3A_61 = arith.constant 0 : i32
      %dma_wait3A_62 = tpu.memref_slice %arg9[%mul3A_38, %dma_wait3A_61] : memref<10240x128xf32, #tpu.memory_space<hbm>> -> memref<320x128xf32, #tpu.memory_space<hbm>>
      tpu.wait_dma2 semaphore(%run_scoped3A : memref<!tpu.dma_semaphore, #tpu.memory_space<semaphore_mem>>) src(%arg21 : memref<320x128xf32, #tpu.memory_space<vmem>>) dst(%dma_wait3A_62 : memref<320x128xf32, #tpu.memory_space<hbm>>)
      tpu.yield
    }) : () -> ()
    %scan3A_43 = arith.constant 0 : i32
    %scan3A_44 = arith.constant 0 : i32
    %scan3A_45 = arith.constant 50 : i32
    %scan3A_46 = arith.addi %scan3A_44, %scan3A_45 : i32
    %scan3A_47 = arith.constant 1 : i32
    %scan3A_48 = scf.for %scan3A_55 = %scan3A_44 to %scan3A_46 step %scan3A_47 iter_args(%scan3A_56 = %scan3A_43) -> (i32)  : i32 {
      %mul3A_57 = arith.constant 10000 : i32
      %mul3A_58 = arith.muli %add3A, %mul3A_57 : i32
      %mul3A_59 = arith.constant 200 : i32
      %mul3A_60 = arith.muli %scan3A_55, %mul3A_59 : i32
      %add3A_61 = arith.addi %mul3A_58, %mul3A_60 : i32
      "tpu.region"() ({
        %run_scoped3A = tpu.sem_alloc : memref<!tpu.dma_semaphore, #tpu.memory_space<semaphore_mem>>
        %dma_start3A_78 = tpu.memref_slice %arg3[%add3A_61] : memref<320000xi32, #tpu.memory_space<hbm>> -> memref<200xi32, #tpu.memory_space<hbm>>
        %dma_start3A_79 = tpu.memref_slice %arg3[%add3A_61] : memref<320000xi32, #tpu.memory_space<hbm>> -> memref<200xi32, #tpu.memory_space<hbm>>
        tpu.enqueue_dma source(%dma_start3A_79 : memref<200xi32, #tpu.memory_space<hbm>>) target(%arg11 : memref<200xi32, #tpu.memory_space<vmem>>) target_semaphore(%run_scoped3A : memref<!tpu.dma_semaphore, #tpu.memory_space<semaphore_mem>>)
        %dma_wait3A_80 = tpu.memref_slice %arg3[%add3A_61] : memref<320000xi32, #tpu.memory_space<hbm>> -> memref<200xi32, #tpu.memory_space<hbm>>
        %dma_wait3A_81 = tpu.memref_slice %arg3[%add3A_61] : memref<320000xi32, #tpu.memory_space<hbm>> -> memref<200xi32, #tpu.memory_space<hbm>>
        tpu.wait_dma2 semaphore(%run_scoped3A : memref<!tpu.dma_semaphore, #tpu.memory_space<semaphore_mem>>) src(%dma_wait3A_81 : memref<200xi32, #tpu.memory_space<hbm>>) dst(%arg11 : memref<200xi32, #tpu.memory_space<vmem>>)
        tpu.yield
      }) : () -> ()
      "tpu.region"() ({
        %run_scoped3A = tpu.sem_alloc : memref<!tpu.dma_semaphore, #tpu.memory_space<semaphore_mem>>
        %dma_start3A_78 = tpu.memref_slice %arg4[%add3A_61] : memref<320000xi32, #tpu.memory_space<hbm>> -> memref<200xi32, #tpu.memory_space<hbm>>
        %dma_start3A_79 = tpu.memref_slice %arg4[%add3A_61] : memref<320000xi32, #tpu.memory_space<hbm>> -> memref<200xi32, #tpu.memory_space<hbm>>
        tpu.enqueue_dma source(%dma_start3A_79 : memref<200xi32, #tpu.memory_space<hbm>>) target(%arg12 : memref<200xi32, #tpu.memory_space<vmem>>) target_semaphore(%run_scoped3A : memref<!tpu.dma_semaphore, #tpu.memory_space<semaphore_mem>>)
        %dma_wait3A_80 = tpu.memref_slice %arg4[%add3A_61] : memref<320000xi32, #tpu.memory_space<hbm>> -> memref<200xi32, #tpu.memory_space<hbm>>
        %dma_wait3A_81 = tpu.memref_slice %arg4[%add3A_61] : memref<320000xi32, #tpu.memory_space<hbm>> -> memref<200xi32, #tpu.memory_space<hbm>>
        tpu.wait_dma2 semaphore(%run_scoped3A : memref<!tpu.dma_semaphore, #tpu.memory_space<semaphore_mem>>) src(%dma_wait3A_81 : memref<200xi32, #tpu.memory_space<hbm>>) dst(%arg12 : memref<200xi32, #tpu.memory_space<vmem>>)
        tpu.yield
      }) : () -> ()
      %dma_start3A_62 = arith.constant 0 : i32
      %dma_start3A_63 = tpu.memref_slice %arg2[%dma_start3A_62] : memref<10240xi32, #tpu.memory_space<hbm>> -> memref<10240xi32, #tpu.memory_space<hbm>>
      tpu.enqueue_indirect_dma source(%dma_start3A_63 : memref<10240xi32, #tpu.memory_space<hbm>>) target(%arg13 : memref<200xi32, #tpu.memory_space<vmem>>) offsets(%arg11 : memref<200xi32, #tpu.memory_space<vmem>>) semaphore(%arg26 : memref<!tpu.dma_semaphore, #tpu.memory_space<semaphore_mem>>)
      %dma_wait3A_64 = arith.constant 0 : i32
      %dma_wait3A_65 = tpu.memref_slice %arg2[%dma_wait3A_64] : memref<10240xi32, #tpu.memory_space<hbm>> -> memref<10240xi32, #tpu.memory_space<hbm>>
      tpu.wait_indirect_dma semaphore(%arg26 : memref<!tpu.dma_semaphore, #tpu.memory_space<semaphore_mem>>) src(%dma_wait3A_65 : memref<10240xi32, #tpu.memory_space<hbm>>) dst(%arg13 : memref<200xi32, #tpu.memory_space<vmem>>)
      %dma_start3A_66 = arith.constant 0 : i32
      %dma_start3A_67 = tpu.memref_slice %arg2[%dma_start3A_66] : memref<10240xi32, #tpu.memory_space<hbm>> -> memref<10240xi32, #tpu.memory_space<hbm>>
      tpu.enqueue_indirect_dma source(%dma_start3A_67 : memref<10240xi32, #tpu.memory_space<hbm>>) target(%arg14 : memref<200xi32, #tpu.memory_space<vmem>>) offsets(%arg12 : memref<200xi32, #tpu.memory_space<vmem>>) semaphore(%arg26 : memref<!tpu.dma_semaphore, #tpu.memory_space<semaphore_mem>>)
      %dma_wait3A_68 = arith.constant 0 : i32
      %dma_wait3A_69 = tpu.memref_slice %arg2[%dma_wait3A_68] : memref<10240xi32, #tpu.memory_space<hbm>> -> memref<10240xi32, #tpu.memory_space<hbm>>
      tpu.wait_indirect_dma semaphore(%arg26 : memref<!tpu.dma_semaphore, #tpu.memory_space<semaphore_mem>>) src(%dma_wait3A_69 : memref<10240xi32, #tpu.memory_space<hbm>>) dst(%arg14 : memref<200xi32, #tpu.memory_space<vmem>>)
      %scan3A_70 = arith.constant 0 : i32
      %scan3A_71 = arith.constant 0 : i32
      %scan3A_72 = arith.constant 13 : i32
      %scan3A_73 = arith.addi %scan3A_71, %scan3A_72 : i32
      %scan3A_74 = arith.constant 1 : i32
      %scan3A_75 = scf.for %scan3A_78 = %scan3A_71 to %scan3A_73 step %scan3A_74 iter_args(%scan3A_79 = %scan3A_70) -> (i32)  : i32 {
        %mul3A_80 = arith.constant 16 : i32
        %mul3A_81 = arith.muli %scan3A_78, %mul3A_80 : i32
        %min3A = arith.constant 184 : i32
        %min3A_82 = arith.minsi %mul3A_81, %min3A : i32
        %get3A = arith.index_cast %min3A_82 : i32 to index
        %get3A_83 = tpu.vector_load %arg13[%get3A] {strides = array<i32>} : memref<200xi32, #tpu.memory_space<vmem>>, vector<16xi32>,
        %get3A_84 = vector.shape_cast %get3A_83 : vector<16xi32> to vector<16xi32>
        %get3A_85 = arith.index_cast %min3A_82 : i32 to index
        %get3A_86 = tpu.vector_load %arg14[%get3A_85] {strides = array<i32>} : memref<200xi32, #tpu.memory_space<vmem>>, vector<16xi32>,
        %get3A_87 = vector.shape_cast %get3A_86 : vector<16xi32> to vector<16xi32>
        %ge3A = arith.constant 0 : i32
        %ge3A_88 = vector.broadcast %ge3A : i32 to vector<16xi32>
        %ge3A_89 = arith.cmpi sge, %get3A_84, %ge3A_88 : vector<16xi32>
        %ge3A_90 = arith.constant 0 : i32
        %ge3A_91 = vector.broadcast %ge3A_90 : i32 to vector<16xi32>
        %ge3A_92 = arith.cmpi sge, %get3A_87, %ge3A_91 : vector<16xi32>
        %and3A = arith.andi %ge3A_89, %ge3A_92 : vector<16xi1>
        %add3A_93 = arith.addi %add3A_61, %min3A_82 : i32
        %iota3A = tpu.iota {dimensions = array<i32: 0>} : vector<16xi32>
        %add3A_94 = vector.broadcast %add3A_93 : i32 to vector<16xi32>
        %add3A_95 = arith.addi %add3A_94, %iota3A : vector<16xi32>
        %and3A_96 = arith.constant 127 : i32
        %and3A_97 = vector.broadcast %and3A_96 : i32 to vector<16xi32>
        %and3A_98 = arith.andi %add3A_95, %and3A_97 : vector<16xi32>
        %add3A_99 = arith.constant 10000 : i32
        %add3A_100 = vector.broadcast %add3A_99 : i32 to vector<16xi32>
        %add3A_101 = arith.addi %add3A_100, %and3A_98 : vector<16xi32>
        %select_n3A = arith.select %and3A, %get3A_84, %add3A_101 : vector<16xi1>, vector<16xi32>
        %swap3A = arith.index_cast %min3A_82 : i32 to index
        %swap3A_102 = tpu.vector_load %arg15[%swap3A] {strides = array<i32>} : memref<200xi32, #tpu.memory_space<vmem>>, vector<16xi32>,
        %swap3A_103 = vector.shape_cast %swap3A_102 : vector<16xi32> to vector<16xi32>
        %swap3A_104 = vector.shape_cast %select_n3A : vector<16xi32> to vector<16xi32>
        tpu.vector_store %arg15[%swap3A], %swap3A_104 {strides = array<i32>} : memref<200xi32, #tpu.memory_space<vmem>>, vector<16xi32>,
        %select_n3A_105 = arith.select %and3A, %get3A_87, %add3A_101 : vector<16xi1>, vector<16xi32>
        %swap3A_106 = arith.index_cast %min3A_82 : i32 to index
        %swap3A_107 = tpu.vector_load %arg16[%swap3A_106] {strides = array<i32>} : memref<200xi32, #tpu.memory_space<vmem>>, vector<16xi32>,
        %swap3A_108 = vector.shape_cast %swap3A_107 : vector<16xi32> to vector<16xi32>
        %swap3A_109 = vector.shape_cast %select_n3A_105 : vector<16xi32> to vector<16xi32>
        tpu.vector_store %arg16[%swap3A_106], %swap3A_109 {strides = array<i32>} : memref<200xi32, #tpu.memory_space<vmem>>, vector<16xi32>,
        %scan3A_110 = arith.constant 0 : i32
        scf.yield %scan3A_110 : i32
      }
      %scan3A_76 = arith.constant 13 : i32
      "tpu.region"() ({
        %run_scoped3A = tpu.sem_alloc : memref<!tpu.dma_semaphore, #tpu.memory_space<semaphore_mem>>
        %dma_start3A_78 = tpu.memref_slice %arg6[%add3A_61] : memref<320000xi32, #tpu.memory_space<hbm>> -> memref<200xi32, #tpu.memory_space<hbm>>
        %dma_start3A_79 = tpu.memref_slice %arg6[%add3A_61] : memref<320000xi32, #tpu.memory_space<hbm>> -> memref<200xi32, #tpu.memory_space<hbm>>
        tpu.enqueue_dma source(%arg15 : memref<200xi32, #tpu.memory_space<vmem>>) target(%dma_start3A_79 : memref<200xi32, #tpu.memory_space<hbm>>) target_semaphore(%run_scoped3A : memref<!tpu.dma_semaphore, #tpu.memory_space<semaphore_mem>>)
        %dma_wait3A_80 = tpu.memref_slice %arg6[%add3A_61] : memref<320000xi32, #tpu.memory_space<hbm>> -> memref<200xi32, #tpu.memory_space<hbm>>
        %dma_wait3A_81 = tpu.memref_slice %arg6[%add3A_61] : memref<320000xi32, #tpu.memory_space<hbm>> -> memref<200xi32, #tpu.memory_space<hbm>>
        tpu.wait_dma2 semaphore(%run_scoped3A : memref<!tpu.dma_semaphore, #tpu.memory_space<semaphore_mem>>) src(%arg15 : memref<200xi32, #tpu.memory_space<vmem>>) dst(%dma_wait3A_81 : memref<200xi32, #tpu.memory_space<hbm>>)
        tpu.yield
      }) : () -> ()
      "tpu.region"() ({
        %run_scoped3A = tpu.sem_alloc : memref<!tpu.dma_semaphore, #tpu.memory_space<semaphore_mem>>
        %dma_start3A_78 = tpu.memref_slice %arg7[%add3A_61] : memref<320000xi32, #tpu.memory_space<hbm>> -> memref<200xi32, #tpu.memory_space<hbm>>
        %dma_start3A_79 = tpu.memref_slice %arg7[%add3A_61] : memref<320000xi32, #tpu.memory_space<hbm>> -> memref<200xi32, #tpu.memory_space<hbm>>
        tpu.enqueue_dma source(%arg16 : memref<200xi32, #tpu.memory_space<vmem>>) target(%dma_start3A_79 : memref<200xi32, #tpu.memory_space<hbm>>) target_semaphore(%run_scoped3A : memref<!tpu.dma_semaphore, #tpu.memory_space<semaphore_mem>>)
        %dma_wait3A_80 = tpu.memref_slice %arg7[%add3A_61] : memref<320000xi32, #tpu.memory_space<hbm>> -> memref<200xi32, #tpu.memory_space<hbm>>
        %dma_wait3A_81 = tpu.memref_slice %arg7[%add3A_61] : memref<320000xi32, #tpu.memory_space<hbm>> -> memref<200xi32, #tpu.memory_space<hbm>>
        tpu.wait_dma2 semaphore(%run_scoped3A : memref<!tpu.dma_semaphore, #tpu.memory_space<semaphore_mem>>) src(%arg16 : memref<200xi32, #tpu.memory_space<vmem>>) dst(%dma_wait3A_81 : memref<200xi32, #tpu.memory_space<hbm>>)
        tpu.yield
      }) : () -> ()
      "tpu.region"() ({
        %run_scoped3A = tpu.sem_alloc : memref<!tpu.dma_semaphore, #tpu.memory_space<semaphore_mem>>
        %dma_start3A_78 = arith.constant 0 : i32
        %dma_start3A_79 = tpu.memref_slice %arg25[%dma_start3A_78] : memref<10240xf32, #tpu.memory_space<vmem_shared>> -> memref<10240xf32, #tpu.memory_space<vmem_shared>>
        tpu.enqueue_indirect_dma source(%arg17 : memref<200xf32, #tpu.memory_space<vmem>>) target(%dma_start3A_79 : memref<10240xf32, #tpu.memory_space<vmem_shared>>) offsets(%arg16 : memref<200xi32, #tpu.memory_space<vmem>>) semaphore(%run_scoped3A : memref<!tpu.dma_semaphore, #tpu.memory_space<semaphore_mem>>) {add = true}
        %dma_wait3A_80 = arith.constant 0 : i32
        %dma_wait3A_81 = tpu.memref_slice %arg25[%dma_wait3A_80] : memref<10240xf32, #tpu.memory_space<vmem_shared>> -> memref<10240xf32, #tpu.memory_space<vmem_shared>>
        tpu.wait_indirect_dma semaphore(%run_scoped3A : memref<!tpu.dma_semaphore, #tpu.memory_space<semaphore_mem>>) src(%arg17 : memref<200xf32, #tpu.memory_space<vmem>>) dst(%dma_wait3A_81 : memref<10240xf32, #tpu.memory_space<vmem_shared>>)
        tpu.yield
      }) : () -> ()
      %scan3A_77 = arith.constant 0 : i32
      scf.yield %scan3A_77 : i32
    }
    %scan3A_49 = arith.constant 50 : i32
    %barrier3A_50 = arith.constant 0 : index
    tpu.barrier barrier_id(%barrier3A_50)
    %mul3A_51 = arith.constant 640 : i32
    %mul3A_52 = arith.muli %arg1, %mul3A_51 : i32
    "tpu.region"() ({
      %run_scoped3A = tpu.sem_alloc : memref<!tpu.dma_semaphore, #tpu.memory_space<semaphore_mem>>
      %dma_start3A_55 = tpu.memref_slice %arg25[%mul3A_52] : memref<10240xf32, #tpu.memory_space<vmem_shared>> -> memref<640xf32, #tpu.memory_space<vmem_shared>>
      %dma_start3A_56 = tpu.memref_slice %arg25[%mul3A_52] : memref<10240xf32, #tpu.memory_space<vmem_shared>> -> memref<640xf32, #tpu.memory_space<vmem_shared>>
      tpu.enqueue_dma source(%dma_start3A_56 : memref<640xf32, #tpu.memory_space<vmem_shared>>) target(%arg23 : memref<640xf32, #tpu.memory_space<vmem>>) target_semaphore(%run_scoped3A : memref<!tpu.dma_semaphore, #tpu.memory_space<semaphore_mem>>)
      %dma_wait3A_57 = tpu.memref_slice %arg25[%mul3A_52] : memref<10240xf32, #tpu.memory_space<vmem_shared>> -> memref<640xf32, #tpu.memory_space<vmem_shared>>
      %dma_wait3A_58 = tpu.memref_slice %arg25[%mul3A_52] : memref<10240xf32, #tpu.memory_space<vmem_shared>> -> memref<640xf32, #tpu.memory_space<vmem_shared>>
      tpu.wait_dma2 semaphore(%run_scoped3A : memref<!tpu.dma_semaphore, #tpu.memory_space<semaphore_mem>>) src(%dma_wait3A_58 : memref<640xf32, #tpu.memory_space<vmem_shared>>) dst(%arg23 : memref<640xf32, #tpu.memory_space<vmem>>)
      tpu.yield
    }) : () -> ()
    %mul3A_53 = arith.constant 640 : i32
    %mul3A_54 = arith.muli %arg1, %mul3A_53 : i32
    "tpu.region"() ({
      %run_scoped3A = tpu.sem_alloc : memref<!tpu.dma_semaphore, #tpu.memory_space<semaphore_mem>>
      %dma_start3A_55 = tpu.memref_slice %arg8[%arg0, %mul3A_54] : memref<2x10240xf32, #tpu.memory_space<hbm>> -> memref<1x640xf32, #tpu.memory_space<hbm>>
      %dma_start3A_56 = tpu.memref_squeeze %dma_start3A_55 : memref<1x640xf32, #tpu.memory_space<hbm>> -> memref<640xf32, #tpu.memory_space<hbm>>
      %dma_start3A_57 = tpu.memref_slice %arg8[%arg0, %mul3A_54] : memref<2x10240xf32, #tpu.memory_space<hbm>> -> memref<1x640xf32, #tpu.memory_space<hbm>>
      %dma_start3A_58 = tpu.memref_squeeze %dma_start3A_57 : memref<1x640xf32, #tpu.memory_space<hbm>> -> memref<640xf32, #tpu.memory_space<hbm>>
      tpu.enqueue_dma source(%arg23 : memref<640xf32, #tpu.memory_space<vmem>>) target(%dma_start3A_58 : memref<640xf32, #tpu.memory_space<hbm>>) target_semaphore(%run_scoped3A : memref<!tpu.dma_semaphore, #tpu.memory_space<semaphore_mem>>)
      %dma_wait3A_59 = tpu.memref_slice %arg8[%arg0, %mul3A_54] : memref<2x10240xf32, #tpu.memory_space<hbm>> -> memref<1x640xf32, #tpu.memory_space<hbm>>
      %dma_wait3A_60 = tpu.memref_squeeze %dma_wait3A_59 : memref<1x640xf32, #tpu.memory_space<hbm>> -> memref<640xf32, #tpu.memory_space<hbm>>
      %dma_wait3A_61 = tpu.memref_slice %arg8[%arg0, %mul3A_54] : memref<2x10240xf32, #tpu.memory_space<hbm>> -> memref<1x640xf32, #tpu.memory_space<hbm>>
      %dma_wait3A_62 = tpu.memref_squeeze %dma_wait3A_61 : memref<1x640xf32, #tpu.memory_space<hbm>> -> memref<640xf32, #tpu.memory_space<hbm>>
      tpu.wait_dma2 semaphore(%run_scoped3A : memref<!tpu.dma_semaphore, #tpu.memory_space<semaphore_mem>>) src(%arg23 : memref<640xf32, #tpu.memory_space<vmem>>) dst(%dma_wait3A_62 : memref<640xf32, #tpu.memory_space<hbm>>)
      tpu.yield
    }) : () -> ()
    return
  }
}

#map = affine_map<(d0, d1) -> (0, 0)>
#map1 = affine_map<(d0, d1) -> (0)>
#map2 = affine_map<(d0, d1) -> (0, 0, 0)>
module attributes {stable_mosaic.version = 14 : i64} {
  func.func @_mp_body(%arg0: i32, %arg1: i32, %arg2: memref<10240x128xf32, #tpu.memory_space<hbm>>, %arg3: memref<320000xi32, #tpu.memory_space<hbm>>, %arg4: memref<320000xi32, #tpu.memory_space<hbm>>, %arg5: memref<10240x128xf32, #tpu.memory_space<hbm>>, %arg6: memref<2x10240x128xf32, #tpu.memory_space<hbm>>, %arg7: memref<200xi32, #tpu.memory_space<vmem>>, %arg8: memref<200xi32, #tpu.memory_space<vmem>>, %arg9: memref<200x128xf32, #tpu.memory_space<vmem>>, %arg10: memref<10240x128xf32, #tpu.memory_space<vmem_shared>>, %arg11: memref<!tpu.dma_semaphore, #tpu.memory_space<semaphore_mem>>) attributes {dimension_semantics = [#tpu.dimension_semantics<core_parallel>, #tpu.dimension_semantics<subcore_parallel>], iteration_bounds = array<i64: 2, 16>, scalar_prefetch = 0 : i64, scratch_operands = 5 : i64, tpu.core_type = #tpu.core_type<sc_vector_subcore>, window_params = [{transform_indices = #map}, {transform_indices = #map1}, {transform_indices = #map1}, {transform_indices = #map}, {transform_indices = #map2}]} {
    %mul3A = arith.constant 16 : i32
    %mul3A_0 = arith.muli %arg0, %mul3A : i32
    %add3A = arith.addi %mul3A_0, %arg1 : i32
    "tpu.region"() ({
      %run_scoped3A = tpu.sem_alloc : memref<!tpu.dma_semaphore, #tpu.memory_space<semaphore_mem>>
      %dma_start3A = arith.constant 0 : i32
      %dma_start3A_56 = arith.constant 0 : i32
      %dma_start3A_57 = tpu.memref_slice %arg9[%dma_start3A, %dma_start3A_56] : memref<200x128xf32, #tpu.memory_space<vmem>> -> memref<160x128xf32, #tpu.memory_space<vmem>>
      %dma_start3A_58 = arith.constant 0 : i32
      %dma_start3A_59 = arith.constant 0 : i32
      %dma_start3A_60 = tpu.memref_slice %arg5[%dma_start3A_58, %dma_start3A_59] : memref<10240x128xf32, #tpu.memory_space<hbm>> -> memref<160x128xf32, #tpu.memory_space<hbm>>
      %dma_start3A_61 = arith.constant 0 : i32
      %dma_start3A_62 = arith.constant 0 : i32
      %dma_start3A_63 = tpu.memref_slice %arg9[%dma_start3A_61, %dma_start3A_62] : memref<200x128xf32, #tpu.memory_space<vmem>> -> memref<160x128xf32, #tpu.memory_space<vmem>>
      %dma_start3A_64 = arith.constant 0 : i32
      %dma_start3A_65 = arith.constant 0 : i32
      %dma_start3A_66 = tpu.memref_slice %arg5[%dma_start3A_64, %dma_start3A_65] : memref<10240x128xf32, #tpu.memory_space<hbm>> -> memref<160x128xf32, #tpu.memory_space<hbm>>
      tpu.enqueue_dma source(%dma_start3A_66 : memref<160x128xf32, #tpu.memory_space<hbm>>) target(%dma_start3A_63 : memref<160x128xf32, #tpu.memory_space<vmem>>) target_semaphore(%run_scoped3A : memref<!tpu.dma_semaphore, #tpu.memory_space<semaphore_mem>>)
      %dma_wait3A = arith.constant 0 : i32
      %dma_wait3A_67 = arith.constant 0 : i32
      %dma_wait3A_68 = tpu.memref_slice %arg9[%dma_wait3A, %dma_wait3A_67] : memref<200x128xf32, #tpu.memory_space<vmem>> -> memref<160x128xf32, #tpu.memory_space<vmem>>
      %dma_wait3A_69 = arith.constant 0 : i32
      %dma_wait3A_70 = arith.constant 0 : i32
      %dma_wait3A_71 = tpu.memref_slice %arg5[%dma_wait3A_69, %dma_wait3A_70] : memref<10240x128xf32, #tpu.memory_space<hbm>> -> memref<160x128xf32, #tpu.memory_space<hbm>>
      %dma_wait3A_72 = arith.constant 0 : i32
      %dma_wait3A_73 = arith.constant 0 : i32
      %dma_wait3A_74 = tpu.memref_slice %arg9[%dma_wait3A_72, %dma_wait3A_73] : memref<200x128xf32, #tpu.memory_space<vmem>> -> memref<160x128xf32, #tpu.memory_space<vmem>>
      %dma_wait3A_75 = arith.constant 0 : i32
      %dma_wait3A_76 = arith.constant 0 : i32
      %dma_wait3A_77 = tpu.memref_slice %arg5[%dma_wait3A_75, %dma_wait3A_76] : memref<10240x128xf32, #tpu.memory_space<hbm>> -> memref<160x128xf32, #tpu.memory_space<hbm>>
      tpu.wait_dma2 semaphore(%run_scoped3A : memref<!tpu.dma_semaphore, #tpu.memory_space<semaphore_mem>>) src(%dma_wait3A_77 : memref<160x128xf32, #tpu.memory_space<hbm>>) dst(%dma_wait3A_74 : memref<160x128xf32, #tpu.memory_space<vmem>>)
      tpu.yield
    }) : () -> ()
    %mul3A_1 = arith.constant 640 : i32
    %mul3A_2 = arith.muli %arg1, %mul3A_1 : i32
    %add3A_3 = arith.constant 0 : i32
    %add3A_4 = arith.addi %mul3A_2, %add3A_3 : i32
    "tpu.region"() ({
      %run_scoped3A = tpu.sem_alloc : memref<!tpu.dma_semaphore, #tpu.memory_space<semaphore_mem>>
      %dma_start3A = arith.constant 0 : i32
      %dma_start3A_56 = arith.constant 0 : i32
      %dma_start3A_57 = tpu.memref_slice %arg9[%dma_start3A, %dma_start3A_56] : memref<200x128xf32, #tpu.memory_space<vmem>> -> memref<160x128xf32, #tpu.memory_space<vmem>>
      %dma_start3A_58 = arith.constant 0 : i32
      %dma_start3A_59 = tpu.memref_slice %arg10[%add3A_4, %dma_start3A_58] : memref<10240x128xf32, #tpu.memory_space<vmem_shared>> -> memref<160x128xf32, #tpu.memory_space<vmem_shared>>
      %dma_start3A_60 = arith.constant 0 : i32
      %dma_start3A_61 = tpu.memref_slice %arg10[%add3A_4, %dma_start3A_60] : memref<10240x128xf32, #tpu.memory_space<vmem_shared>> -> memref<160x128xf32, #tpu.memory_space<vmem_shared>>
      %dma_start3A_62 = arith.constant 0 : i32
      %dma_start3A_63 = arith.constant 0 : i32
      %dma_start3A_64 = tpu.memref_slice %arg9[%dma_start3A_62, %dma_start3A_63] : memref<200x128xf32, #tpu.memory_space<vmem>> -> memref<160x128xf32, #tpu.memory_space<vmem>>
      tpu.enqueue_dma source(%dma_start3A_64 : memref<160x128xf32, #tpu.memory_space<vmem>>) target(%dma_start3A_61 : memref<160x128xf32, #tpu.memory_space<vmem_shared>>) target_semaphore(%run_scoped3A : memref<!tpu.dma_semaphore, #tpu.memory_space<semaphore_mem>>)
      %dma_wait3A = arith.constant 0 : i32
      %dma_wait3A_65 = arith.constant 0 : i32
      %dma_wait3A_66 = tpu.memref_slice %arg9[%dma_wait3A, %dma_wait3A_65] : memref<200x128xf32, #tpu.memory_space<vmem>> -> memref<160x128xf32, #tpu.memory_space<vmem>>
      %dma_wait3A_67 = arith.constant 0 : i32
      %dma_wait3A_68 = tpu.memref_slice %arg10[%add3A_4, %dma_wait3A_67] : memref<10240x128xf32, #tpu.memory_space<vmem_shared>> -> memref<160x128xf32, #tpu.memory_space<vmem_shared>>
      %dma_wait3A_69 = arith.constant 0 : i32
      %dma_wait3A_70 = tpu.memref_slice %arg10[%add3A_4, %dma_wait3A_69] : memref<10240x128xf32, #tpu.memory_space<vmem_shared>> -> memref<160x128xf32, #tpu.memory_space<vmem_shared>>
      %dma_wait3A_71 = arith.constant 0 : i32
      %dma_wait3A_72 = arith.constant 0 : i32
      %dma_wait3A_73 = tpu.memref_slice %arg9[%dma_wait3A_71, %dma_wait3A_72] : memref<200x128xf32, #tpu.memory_space<vmem>> -> memref<160x128xf32, #tpu.memory_space<vmem>>
      tpu.wait_dma2 semaphore(%run_scoped3A : memref<!tpu.dma_semaphore, #tpu.memory_space<semaphore_mem>>) src(%dma_wait3A_73 : memref<160x128xf32, #tpu.memory_space<vmem>>) dst(%dma_wait3A_70 : memref<160x128xf32, #tpu.memory_space<vmem_shared>>)
      tpu.yield
    }) : () -> ()
    %mul3A_5 = arith.constant 640 : i32
    %mul3A_6 = arith.muli %arg1, %mul3A_5 : i32
    %add3A_7 = arith.constant 160 : i32
    %add3A_8 = arith.addi %mul3A_6, %add3A_7 : i32
    "tpu.region"() ({
      %run_scoped3A = tpu.sem_alloc : memref<!tpu.dma_semaphore, #tpu.memory_space<semaphore_mem>>
      %dma_start3A = arith.constant 0 : i32
      %dma_start3A_56 = arith.constant 0 : i32
      %dma_start3A_57 = tpu.memref_slice %arg9[%dma_start3A, %dma_start3A_56] : memref<200x128xf32, #tpu.memory_space<vmem>> -> memref<160x128xf32, #tpu.memory_space<vmem>>
      %dma_start3A_58 = arith.constant 0 : i32
      %dma_start3A_59 = tpu.memref_slice %arg10[%add3A_8, %dma_start3A_58] : memref<10240x128xf32, #tpu.memory_space<vmem_shared>> -> memref<160x128xf32, #tpu.memory_space<vmem_shared>>
      %dma_start3A_60 = arith.constant 0 : i32
      %dma_start3A_61 = tpu.memref_slice %arg10[%add3A_8, %dma_start3A_60] : memref<10240x128xf32, #tpu.memory_space<vmem_shared>> -> memref<160x128xf32, #tpu.memory_space<vmem_shared>>
      %dma_start3A_62 = arith.constant 0 : i32
      %dma_start3A_63 = arith.constant 0 : i32
      %dma_start3A_64 = tpu.memref_slice %arg9[%dma_start3A_62, %dma_start3A_63] : memref<200x128xf32, #tpu.memory_space<vmem>> -> memref<160x128xf32, #tpu.memory_space<vmem>>
      tpu.enqueue_dma source(%dma_start3A_64 : memref<160x128xf32, #tpu.memory_space<vmem>>) target(%dma_start3A_61 : memref<160x128xf32, #tpu.memory_space<vmem_shared>>) target_semaphore(%run_scoped3A : memref<!tpu.dma_semaphore, #tpu.memory_space<semaphore_mem>>)
      %dma_wait3A = arith.constant 0 : i32
      %dma_wait3A_65 = arith.constant 0 : i32
      %dma_wait3A_66 = tpu.memref_slice %arg9[%dma_wait3A, %dma_wait3A_65] : memref<200x128xf32, #tpu.memory_space<vmem>> -> memref<160x128xf32, #tpu.memory_space<vmem>>
      %dma_wait3A_67 = arith.constant 0 : i32
      %dma_wait3A_68 = tpu.memref_slice %arg10[%add3A_8, %dma_wait3A_67] : memref<10240x128xf32, #tpu.memory_space<vmem_shared>> -> memref<160x128xf32, #tpu.memory_space<vmem_shared>>
      %dma_wait3A_69 = arith.constant 0 : i32
      %dma_wait3A_70 = tpu.memref_slice %arg10[%add3A_8, %dma_wait3A_69] : memref<10240x128xf32, #tpu.memory_space<vmem_shared>> -> memref<160x128xf32, #tpu.memory_space<vmem_shared>>
      %dma_wait3A_71 = arith.constant 0 : i32
      %dma_wait3A_72 = arith.constant 0 : i32
      %dma_wait3A_73 = tpu.memref_slice %arg9[%dma_wait3A_71, %dma_wait3A_72] : memref<200x128xf32, #tpu.memory_space<vmem>> -> memref<160x128xf32, #tpu.memory_space<vmem>>
      tpu.wait_dma2 semaphore(%run_scoped3A : memref<!tpu.dma_semaphore, #tpu.memory_space<semaphore_mem>>) src(%dma_wait3A_73 : memref<160x128xf32, #tpu.memory_space<vmem>>) dst(%dma_wait3A_70 : memref<160x128xf32, #tpu.memory_space<vmem_shared>>)
      tpu.yield
    }) : () -> ()
    %mul3A_9 = arith.constant 640 : i32
    %mul3A_10 = arith.muli %arg1, %mul3A_9 : i32
    %add3A_11 = arith.constant 320 : i32
    %add3A_12 = arith.addi %mul3A_10, %add3A_11 : i32
    "tpu.region"() ({
      %run_scoped3A = tpu.sem_alloc : memref<!tpu.dma_semaphore, #tpu.memory_space<semaphore_mem>>
      %dma_start3A = arith.constant 0 : i32
      %dma_start3A_56 = arith.constant 0 : i32
      %dma_start3A_57 = tpu.memref_slice %arg9[%dma_start3A, %dma_start3A_56] : memref<200x128xf32, #tpu.memory_space<vmem>> -> memref<160x128xf32, #tpu.memory_space<vmem>>
      %dma_start3A_58 = arith.constant 0 : i32
      %dma_start3A_59 = tpu.memref_slice %arg10[%add3A_12, %dma_start3A_58] : memref<10240x128xf32, #tpu.memory_space<vmem_shared>> -> memref<160x128xf32, #tpu.memory_space<vmem_shared>>
      %dma_start3A_60 = arith.constant 0 : i32
      %dma_start3A_61 = tpu.memref_slice %arg10[%add3A_12, %dma_start3A_60] : memref<10240x128xf32, #tpu.memory_space<vmem_shared>> -> memref<160x128xf32, #tpu.memory_space<vmem_shared>>
      %dma_start3A_62 = arith.constant 0 : i32
      %dma_start3A_63 = arith.constant 0 : i32
      %dma_start3A_64 = tpu.memref_slice %arg9[%dma_start3A_62, %dma_start3A_63] : memref<200x128xf32, #tpu.memory_space<vmem>> -> memref<160x128xf32, #tpu.memory_space<vmem>>
      tpu.enqueue_dma source(%dma_start3A_64 : memref<160x128xf32, #tpu.memory_space<vmem>>) target(%dma_start3A_61 : memref<160x128xf32, #tpu.memory_space<vmem_shared>>) target_semaphore(%run_scoped3A : memref<!tpu.dma_semaphore, #tpu.memory_space<semaphore_mem>>)
      %dma_wait3A = arith.constant 0 : i32
      %dma_wait3A_65 = arith.constant 0 : i32
      %dma_wait3A_66 = tpu.memref_slice %arg9[%dma_wait3A, %dma_wait3A_65] : memref<200x128xf32, #tpu.memory_space<vmem>> -> memref<160x128xf32, #tpu.memory_space<vmem>>
      %dma_wait3A_67 = arith.constant 0 : i32
      %dma_wait3A_68 = tpu.memref_slice %arg10[%add3A_12, %dma_wait3A_67] : memref<10240x128xf32, #tpu.memory_space<vmem_shared>> -> memref<160x128xf32, #tpu.memory_space<vmem_shared>>
      %dma_wait3A_69 = arith.constant 0 : i32
      %dma_wait3A_70 = tpu.memref_slice %arg10[%add3A_12, %dma_wait3A_69] : memref<10240x128xf32, #tpu.memory_space<vmem_shared>> -> memref<160x128xf32, #tpu.memory_space<vmem_shared>>
      %dma_wait3A_71 = arith.constant 0 : i32
      %dma_wait3A_72 = arith.constant 0 : i32
      %dma_wait3A_73 = tpu.memref_slice %arg9[%dma_wait3A_71, %dma_wait3A_72] : memref<200x128xf32, #tpu.memory_space<vmem>> -> memref<160x128xf32, #tpu.memory_space<vmem>>
      tpu.wait_dma2 semaphore(%run_scoped3A : memref<!tpu.dma_semaphore, #tpu.memory_space<semaphore_mem>>) src(%dma_wait3A_73 : memref<160x128xf32, #tpu.memory_space<vmem>>) dst(%dma_wait3A_70 : memref<160x128xf32, #tpu.memory_space<vmem_shared>>)
      tpu.yield
    }) : () -> ()
    %mul3A_13 = arith.constant 640 : i32
    %mul3A_14 = arith.muli %arg1, %mul3A_13 : i32
    %add3A_15 = arith.constant 480 : i32
    %add3A_16 = arith.addi %mul3A_14, %add3A_15 : i32
    "tpu.region"() ({
      %run_scoped3A = tpu.sem_alloc : memref<!tpu.dma_semaphore, #tpu.memory_space<semaphore_mem>>
      %dma_start3A = arith.constant 0 : i32
      %dma_start3A_56 = arith.constant 0 : i32
      %dma_start3A_57 = tpu.memref_slice %arg9[%dma_start3A, %dma_start3A_56] : memref<200x128xf32, #tpu.memory_space<vmem>> -> memref<160x128xf32, #tpu.memory_space<vmem>>
      %dma_start3A_58 = arith.constant 0 : i32
      %dma_start3A_59 = tpu.memref_slice %arg10[%add3A_16, %dma_start3A_58] : memref<10240x128xf32, #tpu.memory_space<vmem_shared>> -> memref<160x128xf32, #tpu.memory_space<vmem_shared>>
      %dma_start3A_60 = arith.constant 0 : i32
      %dma_start3A_61 = tpu.memref_slice %arg10[%add3A_16, %dma_start3A_60] : memref<10240x128xf32, #tpu.memory_space<vmem_shared>> -> memref<160x128xf32, #tpu.memory_space<vmem_shared>>
      %dma_start3A_62 = arith.constant 0 : i32
      %dma_start3A_63 = arith.constant 0 : i32
      %dma_start3A_64 = tpu.memref_slice %arg9[%dma_start3A_62, %dma_start3A_63] : memref<200x128xf32, #tpu.memory_space<vmem>> -> memref<160x128xf32, #tpu.memory_space<vmem>>
      tpu.enqueue_dma source(%dma_start3A_64 : memref<160x128xf32, #tpu.memory_space<vmem>>) target(%dma_start3A_61 : memref<160x128xf32, #tpu.memory_space<vmem_shared>>) target_semaphore(%run_scoped3A : memref<!tpu.dma_semaphore, #tpu.memory_space<semaphore_mem>>)
      %dma_wait3A = arith.constant 0 : i32
      %dma_wait3A_65 = arith.constant 0 : i32
      %dma_wait3A_66 = tpu.memref_slice %arg9[%dma_wait3A, %dma_wait3A_65] : memref<200x128xf32, #tpu.memory_space<vmem>> -> memref<160x128xf32, #tpu.memory_space<vmem>>
      %dma_wait3A_67 = arith.constant 0 : i32
      %dma_wait3A_68 = tpu.memref_slice %arg10[%add3A_16, %dma_wait3A_67] : memref<10240x128xf32, #tpu.memory_space<vmem_shared>> -> memref<160x128xf32, #tpu.memory_space<vmem_shared>>
      %dma_wait3A_69 = arith.constant 0 : i32
      %dma_wait3A_70 = tpu.memref_slice %arg10[%add3A_16, %dma_wait3A_69] : memref<10240x128xf32, #tpu.memory_space<vmem_shared>> -> memref<160x128xf32, #tpu.memory_space<vmem_shared>>
      %dma_wait3A_71 = arith.constant 0 : i32
      %dma_wait3A_72 = arith.constant 0 : i32
      %dma_wait3A_73 = tpu.memref_slice %arg9[%dma_wait3A_71, %dma_wait3A_72] : memref<200x128xf32, #tpu.memory_space<vmem>> -> memref<160x128xf32, #tpu.memory_space<vmem>>
      tpu.wait_dma2 semaphore(%run_scoped3A : memref<!tpu.dma_semaphore, #tpu.memory_space<semaphore_mem>>) src(%dma_wait3A_73 : memref<160x128xf32, #tpu.memory_space<vmem>>) dst(%dma_wait3A_70 : memref<160x128xf32, #tpu.memory_space<vmem_shared>>)
      tpu.yield
    }) : () -> ()
    %barrier3A = arith.constant 0 : index
    tpu.barrier barrier_id(%barrier3A)
    %scan3A = arith.constant 0 : i32
    %scan3A_17 = arith.constant 0 : i32
    %scan3A_18 = arith.constant 50 : i32
    %scan3A_19 = arith.addi %scan3A_17, %scan3A_18 : i32
    %scan3A_20 = arith.constant 1 : i32
    %scan3A_21 = scf.for %scan3A_56 = %scan3A_17 to %scan3A_19 step %scan3A_20 iter_args(%scan3A_57 = %scan3A) -> (i32)  : i32 {
      %mul3A_58 = arith.constant 10000 : i32
      %mul3A_59 = arith.muli %add3A, %mul3A_58 : i32
      %mul3A_60 = arith.constant 200 : i32
      %mul3A_61 = arith.muli %scan3A_56, %mul3A_60 : i32
      %add3A_62 = arith.addi %mul3A_59, %mul3A_61 : i32
      "tpu.region"() ({
        %run_scoped3A = tpu.sem_alloc : memref<!tpu.dma_semaphore, #tpu.memory_space<semaphore_mem>>
        %dma_start3A_68 = tpu.memref_slice %arg3[%add3A_62] : memref<320000xi32, #tpu.memory_space<hbm>> -> memref<200xi32, #tpu.memory_space<hbm>>
        %dma_start3A_69 = tpu.memref_slice %arg3[%add3A_62] : memref<320000xi32, #tpu.memory_space<hbm>> -> memref<200xi32, #tpu.memory_space<hbm>>
        tpu.enqueue_dma source(%dma_start3A_69 : memref<200xi32, #tpu.memory_space<hbm>>) target(%arg7 : memref<200xi32, #tpu.memory_space<vmem>>) target_semaphore(%run_scoped3A : memref<!tpu.dma_semaphore, #tpu.memory_space<semaphore_mem>>)
        %dma_wait3A_70 = tpu.memref_slice %arg3[%add3A_62] : memref<320000xi32, #tpu.memory_space<hbm>> -> memref<200xi32, #tpu.memory_space<hbm>>
        %dma_wait3A_71 = tpu.memref_slice %arg3[%add3A_62] : memref<320000xi32, #tpu.memory_space<hbm>> -> memref<200xi32, #tpu.memory_space<hbm>>
        tpu.wait_dma2 semaphore(%run_scoped3A : memref<!tpu.dma_semaphore, #tpu.memory_space<semaphore_mem>>) src(%dma_wait3A_71 : memref<200xi32, #tpu.memory_space<hbm>>) dst(%arg7 : memref<200xi32, #tpu.memory_space<vmem>>)
        tpu.yield
      }) : () -> ()
      "tpu.region"() ({
        %run_scoped3A = tpu.sem_alloc : memref<!tpu.dma_semaphore, #tpu.memory_space<semaphore_mem>>
        %dma_start3A_68 = tpu.memref_slice %arg4[%add3A_62] : memref<320000xi32, #tpu.memory_space<hbm>> -> memref<200xi32, #tpu.memory_space<hbm>>
        %dma_start3A_69 = tpu.memref_slice %arg4[%add3A_62] : memref<320000xi32, #tpu.memory_space<hbm>> -> memref<200xi32, #tpu.memory_space<hbm>>
        tpu.enqueue_dma source(%dma_start3A_69 : memref<200xi32, #tpu.memory_space<hbm>>) target(%arg8 : memref<200xi32, #tpu.memory_space<vmem>>) target_semaphore(%run_scoped3A : memref<!tpu.dma_semaphore, #tpu.memory_space<semaphore_mem>>)
        %dma_wait3A_70 = tpu.memref_slice %arg4[%add3A_62] : memref<320000xi32, #tpu.memory_space<hbm>> -> memref<200xi32, #tpu.memory_space<hbm>>
        %dma_wait3A_71 = tpu.memref_slice %arg4[%add3A_62] : memref<320000xi32, #tpu.memory_space<hbm>> -> memref<200xi32, #tpu.memory_space<hbm>>
        tpu.wait_dma2 semaphore(%run_scoped3A : memref<!tpu.dma_semaphore, #tpu.memory_space<semaphore_mem>>) src(%dma_wait3A_71 : memref<200xi32, #tpu.memory_space<hbm>>) dst(%arg8 : memref<200xi32, #tpu.memory_space<vmem>>)
        tpu.yield
      }) : () -> ()
      %dma_start3A = arith.constant 0 : i32
      %dma_start3A_63 = arith.constant 0 : i32
      %dma_start3A_64 = tpu.memref_slice %arg2[%dma_start3A, %dma_start3A_63] : memref<10240x128xf32, #tpu.memory_space<hbm>> -> memref<10240x128xf32, #tpu.memory_space<hbm>>
      tpu.enqueue_indirect_dma source(%dma_start3A_64 : memref<10240x128xf32, #tpu.memory_space<hbm>>) target(%arg9 : memref<200x128xf32, #tpu.memory_space<vmem>>) offsets(%arg7 : memref<200xi32, #tpu.memory_space<vmem>>) semaphore(%arg11 : memref<!tpu.dma_semaphore, #tpu.memory_space<semaphore_mem>>)
      %dma_wait3A = arith.constant 0 : i32
      %dma_wait3A_65 = arith.constant 0 : i32
      %dma_wait3A_66 = tpu.memref_slice %arg2[%dma_wait3A, %dma_wait3A_65] : memref<10240x128xf32, #tpu.memory_space<hbm>> -> memref<10240x128xf32, #tpu.memory_space<hbm>>
      tpu.wait_indirect_dma semaphore(%arg11 : memref<!tpu.dma_semaphore, #tpu.memory_space<semaphore_mem>>) src(%dma_wait3A_66 : memref<10240x128xf32, #tpu.memory_space<hbm>>) dst(%arg9 : memref<200x128xf32, #tpu.memory_space<vmem>>)
      "tpu.region"() ({
        %run_scoped3A = tpu.sem_alloc : memref<!tpu.dma_semaphore, #tpu.memory_space<semaphore_mem>>
        %dma_start3A_68 = arith.constant 0 : i32
        %dma_start3A_69 = arith.constant 0 : i32
        %dma_start3A_70 = tpu.memref_slice %arg10[%dma_start3A_68, %dma_start3A_69] : memref<10240x128xf32, #tpu.memory_space<vmem_shared>> -> memref<10240x128xf32, #tpu.memory_space<vmem_shared>>
        tpu.enqueue_indirect_dma source(%arg9 : memref<200x128xf32, #tpu.memory_space<vmem>>) target(%dma_start3A_70 : memref<10240x128xf32, #tpu.memory_space<vmem_shared>>) offsets(%arg8 : memref<200xi32, #tpu.memory_space<vmem>>) semaphore(%run_scoped3A : memref<!tpu.dma_semaphore, #tpu.memory_space<semaphore_mem>>) {add = true}
        %dma_wait3A_71 = arith.constant 0 : i32
        %dma_wait3A_72 = arith.constant 0 : i32
        %dma_wait3A_73 = tpu.memref_slice %arg10[%dma_wait3A_71, %dma_wait3A_72] : memref<10240x128xf32, #tpu.memory_space<vmem_shared>> -> memref<10240x128xf32, #tpu.memory_space<vmem_shared>>
        tpu.wait_indirect_dma semaphore(%run_scoped3A : memref<!tpu.dma_semaphore, #tpu.memory_space<semaphore_mem>>) src(%arg9 : memref<200x128xf32, #tpu.memory_space<vmem>>) dst(%dma_wait3A_73 : memref<10240x128xf32, #tpu.memory_space<vmem_shared>>)
        tpu.yield
      }) : () -> ()
      %scan3A_67 = arith.constant 0 : i32
      scf.yield %scan3A_67 : i32
    }
    %scan3A_22 = arith.constant 50 : i32
    %barrier3A_23 = arith.constant 0 : index
    tpu.barrier barrier_id(%barrier3A_23)
    %mul3A_24 = arith.constant 640 : i32
    %mul3A_25 = arith.muli %arg1, %mul3A_24 : i32
    %add3A_26 = arith.constant 0 : i32
    %add3A_27 = arith.addi %mul3A_25, %add3A_26 : i32
    "tpu.region"() ({
      %run_scoped3A = tpu.sem_alloc : memref<!tpu.dma_semaphore, #tpu.memory_space<semaphore_mem>>
      %dma_start3A = arith.constant 0 : i32
      %dma_start3A_56 = arith.constant 0 : i32
      %dma_start3A_57 = tpu.memref_slice %arg9[%dma_start3A, %dma_start3A_56] : memref<200x128xf32, #tpu.memory_space<vmem>> -> memref<160x128xf32, #tpu.memory_space<vmem>>
      %dma_start3A_58 = arith.constant 0 : i32
      %dma_start3A_59 = tpu.memref_slice %arg10[%add3A_27, %dma_start3A_58] : memref<10240x128xf32, #tpu.memory_space<vmem_shared>> -> memref<160x128xf32, #tpu.memory_space<vmem_shared>>
      %dma_start3A_60 = arith.constant 0 : i32
      %dma_start3A_61 = arith.constant 0 : i32
      %dma_start3A_62 = tpu.memref_slice %arg9[%dma_start3A_60, %dma_start3A_61] : memref<200x128xf32, #tpu.memory_space<vmem>> -> memref<160x128xf32, #tpu.memory_space<vmem>>
      %dma_start3A_63 = arith.constant 0 : i32
      %dma_start3A_64 = tpu.memref_slice %arg10[%add3A_27, %dma_start3A_63] : memref<10240x128xf32, #tpu.memory_space<vmem_shared>> -> memref<160x128xf32, #tpu.memory_space<vmem_shared>>
      tpu.enqueue_dma source(%dma_start3A_64 : memref<160x128xf32, #tpu.memory_space<vmem_shared>>) target(%dma_start3A_62 : memref<160x128xf32, #tpu.memory_space<vmem>>) target_semaphore(%run_scoped3A : memref<!tpu.dma_semaphore, #tpu.memory_space<semaphore_mem>>)
      %dma_wait3A = arith.constant 0 : i32
      %dma_wait3A_65 = arith.constant 0 : i32
      %dma_wait3A_66 = tpu.memref_slice %arg9[%dma_wait3A, %dma_wait3A_65] : memref<200x128xf32, #tpu.memory_space<vmem>> -> memref<160x128xf32, #tpu.memory_space<vmem>>
      %dma_wait3A_67 = arith.constant 0 : i32
      %dma_wait3A_68 = tpu.memref_slice %arg10[%add3A_27, %dma_wait3A_67] : memref<10240x128xf32, #tpu.memory_space<vmem_shared>> -> memref<160x128xf32, #tpu.memory_space<vmem_shared>>
      %dma_wait3A_69 = arith.constant 0 : i32
      %dma_wait3A_70 = arith.constant 0 : i32
      %dma_wait3A_71 = tpu.memref_slice %arg9[%dma_wait3A_69, %dma_wait3A_70] : memref<200x128xf32, #tpu.memory_space<vmem>> -> memref<160x128xf32, #tpu.memory_space<vmem>>
      %dma_wait3A_72 = arith.constant 0 : i32
      %dma_wait3A_73 = tpu.memref_slice %arg10[%add3A_27, %dma_wait3A_72] : memref<10240x128xf32, #tpu.memory_space<vmem_shared>> -> memref<160x128xf32, #tpu.memory_space<vmem_shared>>
      tpu.wait_dma2 semaphore(%run_scoped3A : memref<!tpu.dma_semaphore, #tpu.memory_space<semaphore_mem>>) src(%dma_wait3A_73 : memref<160x128xf32, #tpu.memory_space<vmem_shared>>) dst(%dma_wait3A_71 : memref<160x128xf32, #tpu.memory_space<vmem>>)
      tpu.yield
    }) : () -> ()
    %mul3A_28 = arith.constant 640 : i32
    %mul3A_29 = arith.muli %arg1, %mul3A_28 : i32
    %add3A_30 = arith.constant 0 : i32
    %add3A_31 = arith.addi %mul3A_29, %add3A_30 : i32
    "tpu.region"() ({
      %run_scoped3A = tpu.sem_alloc : memref<!tpu.dma_semaphore, #tpu.memory_space<semaphore_mem>>
      %dma_start3A = arith.constant 0 : i32
      %dma_start3A_56 = arith.constant 0 : i32
      %dma_start3A_57 = tpu.memref_slice %arg9[%dma_start3A, %dma_start3A_56] : memref<200x128xf32, #tpu.memory_space<vmem>> -> memref<160x128xf32, #tpu.memory_space<vmem>>
      %dma_start3A_58 = arith.constant 0 : i32
      %dma_start3A_59 = tpu.memref_slice %arg6[%arg0, %add3A_31, %dma_start3A_58] : memref<2x10240x128xf32, #tpu.memory_space<hbm>> -> memref<1x160x128xf32, #tpu.memory_space<hbm>>
      %dma_start3A_60 = tpu.memref_squeeze %dma_start3A_59 : memref<1x160x128xf32, #tpu.memory_space<hbm>> -> memref<160x128xf32, #tpu.memory_space<hbm>>
      %dma_start3A_61 = arith.constant 0 : i32
      %dma_start3A_62 = tpu.memref_slice %arg6[%arg0, %add3A_31, %dma_start3A_61] : memref<2x10240x128xf32, #tpu.memory_space<hbm>> -> memref<1x160x128xf32, #tpu.memory_space<hbm>>
      %dma_start3A_63 = tpu.memref_squeeze %dma_start3A_62 : memref<1x160x128xf32, #tpu.memory_space<hbm>> -> memref<160x128xf32, #tpu.memory_space<hbm>>
      %dma_start3A_64 = arith.constant 0 : i32
      %dma_start3A_65 = arith.constant 0 : i32
      %dma_start3A_66 = tpu.memref_slice %arg9[%dma_start3A_64, %dma_start3A_65] : memref<200x128xf32, #tpu.memory_space<vmem>> -> memref<160x128xf32, #tpu.memory_space<vmem>>
      tpu.enqueue_dma source(%dma_start3A_66 : memref<160x128xf32, #tpu.memory_space<vmem>>) target(%dma_start3A_63 : memref<160x128xf32, #tpu.memory_space<hbm>>) target_semaphore(%run_scoped3A : memref<!tpu.dma_semaphore, #tpu.memory_space<semaphore_mem>>)
      %dma_wait3A = arith.constant 0 : i32
      %dma_wait3A_67 = arith.constant 0 : i32
      %dma_wait3A_68 = tpu.memref_slice %arg9[%dma_wait3A, %dma_wait3A_67] : memref<200x128xf32, #tpu.memory_space<vmem>> -> memref<160x128xf32, #tpu.memory_space<vmem>>
      %dma_wait3A_69 = arith.constant 0 : i32
      %dma_wait3A_70 = tpu.memref_slice %arg6[%arg0, %add3A_31, %dma_wait3A_69] : memref<2x10240x128xf32, #tpu.memory_space<hbm>> -> memref<1x160x128xf32, #tpu.memory_space<hbm>>
      %dma_wait3A_71 = tpu.memref_squeeze %dma_wait3A_70 : memref<1x160x128xf32, #tpu.memory_space<hbm>> -> memref<160x128xf32, #tpu.memory_space<hbm>>
      %dma_wait3A_72 = arith.constant 0 : i32
      %dma_wait3A_73 = tpu.memref_slice %arg6[%arg0, %add3A_31, %dma_wait3A_72] : memref<2x10240x128xf32, #tpu.memory_space<hbm>> -> memref<1x160x128xf32, #tpu.memory_space<hbm>>
      %dma_wait3A_74 = tpu.memref_squeeze %dma_wait3A_73 : memref<1x160x128xf32, #tpu.memory_space<hbm>> -> memref<160x128xf32, #tpu.memory_space<hbm>>
      %dma_wait3A_75 = arith.constant 0 : i32
      %dma_wait3A_76 = arith.constant 0 : i32
      %dma_wait3A_77 = tpu.memref_slice %arg9[%dma_wait3A_75, %dma_wait3A_76] : memref<200x128xf32, #tpu.memory_space<vmem>> -> memref<160x128xf32, #tpu.memory_space<vmem>>
      tpu.wait_dma2 semaphore(%run_scoped3A : memref<!tpu.dma_semaphore, #tpu.memory_space<semaphore_mem>>) src(%dma_wait3A_77 : memref<160x128xf32, #tpu.memory_space<vmem>>) dst(%dma_wait3A_74 : memref<160x128xf32, #tpu.memory_space<hbm>>)
      tpu.yield
    }) : () -> ()
    %mul3A_32 = arith.constant 640 : i32
    %mul3A_33 = arith.muli %arg1, %mul3A_32 : i32
    %add3A_34 = arith.constant 160 : i32
    %add3A_35 = arith.addi %mul3A_33, %add3A_34 : i32
    "tpu.region"() ({
      %run_scoped3A = tpu.sem_alloc : memref<!tpu.dma_semaphore, #tpu.memory_space<semaphore_mem>>
      %dma_start3A = arith.constant 0 : i32
      %dma_start3A_56 = arith.constant 0 : i32
      %dma_start3A_57 = tpu.memref_slice %arg9[%dma_start3A, %dma_start3A_56] : memref<200x128xf32, #tpu.memory_space<vmem>> -> memref<160x128xf32, #tpu.memory_space<vmem>>
      %dma_start3A_58 = arith.constant 0 : i32
      %dma_start3A_59 = tpu.memref_slice %arg10[%add3A_35, %dma_start3A_58] : memref<10240x128xf32, #tpu.memory_space<vmem_shared>> -> memref<160x128xf32, #tpu.memory_space<vmem_shared>>
      %dma_start3A_60 = arith.constant 0 : i32
      %dma_start3A_61 = arith.constant 0 : i32
      %dma_start3A_62 = tpu.memref_slice %arg9[%dma_start3A_60, %dma_start3A_61] : memref<200x128xf32, #tpu.memory_space<vmem>> -> memref<160x128xf32, #tpu.memory_space<vmem>>
      %dma_start3A_63 = arith.constant 0 : i32
      %dma_start3A_64 = tpu.memref_slice %arg10[%add3A_35, %dma_start3A_63] : memref<10240x128xf32, #tpu.memory_space<vmem_shared>> -> memref<160x128xf32, #tpu.memory_space<vmem_shared>>
      tpu.enqueue_dma source(%dma_start3A_64 : memref<160x128xf32, #tpu.memory_space<vmem_shared>>) target(%dma_start3A_62 : memref<160x128xf32, #tpu.memory_space<vmem>>) target_semaphore(%run_scoped3A : memref<!tpu.dma_semaphore, #tpu.memory_space<semaphore_mem>>)
      %dma_wait3A = arith.constant 0 : i32
      %dma_wait3A_65 = arith.constant 0 : i32
      %dma_wait3A_66 = tpu.memref_slice %arg9[%dma_wait3A, %dma_wait3A_65] : memref<200x128xf32, #tpu.memory_space<vmem>> -> memref<160x128xf32, #tpu.memory_space<vmem>>
      %dma_wait3A_67 = arith.constant 0 : i32
      %dma_wait3A_68 = tpu.memref_slice %arg10[%add3A_35, %dma_wait3A_67] : memref<10240x128xf32, #tpu.memory_space<vmem_shared>> -> memref<160x128xf32, #tpu.memory_space<vmem_shared>>
      %dma_wait3A_69 = arith.constant 0 : i32
      %dma_wait3A_70 = arith.constant 0 : i32
      %dma_wait3A_71 = tpu.memref_slice %arg9[%dma_wait3A_69, %dma_wait3A_70] : memref<200x128xf32, #tpu.memory_space<vmem>> -> memref<160x128xf32, #tpu.memory_space<vmem>>
      %dma_wait3A_72 = arith.constant 0 : i32
      %dma_wait3A_73 = tpu.memref_slice %arg10[%add3A_35, %dma_wait3A_72] : memref<10240x128xf32, #tpu.memory_space<vmem_shared>> -> memref<160x128xf32, #tpu.memory_space<vmem_shared>>
      tpu.wait_dma2 semaphore(%run_scoped3A : memref<!tpu.dma_semaphore, #tpu.memory_space<semaphore_mem>>) src(%dma_wait3A_73 : memref<160x128xf32, #tpu.memory_space<vmem_shared>>) dst(%dma_wait3A_71 : memref<160x128xf32, #tpu.memory_space<vmem>>)
      tpu.yield
    }) : () -> ()
    %mul3A_36 = arith.constant 640 : i32
    %mul3A_37 = arith.muli %arg1, %mul3A_36 : i32
    %add3A_38 = arith.constant 160 : i32
    %add3A_39 = arith.addi %mul3A_37, %add3A_38 : i32
    "tpu.region"() ({
      %run_scoped3A = tpu.sem_alloc : memref<!tpu.dma_semaphore, #tpu.memory_space<semaphore_mem>>
      %dma_start3A = arith.constant 0 : i32
      %dma_start3A_56 = arith.constant 0 : i32
      %dma_start3A_57 = tpu.memref_slice %arg9[%dma_start3A, %dma_start3A_56] : memref<200x128xf32, #tpu.memory_space<vmem>> -> memref<160x128xf32, #tpu.memory_space<vmem>>
      %dma_start3A_58 = arith.constant 0 : i32
      %dma_start3A_59 = tpu.memref_slice %arg6[%arg0, %add3A_39, %dma_start3A_58] : memref<2x10240x128xf32, #tpu.memory_space<hbm>> -> memref<1x160x128xf32, #tpu.memory_space<hbm>>
      %dma_start3A_60 = tpu.memref_squeeze %dma_start3A_59 : memref<1x160x128xf32, #tpu.memory_space<hbm>> -> memref<160x128xf32, #tpu.memory_space<hbm>>
      %dma_start3A_61 = arith.constant 0 : i32
      %dma_start3A_62 = tpu.memref_slice %arg6[%arg0, %add3A_39, %dma_start3A_61] : memref<2x10240x128xf32, #tpu.memory_space<hbm>> -> memref<1x160x128xf32, #tpu.memory_space<hbm>>
      %dma_start3A_63 = tpu.memref_squeeze %dma_start3A_62 : memref<1x160x128xf32, #tpu.memory_space<hbm>> -> memref<160x128xf32, #tpu.memory_space<hbm>>
      %dma_start3A_64 = arith.constant 0 : i32
      %dma_start3A_65 = arith.constant 0 : i32
      %dma_start3A_66 = tpu.memref_slice %arg9[%dma_start3A_64, %dma_start3A_65] : memref<200x128xf32, #tpu.memory_space<vmem>> -> memref<160x128xf32, #tpu.memory_space<vmem>>
      tpu.enqueue_dma source(%dma_start3A_66 : memref<160x128xf32, #tpu.memory_space<vmem>>) target(%dma_start3A_63 : memref<160x128xf32, #tpu.memory_space<hbm>>) target_semaphore(%run_scoped3A : memref<!tpu.dma_semaphore, #tpu.memory_space<semaphore_mem>>)
      %dma_wait3A = arith.constant 0 : i32
      %dma_wait3A_67 = arith.constant 0 : i32
      %dma_wait3A_68 = tpu.memref_slice %arg9[%dma_wait3A, %dma_wait3A_67] : memref<200x128xf32, #tpu.memory_space<vmem>> -> memref<160x128xf32, #tpu.memory_space<vmem>>
      %dma_wait3A_69 = arith.constant 0 : i32
      %dma_wait3A_70 = tpu.memref_slice %arg6[%arg0, %add3A_39, %dma_wait3A_69] : memref<2x10240x128xf32, #tpu.memory_space<hbm>> -> memref<1x160x128xf32, #tpu.memory_space<hbm>>
      %dma_wait3A_71 = tpu.memref_squeeze %dma_wait3A_70 : memref<1x160x128xf32, #tpu.memory_space<hbm>> -> memref<160x128xf32, #tpu.memory_space<hbm>>
      %dma_wait3A_72 = arith.constant 0 : i32
      %dma_wait3A_73 = tpu.memref_slice %arg6[%arg0, %add3A_39, %dma_wait3A_72] : memref<2x10240x128xf32, #tpu.memory_space<hbm>> -> memref<1x160x128xf32, #tpu.memory_space<hbm>>
      %dma_wait3A_74 = tpu.memref_squeeze %dma_wait3A_73 : memref<1x160x128xf32, #tpu.memory_space<hbm>> -> memref<160x128xf32, #tpu.memory_space<hbm>>
      %dma_wait3A_75 = arith.constant 0 : i32
      %dma_wait3A_76 = arith.constant 0 : i32
      %dma_wait3A_77 = tpu.memref_slice %arg9[%dma_wait3A_75, %dma_wait3A_76] : memref<200x128xf32, #tpu.memory_space<vmem>> -> memref<160x128xf32, #tpu.memory_space<vmem>>
      tpu.wait_dma2 semaphore(%run_scoped3A : memref<!tpu.dma_semaphore, #tpu.memory_space<semaphore_mem>>) src(%dma_wait3A_77 : memref<160x128xf32, #tpu.memory_space<vmem>>) dst(%dma_wait3A_74 : memref<160x128xf32, #tpu.memory_space<hbm>>)
      tpu.yield
    }) : () -> ()
    %mul3A_40 = arith.constant 640 : i32
    %mul3A_41 = arith.muli %arg1, %mul3A_40 : i32
    %add3A_42 = arith.constant 320 : i32
    %add3A_43 = arith.addi %mul3A_41, %add3A_42 : i32
    "tpu.region"() ({
      %run_scoped3A = tpu.sem_alloc : memref<!tpu.dma_semaphore, #tpu.memory_space<semaphore_mem>>
      %dma_start3A = arith.constant 0 : i32
      %dma_start3A_56 = arith.constant 0 : i32
      %dma_start3A_57 = tpu.memref_slice %arg9[%dma_start3A, %dma_start3A_56] : memref<200x128xf32, #tpu.memory_space<vmem>> -> memref<160x128xf32, #tpu.memory_space<vmem>>
      %dma_start3A_58 = arith.constant 0 : i32
      %dma_start3A_59 = tpu.memref_slice %arg10[%add3A_43, %dma_start3A_58] : memref<10240x128xf32, #tpu.memory_space<vmem_shared>> -> memref<160x128xf32, #tpu.memory_space<vmem_shared>>
      %dma_start3A_60 = arith.constant 0 : i32
      %dma_start3A_61 = arith.constant 0 : i32
      %dma_start3A_62 = tpu.memref_slice %arg9[%dma_start3A_60, %dma_start3A_61] : memref<200x128xf32, #tpu.memory_space<vmem>> -> memref<160x128xf32, #tpu.memory_space<vmem>>
      %dma_start3A_63 = arith.constant 0 : i32
      %dma_start3A_64 = tpu.memref_slice %arg10[%add3A_43, %dma_start3A_63] : memref<10240x128xf32, #tpu.memory_space<vmem_shared>> -> memref<160x128xf32, #tpu.memory_space<vmem_shared>>
      tpu.enqueue_dma source(%dma_start3A_64 : memref<160x128xf32, #tpu.memory_space<vmem_shared>>) target(%dma_start3A_62 : memref<160x128xf32, #tpu.memory_space<vmem>>) target_semaphore(%run_scoped3A : memref<!tpu.dma_semaphore, #tpu.memory_space<semaphore_mem>>)
      %dma_wait3A = arith.constant 0 : i32
      %dma_wait3A_65 = arith.constant 0 : i32
      %dma_wait3A_66 = tpu.memref_slice %arg9[%dma_wait3A, %dma_wait3A_65] : memref<200x128xf32, #tpu.memory_space<vmem>> -> memref<160x128xf32, #tpu.memory_space<vmem>>
      %dma_wait3A_67 = arith.constant 0 : i32
      %dma_wait3A_68 = tpu.memref_slice %arg10[%add3A_43, %dma_wait3A_67] : memref<10240x128xf32, #tpu.memory_space<vmem_shared>> -> memref<160x128xf32, #tpu.memory_space<vmem_shared>>
      %dma_wait3A_69 = arith.constant 0 : i32
      %dma_wait3A_70 = arith.constant 0 : i32
      %dma_wait3A_71 = tpu.memref_slice %arg9[%dma_wait3A_69, %dma_wait3A_70] : memref<200x128xf32, #tpu.memory_space<vmem>> -> memref<160x128xf32, #tpu.memory_space<vmem>>
      %dma_wait3A_72 = arith.constant 0 : i32
      %dma_wait3A_73 = tpu.memref_slice %arg10[%add3A_43, %dma_wait3A_72] : memref<10240x128xf32, #tpu.memory_space<vmem_shared>> -> memref<160x128xf32, #tpu.memory_space<vmem_shared>>
      tpu.wait_dma2 semaphore(%run_scoped3A : memref<!tpu.dma_semaphore, #tpu.memory_space<semaphore_mem>>) src(%dma_wait3A_73 : memref<160x128xf32, #tpu.memory_space<vmem_shared>>) dst(%dma_wait3A_71 : memref<160x128xf32, #tpu.memory_space<vmem>>)
      tpu.yield
    }) : () -> ()
    %mul3A_44 = arith.constant 640 : i32
    %mul3A_45 = arith.muli %arg1, %mul3A_44 : i32
    %add3A_46 = arith.constant 320 : i32
    %add3A_47 = arith.addi %mul3A_45, %add3A_46 : i32
    "tpu.region"() ({
      %run_scoped3A = tpu.sem_alloc : memref<!tpu.dma_semaphore, #tpu.memory_space<semaphore_mem>>
      %dma_start3A = arith.constant 0 : i32
      %dma_start3A_56 = arith.constant 0 : i32
      %dma_start3A_57 = tpu.memref_slice %arg9[%dma_start3A, %dma_start3A_56] : memref<200x128xf32, #tpu.memory_space<vmem>> -> memref<160x128xf32, #tpu.memory_space<vmem>>
      %dma_start3A_58 = arith.constant 0 : i32
      %dma_start3A_59 = tpu.memref_slice %arg6[%arg0, %add3A_47, %dma_start3A_58] : memref<2x10240x128xf32, #tpu.memory_space<hbm>> -> memref<1x160x128xf32, #tpu.memory_space<hbm>>
      %dma_start3A_60 = tpu.memref_squeeze %dma_start3A_59 : memref<1x160x128xf32, #tpu.memory_space<hbm>> -> memref<160x128xf32, #tpu.memory_space<hbm>>
      %dma_start3A_61 = arith.constant 0 : i32
      %dma_start3A_62 = tpu.memref_slice %arg6[%arg0, %add3A_47, %dma_start3A_61] : memref<2x10240x128xf32, #tpu.memory_space<hbm>> -> memref<1x160x128xf32, #tpu.memory_space<hbm>>
      %dma_start3A_63 = tpu.memref_squeeze %dma_start3A_62 : memref<1x160x128xf32, #tpu.memory_space<hbm>> -> memref<160x128xf32, #tpu.memory_space<hbm>>
      %dma_start3A_64 = arith.constant 0 : i32
      %dma_start3A_65 = arith.constant 0 : i32
      %dma_start3A_66 = tpu.memref_slice %arg9[%dma_start3A_64, %dma_start3A_65] : memref<200x128xf32, #tpu.memory_space<vmem>> -> memref<160x128xf32, #tpu.memory_space<vmem>>
      tpu.enqueue_dma source(%dma_start3A_66 : memref<160x128xf32, #tpu.memory_space<vmem>>) target(%dma_start3A_63 : memref<160x128xf32, #tpu.memory_space<hbm>>) target_semaphore(%run_scoped3A : memref<!tpu.dma_semaphore, #tpu.memory_space<semaphore_mem>>)
      %dma_wait3A = arith.constant 0 : i32
      %dma_wait3A_67 = arith.constant 0 : i32
      %dma_wait3A_68 = tpu.memref_slice %arg9[%dma_wait3A, %dma_wait3A_67] : memref<200x128xf32, #tpu.memory_space<vmem>> -> memref<160x128xf32, #tpu.memory_space<vmem>>
      %dma_wait3A_69 = arith.constant 0 : i32
      %dma_wait3A_70 = tpu.memref_slice %arg6[%arg0, %add3A_47, %dma_wait3A_69] : memref<2x10240x128xf32, #tpu.memory_space<hbm>> -> memref<1x160x128xf32, #tpu.memory_space<hbm>>
      %dma_wait3A_71 = tpu.memref_squeeze %dma_wait3A_70 : memref<1x160x128xf32, #tpu.memory_space<hbm>> -> memref<160x128xf32, #tpu.memory_space<hbm>>
      %dma_wait3A_72 = arith.constant 0 : i32
      %dma_wait3A_73 = tpu.memref_slice %arg6[%arg0, %add3A_47, %dma_wait3A_72] : memref<2x10240x128xf32, #tpu.memory_space<hbm>> -> memref<1x160x128xf32, #tpu.memory_space<hbm>>
      %dma_wait3A_74 = tpu.memref_squeeze %dma_wait3A_73 : memref<1x160x128xf32, #tpu.memory_space<hbm>> -> memref<160x128xf32, #tpu.memory_space<hbm>>
      %dma_wait3A_75 = arith.constant 0 : i32
      %dma_wait3A_76 = arith.constant 0 : i32
      %dma_wait3A_77 = tpu.memref_slice %arg9[%dma_wait3A_75, %dma_wait3A_76] : memref<200x128xf32, #tpu.memory_space<vmem>> -> memref<160x128xf32, #tpu.memory_space<vmem>>
      tpu.wait_dma2 semaphore(%run_scoped3A : memref<!tpu.dma_semaphore, #tpu.memory_space<semaphore_mem>>) src(%dma_wait3A_77 : memref<160x128xf32, #tpu.memory_space<vmem>>) dst(%dma_wait3A_74 : memref<160x128xf32, #tpu.memory_space<hbm>>)
      tpu.yield
    }) : () -> ()
    %mul3A_48 = arith.constant 640 : i32
    %mul3A_49 = arith.muli %arg1, %mul3A_48 : i32
    %add3A_50 = arith.constant 480 : i32
    %add3A_51 = arith.addi %mul3A_49, %add3A_50 : i32
    "tpu.region"() ({
      %run_scoped3A = tpu.sem_alloc : memref<!tpu.dma_semaphore, #tpu.memory_space<semaphore_mem>>
      %dma_start3A = arith.constant 0 : i32
      %dma_start3A_56 = arith.constant 0 : i32
      %dma_start3A_57 = tpu.memref_slice %arg9[%dma_start3A, %dma_start3A_56] : memref<200x128xf32, #tpu.memory_space<vmem>> -> memref<160x128xf32, #tpu.memory_space<vmem>>
      %dma_start3A_58 = arith.constant 0 : i32
      %dma_start3A_59 = tpu.memref_slice %arg10[%add3A_51, %dma_start3A_58] : memref<10240x128xf32, #tpu.memory_space<vmem_shared>> -> memref<160x128xf32, #tpu.memory_space<vmem_shared>>
      %dma_start3A_60 = arith.constant 0 : i32
      %dma_start3A_61 = arith.constant 0 : i32
      %dma_start3A_62 = tpu.memref_slice %arg9[%dma_start3A_60, %dma_start3A_61] : memref<200x128xf32, #tpu.memory_space<vmem>> -> memref<160x128xf32, #tpu.memory_space<vmem>>
      %dma_start3A_63 = arith.constant 0 : i32
      %dma_start3A_64 = tpu.memref_slice %arg10[%add3A_51, %dma_start3A_63] : memref<10240x128xf32, #tpu.memory_space<vmem_shared>> -> memref<160x128xf32, #tpu.memory_space<vmem_shared>>
      tpu.enqueue_dma source(%dma_start3A_64 : memref<160x128xf32, #tpu.memory_space<vmem_shared>>) target(%dma_start3A_62 : memref<160x128xf32, #tpu.memory_space<vmem>>) target_semaphore(%run_scoped3A : memref<!tpu.dma_semaphore, #tpu.memory_space<semaphore_mem>>)
      %dma_wait3A = arith.constant 0 : i32
      %dma_wait3A_65 = arith.constant 0 : i32
      %dma_wait3A_66 = tpu.memref_slice %arg9[%dma_wait3A, %dma_wait3A_65] : memref<200x128xf32, #tpu.memory_space<vmem>> -> memref<160x128xf32, #tpu.memory_space<vmem>>
      %dma_wait3A_67 = arith.constant 0 : i32
      %dma_wait3A_68 = tpu.memref_slice %arg10[%add3A_51, %dma_wait3A_67] : memref<10240x128xf32, #tpu.memory_space<vmem_shared>> -> memref<160x128xf32, #tpu.memory_space<vmem_shared>>
      %dma_wait3A_69 = arith.constant 0 : i32
      %dma_wait3A_70 = arith.constant 0 : i32
      %dma_wait3A_71 = tpu.memref_slice %arg9[%dma_wait3A_69, %dma_wait3A_70] : memref<200x128xf32, #tpu.memory_space<vmem>> -> memref<160x128xf32, #tpu.memory_space<vmem>>
      %dma_wait3A_72 = arith.constant 0 : i32
      %dma_wait3A_73 = tpu.memref_slice %arg10[%add3A_51, %dma_wait3A_72] : memref<10240x128xf32, #tpu.memory_space<vmem_shared>> -> memref<160x128xf32, #tpu.memory_space<vmem_shared>>
      tpu.wait_dma2 semaphore(%run_scoped3A : memref<!tpu.dma_semaphore, #tpu.memory_space<semaphore_mem>>) src(%dma_wait3A_73 : memref<160x128xf32, #tpu.memory_space<vmem_shared>>) dst(%dma_wait3A_71 : memref<160x128xf32, #tpu.memory_space<vmem>>)
      tpu.yield
    }) : () -> ()
    %mul3A_52 = arith.constant 640 : i32
    %mul3A_53 = arith.muli %arg1, %mul3A_52 : i32
    %add3A_54 = arith.constant 480 : i32
    %add3A_55 = arith.addi %mul3A_53, %add3A_54 : i32
    "tpu.region"() ({
      %run_scoped3A = tpu.sem_alloc : memref<!tpu.dma_semaphore, #tpu.memory_space<semaphore_mem>>
      %dma_start3A = arith.constant 0 : i32
      %dma_start3A_56 = arith.constant 0 : i32
      %dma_start3A_57 = tpu.memref_slice %arg9[%dma_start3A, %dma_start3A_56] : memref<200x128xf32, #tpu.memory_space<vmem>> -> memref<160x128xf32, #tpu.memory_space<vmem>>
      %dma_start3A_58 = arith.constant 0 : i32
      %dma_start3A_59 = tpu.memref_slice %arg6[%arg0, %add3A_55, %dma_start3A_58] : memref<2x10240x128xf32, #tpu.memory_space<hbm>> -> memref<1x160x128xf32, #tpu.memory_space<hbm>>
      %dma_start3A_60 = tpu.memref_squeeze %dma_start3A_59 : memref<1x160x128xf32, #tpu.memory_space<hbm>> -> memref<160x128xf32, #tpu.memory_space<hbm>>
      %dma_start3A_61 = arith.constant 0 : i32
      %dma_start3A_62 = tpu.memref_slice %arg6[%arg0, %add3A_55, %dma_start3A_61] : memref<2x10240x128xf32, #tpu.memory_space<hbm>> -> memref<1x160x128xf32, #tpu.memory_space<hbm>>
      %dma_start3A_63 = tpu.memref_squeeze %dma_start3A_62 : memref<1x160x128xf32, #tpu.memory_space<hbm>> -> memref<160x128xf32, #tpu.memory_space<hbm>>
      %dma_start3A_64 = arith.constant 0 : i32
      %dma_start3A_65 = arith.constant 0 : i32
      %dma_start3A_66 = tpu.memref_slice %arg9[%dma_start3A_64, %dma_start3A_65] : memref<200x128xf32, #tpu.memory_space<vmem>> -> memref<160x128xf32, #tpu.memory_space<vmem>>
      tpu.enqueue_dma source(%dma_start3A_66 : memref<160x128xf32, #tpu.memory_space<vmem>>) target(%dma_start3A_63 : memref<160x128xf32, #tpu.memory_space<hbm>>) target_semaphore(%run_scoped3A : memref<!tpu.dma_semaphore, #tpu.memory_space<semaphore_mem>>)
      %dma_wait3A = arith.constant 0 : i32
      %dma_wait3A_67 = arith.constant 0 : i32
      %dma_wait3A_68 = tpu.memref_slice %arg9[%dma_wait3A, %dma_wait3A_67] : memref<200x128xf32, #tpu.memory_space<vmem>> -> memref<160x128xf32, #tpu.memory_space<vmem>>
      %dma_wait3A_69 = arith.constant 0 : i32
      %dma_wait3A_70 = tpu.memref_slice %arg6[%arg0, %add3A_55, %dma_wait3A_69] : memref<2x10240x128xf32, #tpu.memory_space<hbm>> -> memref<1x160x128xf32, #tpu.memory_space<hbm>>
      %dma_wait3A_71 = tpu.memref_squeeze %dma_wait3A_70 : memref<1x160x128xf32, #tpu.memory_space<hbm>> -> memref<160x128xf32, #tpu.memory_space<hbm>>
      %dma_wait3A_72 = arith.constant 0 : i32
      %dma_wait3A_73 = tpu.memref_slice %arg6[%arg0, %add3A_55, %dma_wait3A_72] : memref<2x10240x128xf32, #tpu.memory_space<hbm>> -> memref<1x160x128xf32, #tpu.memory_space<hbm>>
      %dma_wait3A_74 = tpu.memref_squeeze %dma_wait3A_73 : memref<1x160x128xf32, #tpu.memory_space<hbm>> -> memref<160x128xf32, #tpu.memory_space<hbm>>
      %dma_wait3A_75 = arith.constant 0 : i32
      %dma_wait3A_76 = arith.constant 0 : i32
      %dma_wait3A_77 = tpu.memref_slice %arg9[%dma_wait3A_75, %dma_wait3A_76] : memref<200x128xf32, #tpu.memory_space<vmem>> -> memref<160x128xf32, #tpu.memory_space<vmem>>
      tpu.wait_dma2 semaphore(%run_scoped3A : memref<!tpu.dma_semaphore, #tpu.memory_space<semaphore_mem>>) src(%dma_wait3A_77 : memref<160x128xf32, #tpu.memory_space<vmem>>) dst(%dma_wait3A_74 : memref<160x128xf32, #tpu.memory_space<hbm>>)
      tpu.yield
    }) : () -> ()
    return
  }
}

#map = affine_map<(d0, d1) -> (0, 0)>
#map1 = affine_map<(d0, d1) -> (0)>
#map2 = affine_map<(d0, d1) -> (0, 0, 0)>
module attributes {stable_mosaic.version = 14 : i64} {
  func.func @_mp_body(%arg0: i32, %arg1: i32, %arg2: memref<10240x128xf32, #tpu.memory_space<hbm>>, %arg3: memref<320000xi32, #tpu.memory_space<hbm>>, %arg4: memref<320000xi32, #tpu.memory_space<hbm>>, %arg5: memref<10240x128xf32, #tpu.memory_space<hbm>>, %arg6: memref<2x10240x128xf32, #tpu.memory_space<hbm>>, %arg7: memref<200xi32, #tpu.memory_space<vmem>>, %arg8: memref<200xi32, #tpu.memory_space<vmem>>, %arg9: memref<200x128xf32, #tpu.memory_space<vmem>>, %arg10: memref<10240x128xf32, #tpu.memory_space<vmem_shared>>, %arg11: memref<!tpu.dma_semaphore, #tpu.memory_space<semaphore_mem>>) attributes {dimension_semantics = [#tpu.dimension_semantics<core_parallel>, #tpu.dimension_semantics<subcore_parallel>], iteration_bounds = array<i64: 2, 16>, scalar_prefetch = 0 : i64, scratch_operands = 5 : i64, tpu.core_type = #tpu.core_type<sc_vector_subcore>, window_params = [{transform_indices = #map}, {transform_indices = #map1}, {transform_indices = #map1}, {transform_indices = #map}, {transform_indices = #map2}]} {
    %mul3A = arith.constant 16 : i32
    %mul3A_0 = arith.muli %arg0, %mul3A : i32
    %add3A = arith.addi %mul3A_0, %arg1 : i32
    "tpu.region"() ({
      %run_scoped3A = tpu.sem_alloc : memref<!tpu.dma_semaphore, #tpu.memory_space<semaphore_mem>>
      %dma_start3A = arith.constant 0 : i32
      %dma_start3A_56 = arith.constant 0 : i32
      %dma_start3A_57 = tpu.memref_slice %arg9[%dma_start3A, %dma_start3A_56] : memref<200x128xf32, #tpu.memory_space<vmem>> -> memref<160x128xf32, #tpu.memory_space<vmem>>
      %dma_start3A_58 = arith.constant 0 : i32
      %dma_start3A_59 = arith.constant 0 : i32
      %dma_start3A_60 = tpu.memref_slice %arg5[%dma_start3A_58, %dma_start3A_59] : memref<10240x128xf32, #tpu.memory_space<hbm>> -> memref<160x128xf32, #tpu.memory_space<hbm>>
      %dma_start3A_61 = arith.constant 0 : i32
      %dma_start3A_62 = arith.constant 0 : i32
      %dma_start3A_63 = tpu.memref_slice %arg9[%dma_start3A_61, %dma_start3A_62] : memref<200x128xf32, #tpu.memory_space<vmem>> -> memref<160x128xf32, #tpu.memory_space<vmem>>
      %dma_start3A_64 = arith.constant 0 : i32
      %dma_start3A_65 = arith.constant 0 : i32
      %dma_start3A_66 = tpu.memref_slice %arg5[%dma_start3A_64, %dma_start3A_65] : memref<10240x128xf32, #tpu.memory_space<hbm>> -> memref<160x128xf32, #tpu.memory_space<hbm>>
      tpu.enqueue_dma source(%dma_start3A_66 : memref<160x128xf32, #tpu.memory_space<hbm>>) target(%dma_start3A_63 : memref<160x128xf32, #tpu.memory_space<vmem>>) target_semaphore(%run_scoped3A : memref<!tpu.dma_semaphore, #tpu.memory_space<semaphore_mem>>)
      %dma_wait3A = arith.constant 0 : i32
      %dma_wait3A_67 = arith.constant 0 : i32
      %dma_wait3A_68 = tpu.memref_slice %arg9[%dma_wait3A, %dma_wait3A_67] : memref<200x128xf32, #tpu.memory_space<vmem>> -> memref<160x128xf32, #tpu.memory_space<vmem>>
      %dma_wait3A_69 = arith.constant 0 : i32
      %dma_wait3A_70 = arith.constant 0 : i32
      %dma_wait3A_71 = tpu.memref_slice %arg5[%dma_wait3A_69, %dma_wait3A_70] : memref<10240x128xf32, #tpu.memory_space<hbm>> -> memref<160x128xf32, #tpu.memory_space<hbm>>
      %dma_wait3A_72 = arith.constant 0 : i32
      %dma_wait3A_73 = arith.constant 0 : i32
      %dma_wait3A_74 = tpu.memref_slice %arg9[%dma_wait3A_72, %dma_wait3A_73] : memref<200x128xf32, #tpu.memory_space<vmem>> -> memref<160x128xf32, #tpu.memory_space<vmem>>
      %dma_wait3A_75 = arith.constant 0 : i32
      %dma_wait3A_76 = arith.constant 0 : i32
      %dma_wait3A_77 = tpu.memref_slice %arg5[%dma_wait3A_75, %dma_wait3A_76] : memref<10240x128xf32, #tpu.memory_space<hbm>> -> memref<160x128xf32, #tpu.memory_space<hbm>>
      tpu.wait_dma2 semaphore(%run_scoped3A : memref<!tpu.dma_semaphore, #tpu.memory_space<semaphore_mem>>) src(%dma_wait3A_77 : memref<160x128xf32, #tpu.memory_space<hbm>>) dst(%dma_wait3A_74 : memref<160x128xf32, #tpu.memory_space<vmem>>)
      tpu.yield
    }) : () -> ()
    %mul3A_1 = arith.constant 640 : i32
    %mul3A_2 = arith.muli %arg1, %mul3A_1 : i32
    %add3A_3 = arith.constant 0 : i32
    %add3A_4 = arith.addi %mul3A_2, %add3A_3 : i32
    "tpu.region"() ({
      %run_scoped3A = tpu.sem_alloc : memref<!tpu.dma_semaphore, #tpu.memory_space<semaphore_mem>>
      %dma_start3A = arith.constant 0 : i32
      %dma_start3A_56 = arith.constant 0 : i32
      %dma_start3A_57 = tpu.memref_slice %arg9[%dma_start3A, %dma_start3A_56] : memref<200x128xf32, #tpu.memory_space<vmem>> -> memref<160x128xf32, #tpu.memory_space<vmem>>
      %dma_start3A_58 = arith.constant 0 : i32
      %dma_start3A_59 = tpu.memref_slice %arg10[%add3A_4, %dma_start3A_58] : memref<10240x128xf32, #tpu.memory_space<vmem_shared>> -> memref<160x128xf32, #tpu.memory_space<vmem_shared>>
      %dma_start3A_60 = arith.constant 0 : i32
      %dma_start3A_61 = tpu.memref_slice %arg10[%add3A_4, %dma_start3A_60] : memref<10240x128xf32, #tpu.memory_space<vmem_shared>> -> memref<160x128xf32, #tpu.memory_space<vmem_shared>>
      %dma_start3A_62 = arith.constant 0 : i32
      %dma_start3A_63 = arith.constant 0 : i32
      %dma_start3A_64 = tpu.memref_slice %arg9[%dma_start3A_62, %dma_start3A_63] : memref<200x128xf32, #tpu.memory_space<vmem>> -> memref<160x128xf32, #tpu.memory_space<vmem>>
      tpu.enqueue_dma source(%dma_start3A_64 : memref<160x128xf32, #tpu.memory_space<vmem>>) target(%dma_start3A_61 : memref<160x128xf32, #tpu.memory_space<vmem_shared>>) target_semaphore(%run_scoped3A : memref<!tpu.dma_semaphore, #tpu.memory_space<semaphore_mem>>)
      %dma_wait3A = arith.constant 0 : i32
      %dma_wait3A_65 = arith.constant 0 : i32
      %dma_wait3A_66 = tpu.memref_slice %arg9[%dma_wait3A, %dma_wait3A_65] : memref<200x128xf32, #tpu.memory_space<vmem>> -> memref<160x128xf32, #tpu.memory_space<vmem>>
      %dma_wait3A_67 = arith.constant 0 : i32
      %dma_wait3A_68 = tpu.memref_slice %arg10[%add3A_4, %dma_wait3A_67] : memref<10240x128xf32, #tpu.memory_space<vmem_shared>> -> memref<160x128xf32, #tpu.memory_space<vmem_shared>>
      %dma_wait3A_69 = arith.constant 0 : i32
      %dma_wait3A_70 = tpu.memref_slice %arg10[%add3A_4, %dma_wait3A_69] : memref<10240x128xf32, #tpu.memory_space<vmem_shared>> -> memref<160x128xf32, #tpu.memory_space<vmem_shared>>
      %dma_wait3A_71 = arith.constant 0 : i32
      %dma_wait3A_72 = arith.constant 0 : i32
      %dma_wait3A_73 = tpu.memref_slice %arg9[%dma_wait3A_71, %dma_wait3A_72] : memref<200x128xf32, #tpu.memory_space<vmem>> -> memref<160x128xf32, #tpu.memory_space<vmem>>
      tpu.wait_dma2 semaphore(%run_scoped3A : memref<!tpu.dma_semaphore, #tpu.memory_space<semaphore_mem>>) src(%dma_wait3A_73 : memref<160x128xf32, #tpu.memory_space<vmem>>) dst(%dma_wait3A_70 : memref<160x128xf32, #tpu.memory_space<vmem_shared>>)
      tpu.yield
    }) : () -> ()
    %mul3A_5 = arith.constant 640 : i32
    %mul3A_6 = arith.muli %arg1, %mul3A_5 : i32
    %add3A_7 = arith.constant 160 : i32
    %add3A_8 = arith.addi %mul3A_6, %add3A_7 : i32
    "tpu.region"() ({
      %run_scoped3A = tpu.sem_alloc : memref<!tpu.dma_semaphore, #tpu.memory_space<semaphore_mem>>
      %dma_start3A = arith.constant 0 : i32
      %dma_start3A_56 = arith.constant 0 : i32
      %dma_start3A_57 = tpu.memref_slice %arg9[%dma_start3A, %dma_start3A_56] : memref<200x128xf32, #tpu.memory_space<vmem>> -> memref<160x128xf32, #tpu.memory_space<vmem>>
      %dma_start3A_58 = arith.constant 0 : i32
      %dma_start3A_59 = tpu.memref_slice %arg10[%add3A_8, %dma_start3A_58] : memref<10240x128xf32, #tpu.memory_space<vmem_shared>> -> memref<160x128xf32, #tpu.memory_space<vmem_shared>>
      %dma_start3A_60 = arith.constant 0 : i32
      %dma_start3A_61 = tpu.memref_slice %arg10[%add3A_8, %dma_start3A_60] : memref<10240x128xf32, #tpu.memory_space<vmem_shared>> -> memref<160x128xf32, #tpu.memory_space<vmem_shared>>
      %dma_start3A_62 = arith.constant 0 : i32
      %dma_start3A_63 = arith.constant 0 : i32
      %dma_start3A_64 = tpu.memref_slice %arg9[%dma_start3A_62, %dma_start3A_63] : memref<200x128xf32, #tpu.memory_space<vmem>> -> memref<160x128xf32, #tpu.memory_space<vmem>>
      tpu.enqueue_dma source(%dma_start3A_64 : memref<160x128xf32, #tpu.memory_space<vmem>>) target(%dma_start3A_61 : memref<160x128xf32, #tpu.memory_space<vmem_shared>>) target_semaphore(%run_scoped3A : memref<!tpu.dma_semaphore, #tpu.memory_space<semaphore_mem>>)
      %dma_wait3A = arith.constant 0 : i32
      %dma_wait3A_65 = arith.constant 0 : i32
      %dma_wait3A_66 = tpu.memref_slice %arg9[%dma_wait3A, %dma_wait3A_65] : memref<200x128xf32, #tpu.memory_space<vmem>> -> memref<160x128xf32, #tpu.memory_space<vmem>>
      %dma_wait3A_67 = arith.constant 0 : i32
      %dma_wait3A_68 = tpu.memref_slice %arg10[%add3A_8, %dma_wait3A_67] : memref<10240x128xf32, #tpu.memory_space<vmem_shared>> -> memref<160x128xf32, #tpu.memory_space<vmem_shared>>
      %dma_wait3A_69 = arith.constant 0 : i32
      %dma_wait3A_70 = tpu.memref_slice %arg10[%add3A_8, %dma_wait3A_69] : memref<10240x128xf32, #tpu.memory_space<vmem_shared>> -> memref<160x128xf32, #tpu.memory_space<vmem_shared>>
      %dma_wait3A_71 = arith.constant 0 : i32
      %dma_wait3A_72 = arith.constant 0 : i32
      %dma_wait3A_73 = tpu.memref_slice %arg9[%dma_wait3A_71, %dma_wait3A_72] : memref<200x128xf32, #tpu.memory_space<vmem>> -> memref<160x128xf32, #tpu.memory_space<vmem>>
      tpu.wait_dma2 semaphore(%run_scoped3A : memref<!tpu.dma_semaphore, #tpu.memory_space<semaphore_mem>>) src(%dma_wait3A_73 : memref<160x128xf32, #tpu.memory_space<vmem>>) dst(%dma_wait3A_70 : memref<160x128xf32, #tpu.memory_space<vmem_shared>>)
      tpu.yield
    }) : () -> ()
    %mul3A_9 = arith.constant 640 : i32
    %mul3A_10 = arith.muli %arg1, %mul3A_9 : i32
    %add3A_11 = arith.constant 320 : i32
    %add3A_12 = arith.addi %mul3A_10, %add3A_11 : i32
    "tpu.region"() ({
      %run_scoped3A = tpu.sem_alloc : memref<!tpu.dma_semaphore, #tpu.memory_space<semaphore_mem>>
      %dma_start3A = arith.constant 0 : i32
      %dma_start3A_56 = arith.constant 0 : i32
      %dma_start3A_57 = tpu.memref_slice %arg9[%dma_start3A, %dma_start3A_56] : memref<200x128xf32, #tpu.memory_space<vmem>> -> memref<160x128xf32, #tpu.memory_space<vmem>>
      %dma_start3A_58 = arith.constant 0 : i32
      %dma_start3A_59 = tpu.memref_slice %arg10[%add3A_12, %dma_start3A_58] : memref<10240x128xf32, #tpu.memory_space<vmem_shared>> -> memref<160x128xf32, #tpu.memory_space<vmem_shared>>
      %dma_start3A_60 = arith.constant 0 : i32
      %dma_start3A_61 = tpu.memref_slice %arg10[%add3A_12, %dma_start3A_60] : memref<10240x128xf32, #tpu.memory_space<vmem_shared>> -> memref<160x128xf32, #tpu.memory_space<vmem_shared>>
      %dma_start3A_62 = arith.constant 0 : i32
      %dma_start3A_63 = arith.constant 0 : i32
      %dma_start3A_64 = tpu.memref_slice %arg9[%dma_start3A_62, %dma_start3A_63] : memref<200x128xf32, #tpu.memory_space<vmem>> -> memref<160x128xf32, #tpu.memory_space<vmem>>
      tpu.enqueue_dma source(%dma_start3A_64 : memref<160x128xf32, #tpu.memory_space<vmem>>) target(%dma_start3A_61 : memref<160x128xf32, #tpu.memory_space<vmem_shared>>) target_semaphore(%run_scoped3A : memref<!tpu.dma_semaphore, #tpu.memory_space<semaphore_mem>>)
      %dma_wait3A = arith.constant 0 : i32
      %dma_wait3A_65 = arith.constant 0 : i32
      %dma_wait3A_66 = tpu.memref_slice %arg9[%dma_wait3A, %dma_wait3A_65] : memref<200x128xf32, #tpu.memory_space<vmem>> -> memref<160x128xf32, #tpu.memory_space<vmem>>
      %dma_wait3A_67 = arith.constant 0 : i32
      %dma_wait3A_68 = tpu.memref_slice %arg10[%add3A_12, %dma_wait3A_67] : memref<10240x128xf32, #tpu.memory_space<vmem_shared>> -> memref<160x128xf32, #tpu.memory_space<vmem_shared>>
      %dma_wait3A_69 = arith.constant 0 : i32
      %dma_wait3A_70 = tpu.memref_slice %arg10[%add3A_12, %dma_wait3A_69] : memref<10240x128xf32, #tpu.memory_space<vmem_shared>> -> memref<160x128xf32, #tpu.memory_space<vmem_shared>>
      %dma_wait3A_71 = arith.constant 0 : i32
      %dma_wait3A_72 = arith.constant 0 : i32
      %dma_wait3A_73 = tpu.memref_slice %arg9[%dma_wait3A_71, %dma_wait3A_72] : memref<200x128xf32, #tpu.memory_space<vmem>> -> memref<160x128xf32, #tpu.memory_space<vmem>>
      tpu.wait_dma2 semaphore(%run_scoped3A : memref<!tpu.dma_semaphore, #tpu.memory_space<semaphore_mem>>) src(%dma_wait3A_73 : memref<160x128xf32, #tpu.memory_space<vmem>>) dst(%dma_wait3A_70 : memref<160x128xf32, #tpu.memory_space<vmem_shared>>)
      tpu.yield
    }) : () -> ()
    %mul3A_13 = arith.constant 640 : i32
    %mul3A_14 = arith.muli %arg1, %mul3A_13 : i32
    %add3A_15 = arith.constant 480 : i32
    %add3A_16 = arith.addi %mul3A_14, %add3A_15 : i32
    "tpu.region"() ({
      %run_scoped3A = tpu.sem_alloc : memref<!tpu.dma_semaphore, #tpu.memory_space<semaphore_mem>>
      %dma_start3A = arith.constant 0 : i32
      %dma_start3A_56 = arith.constant 0 : i32
      %dma_start3A_57 = tpu.memref_slice %arg9[%dma_start3A, %dma_start3A_56] : memref<200x128xf32, #tpu.memory_space<vmem>> -> memref<160x128xf32, #tpu.memory_space<vmem>>
      %dma_start3A_58 = arith.constant 0 : i32
      %dma_start3A_59 = tpu.memref_slice %arg10[%add3A_16, %dma_start3A_58] : memref<10240x128xf32, #tpu.memory_space<vmem_shared>> -> memref<160x128xf32, #tpu.memory_space<vmem_shared>>
      %dma_start3A_60 = arith.constant 0 : i32
      %dma_start3A_61 = tpu.memref_slice %arg10[%add3A_16, %dma_start3A_60] : memref<10240x128xf32, #tpu.memory_space<vmem_shared>> -> memref<160x128xf32, #tpu.memory_space<vmem_shared>>
      %dma_start3A_62 = arith.constant 0 : i32
      %dma_start3A_63 = arith.constant 0 : i32
      %dma_start3A_64 = tpu.memref_slice %arg9[%dma_start3A_62, %dma_start3A_63] : memref<200x128xf32, #tpu.memory_space<vmem>> -> memref<160x128xf32, #tpu.memory_space<vmem>>
      tpu.enqueue_dma source(%dma_start3A_64 : memref<160x128xf32, #tpu.memory_space<vmem>>) target(%dma_start3A_61 : memref<160x128xf32, #tpu.memory_space<vmem_shared>>) target_semaphore(%run_scoped3A : memref<!tpu.dma_semaphore, #tpu.memory_space<semaphore_mem>>)
      %dma_wait3A = arith.constant 0 : i32
      %dma_wait3A_65 = arith.constant 0 : i32
      %dma_wait3A_66 = tpu.memref_slice %arg9[%dma_wait3A, %dma_wait3A_65] : memref<200x128xf32, #tpu.memory_space<vmem>> -> memref<160x128xf32, #tpu.memory_space<vmem>>
      %dma_wait3A_67 = arith.constant 0 : i32
      %dma_wait3A_68 = tpu.memref_slice %arg10[%add3A_16, %dma_wait3A_67] : memref<10240x128xf32, #tpu.memory_space<vmem_shared>> -> memref<160x128xf32, #tpu.memory_space<vmem_shared>>
      %dma_wait3A_69 = arith.constant 0 : i32
      %dma_wait3A_70 = tpu.memref_slice %arg10[%add3A_16, %dma_wait3A_69] : memref<10240x128xf32, #tpu.memory_space<vmem_shared>> -> memref<160x128xf32, #tpu.memory_space<vmem_shared>>
      %dma_wait3A_71 = arith.constant 0 : i32
      %dma_wait3A_72 = arith.constant 0 : i32
      %dma_wait3A_73 = tpu.memref_slice %arg9[%dma_wait3A_71, %dma_wait3A_72] : memref<200x128xf32, #tpu.memory_space<vmem>> -> memref<160x128xf32, #tpu.memory_space<vmem>>
      tpu.wait_dma2 semaphore(%run_scoped3A : memref<!tpu.dma_semaphore, #tpu.memory_space<semaphore_mem>>) src(%dma_wait3A_73 : memref<160x128xf32, #tpu.memory_space<vmem>>) dst(%dma_wait3A_70 : memref<160x128xf32, #tpu.memory_space<vmem_shared>>)
      tpu.yield
    }) : () -> ()
    %barrier3A = arith.constant 0 : index
    tpu.barrier barrier_id(%barrier3A)
    %scan3A = arith.constant 0 : i32
    %scan3A_17 = arith.constant 0 : i32
    %scan3A_18 = arith.constant 50 : i32
    %scan3A_19 = arith.addi %scan3A_17, %scan3A_18 : i32
    %scan3A_20 = arith.constant 1 : i32
    %scan3A_21 = scf.for %scan3A_56 = %scan3A_17 to %scan3A_19 step %scan3A_20 iter_args(%scan3A_57 = %scan3A) -> (i32)  : i32 {
      %mul3A_58 = arith.constant 10000 : i32
      %mul3A_59 = arith.muli %add3A, %mul3A_58 : i32
      %mul3A_60 = arith.constant 200 : i32
      %mul3A_61 = arith.muli %scan3A_56, %mul3A_60 : i32
      %add3A_62 = arith.addi %mul3A_59, %mul3A_61 : i32
      "tpu.region"() ({
        %run_scoped3A = tpu.sem_alloc : memref<!tpu.dma_semaphore, #tpu.memory_space<semaphore_mem>>
        %dma_start3A_68 = tpu.memref_slice %arg3[%add3A_62] : memref<320000xi32, #tpu.memory_space<hbm>> -> memref<200xi32, #tpu.memory_space<hbm>>
        %dma_start3A_69 = tpu.memref_slice %arg3[%add3A_62] : memref<320000xi32, #tpu.memory_space<hbm>> -> memref<200xi32, #tpu.memory_space<hbm>>
        tpu.enqueue_dma source(%dma_start3A_69 : memref<200xi32, #tpu.memory_space<hbm>>) target(%arg7 : memref<200xi32, #tpu.memory_space<vmem>>) target_semaphore(%run_scoped3A : memref<!tpu.dma_semaphore, #tpu.memory_space<semaphore_mem>>)
        %dma_wait3A_70 = tpu.memref_slice %arg3[%add3A_62] : memref<320000xi32, #tpu.memory_space<hbm>> -> memref<200xi32, #tpu.memory_space<hbm>>
        %dma_wait3A_71 = tpu.memref_slice %arg3[%add3A_62] : memref<320000xi32, #tpu.memory_space<hbm>> -> memref<200xi32, #tpu.memory_space<hbm>>
        tpu.wait_dma2 semaphore(%run_scoped3A : memref<!tpu.dma_semaphore, #tpu.memory_space<semaphore_mem>>) src(%dma_wait3A_71 : memref<200xi32, #tpu.memory_space<hbm>>) dst(%arg7 : memref<200xi32, #tpu.memory_space<vmem>>)
        tpu.yield
      }) : () -> ()
      "tpu.region"() ({
        %run_scoped3A = tpu.sem_alloc : memref<!tpu.dma_semaphore, #tpu.memory_space<semaphore_mem>>
        %dma_start3A_68 = tpu.memref_slice %arg4[%add3A_62] : memref<320000xi32, #tpu.memory_space<hbm>> -> memref<200xi32, #tpu.memory_space<hbm>>
        %dma_start3A_69 = tpu.memref_slice %arg4[%add3A_62] : memref<320000xi32, #tpu.memory_space<hbm>> -> memref<200xi32, #tpu.memory_space<hbm>>
        tpu.enqueue_dma source(%dma_start3A_69 : memref<200xi32, #tpu.memory_space<hbm>>) target(%arg8 : memref<200xi32, #tpu.memory_space<vmem>>) target_semaphore(%run_scoped3A : memref<!tpu.dma_semaphore, #tpu.memory_space<semaphore_mem>>)
        %dma_wait3A_70 = tpu.memref_slice %arg4[%add3A_62] : memref<320000xi32, #tpu.memory_space<hbm>> -> memref<200xi32, #tpu.memory_space<hbm>>
        %dma_wait3A_71 = tpu.memref_slice %arg4[%add3A_62] : memref<320000xi32, #tpu.memory_space<hbm>> -> memref<200xi32, #tpu.memory_space<hbm>>
        tpu.wait_dma2 semaphore(%run_scoped3A : memref<!tpu.dma_semaphore, #tpu.memory_space<semaphore_mem>>) src(%dma_wait3A_71 : memref<200xi32, #tpu.memory_space<hbm>>) dst(%arg8 : memref<200xi32, #tpu.memory_space<vmem>>)
        tpu.yield
      }) : () -> ()
      %dma_start3A = arith.constant 0 : i32
      %dma_start3A_63 = arith.constant 0 : i32
      %dma_start3A_64 = tpu.memref_slice %arg2[%dma_start3A, %dma_start3A_63] : memref<10240x128xf32, #tpu.memory_space<hbm>> -> memref<10240x128xf32, #tpu.memory_space<hbm>>
      tpu.enqueue_indirect_dma source(%dma_start3A_64 : memref<10240x128xf32, #tpu.memory_space<hbm>>) target(%arg9 : memref<200x128xf32, #tpu.memory_space<vmem>>) offsets(%arg7 : memref<200xi32, #tpu.memory_space<vmem>>) semaphore(%arg11 : memref<!tpu.dma_semaphore, #tpu.memory_space<semaphore_mem>>)
      %dma_wait3A = arith.constant 0 : i32
      %dma_wait3A_65 = arith.constant 0 : i32
      %dma_wait3A_66 = tpu.memref_slice %arg2[%dma_wait3A, %dma_wait3A_65] : memref<10240x128xf32, #tpu.memory_space<hbm>> -> memref<10240x128xf32, #tpu.memory_space<hbm>>
      tpu.wait_indirect_dma semaphore(%arg11 : memref<!tpu.dma_semaphore, #tpu.memory_space<semaphore_mem>>) src(%dma_wait3A_66 : memref<10240x128xf32, #tpu.memory_space<hbm>>) dst(%arg9 : memref<200x128xf32, #tpu.memory_space<vmem>>)
      "tpu.region"() ({
        %run_scoped3A = tpu.sem_alloc : memref<!tpu.dma_semaphore, #tpu.memory_space<semaphore_mem>>
        %dma_start3A_68 = arith.constant 0 : i32
        %dma_start3A_69 = arith.constant 0 : i32
        %dma_start3A_70 = tpu.memref_slice %arg10[%dma_start3A_68, %dma_start3A_69] : memref<10240x128xf32, #tpu.memory_space<vmem_shared>> -> memref<10240x128xf32, #tpu.memory_space<vmem_shared>>
        tpu.enqueue_indirect_dma source(%arg9 : memref<200x128xf32, #tpu.memory_space<vmem>>) target(%dma_start3A_70 : memref<10240x128xf32, #tpu.memory_space<vmem_shared>>) offsets(%arg8 : memref<200xi32, #tpu.memory_space<vmem>>) semaphore(%run_scoped3A : memref<!tpu.dma_semaphore, #tpu.memory_space<semaphore_mem>>) {add = true}
        %dma_wait3A_71 = arith.constant 0 : i32
        %dma_wait3A_72 = arith.constant 0 : i32
        %dma_wait3A_73 = tpu.memref_slice %arg10[%dma_wait3A_71, %dma_wait3A_72] : memref<10240x128xf32, #tpu.memory_space<vmem_shared>> -> memref<10240x128xf32, #tpu.memory_space<vmem_shared>>
        tpu.wait_indirect_dma semaphore(%run_scoped3A : memref<!tpu.dma_semaphore, #tpu.memory_space<semaphore_mem>>) src(%arg9 : memref<200x128xf32, #tpu.memory_space<vmem>>) dst(%dma_wait3A_73 : memref<10240x128xf32, #tpu.memory_space<vmem_shared>>)
        tpu.yield
      }) : () -> ()
      %scan3A_67 = arith.constant 0 : i32
      scf.yield %scan3A_67 : i32
    }
    %scan3A_22 = arith.constant 50 : i32
    %barrier3A_23 = arith.constant 0 : index
    tpu.barrier barrier_id(%barrier3A_23)
    %mul3A_24 = arith.constant 640 : i32
    %mul3A_25 = arith.muli %arg1, %mul3A_24 : i32
    %add3A_26 = arith.constant 0 : i32
    %add3A_27 = arith.addi %mul3A_25, %add3A_26 : i32
    "tpu.region"() ({
      %run_scoped3A = tpu.sem_alloc : memref<!tpu.dma_semaphore, #tpu.memory_space<semaphore_mem>>
      %dma_start3A = arith.constant 0 : i32
      %dma_start3A_56 = arith.constant 0 : i32
      %dma_start3A_57 = tpu.memref_slice %arg9[%dma_start3A, %dma_start3A_56] : memref<200x128xf32, #tpu.memory_space<vmem>> -> memref<160x128xf32, #tpu.memory_space<vmem>>
      %dma_start3A_58 = arith.constant 0 : i32
      %dma_start3A_59 = tpu.memref_slice %arg10[%add3A_27, %dma_start3A_58] : memref<10240x128xf32, #tpu.memory_space<vmem_shared>> -> memref<160x128xf32, #tpu.memory_space<vmem_shared>>
      %dma_start3A_60 = arith.constant 0 : i32
      %dma_start3A_61 = arith.constant 0 : i32
      %dma_start3A_62 = tpu.memref_slice %arg9[%dma_start3A_60, %dma_start3A_61] : memref<200x128xf32, #tpu.memory_space<vmem>> -> memref<160x128xf32, #tpu.memory_space<vmem>>
      %dma_start3A_63 = arith.constant 0 : i32
      %dma_start3A_64 = tpu.memref_slice %arg10[%add3A_27, %dma_start3A_63] : memref<10240x128xf32, #tpu.memory_space<vmem_shared>> -> memref<160x128xf32, #tpu.memory_space<vmem_shared>>
      tpu.enqueue_dma source(%dma_start3A_64 : memref<160x128xf32, #tpu.memory_space<vmem_shared>>) target(%dma_start3A_62 : memref<160x128xf32, #tpu.memory_space<vmem>>) target_semaphore(%run_scoped3A : memref<!tpu.dma_semaphore, #tpu.memory_space<semaphore_mem>>)
      %dma_wait3A = arith.constant 0 : i32
      %dma_wait3A_65 = arith.constant 0 : i32
      %dma_wait3A_66 = tpu.memref_slice %arg9[%dma_wait3A, %dma_wait3A_65] : memref<200x128xf32, #tpu.memory_space<vmem>> -> memref<160x128xf32, #tpu.memory_space<vmem>>
      %dma_wait3A_67 = arith.constant 0 : i32
      %dma_wait3A_68 = tpu.memref_slice %arg10[%add3A_27, %dma_wait3A_67] : memref<10240x128xf32, #tpu.memory_space<vmem_shared>> -> memref<160x128xf32, #tpu.memory_space<vmem_shared>>
      %dma_wait3A_69 = arith.constant 0 : i32
      %dma_wait3A_70 = arith.constant 0 : i32
      %dma_wait3A_71 = tpu.memref_slice %arg9[%dma_wait3A_69, %dma_wait3A_70] : memref<200x128xf32, #tpu.memory_space<vmem>> -> memref<160x128xf32, #tpu.memory_space<vmem>>
      %dma_wait3A_72 = arith.constant 0 : i32
      %dma_wait3A_73 = tpu.memref_slice %arg10[%add3A_27, %dma_wait3A_72] : memref<10240x128xf32, #tpu.memory_space<vmem_shared>> -> memref<160x128xf32, #tpu.memory_space<vmem_shared>>
      tpu.wait_dma2 semaphore(%run_scoped3A : memref<!tpu.dma_semaphore, #tpu.memory_space<semaphore_mem>>) src(%dma_wait3A_73 : memref<160x128xf32, #tpu.memory_space<vmem_shared>>) dst(%dma_wait3A_71 : memref<160x128xf32, #tpu.memory_space<vmem>>)
      tpu.yield
    }) : () -> ()
    %mul3A_28 = arith.constant 640 : i32
    %mul3A_29 = arith.muli %arg1, %mul3A_28 : i32
    %add3A_30 = arith.constant 0 : i32
    %add3A_31 = arith.addi %mul3A_29, %add3A_30 : i32
    "tpu.region"() ({
      %run_scoped3A = tpu.sem_alloc : memref<!tpu.dma_semaphore, #tpu.memory_space<semaphore_mem>>
      %dma_start3A = arith.constant 0 : i32
      %dma_start3A_56 = arith.constant 0 : i32
      %dma_start3A_57 = tpu.memref_slice %arg9[%dma_start3A, %dma_start3A_56] : memref<200x128xf32, #tpu.memory_space<vmem>> -> memref<160x128xf32, #tpu.memory_space<vmem>>
      %dma_start3A_58 = arith.constant 0 : i32
      %dma_start3A_59 = tpu.memref_slice %arg6[%arg0, %add3A_31, %dma_start3A_58] : memref<2x10240x128xf32, #tpu.memory_space<hbm>> -> memref<1x160x128xf32, #tpu.memory_space<hbm>>
      %dma_start3A_60 = tpu.memref_squeeze %dma_start3A_59 : memref<1x160x128xf32, #tpu.memory_space<hbm>> -> memref<160x128xf32, #tpu.memory_space<hbm>>
      %dma_start3A_61 = arith.constant 0 : i32
      %dma_start3A_62 = tpu.memref_slice %arg6[%arg0, %add3A_31, %dma_start3A_61] : memref<2x10240x128xf32, #tpu.memory_space<hbm>> -> memref<1x160x128xf32, #tpu.memory_space<hbm>>
      %dma_start3A_63 = tpu.memref_squeeze %dma_start3A_62 : memref<1x160x128xf32, #tpu.memory_space<hbm>> -> memref<160x128xf32, #tpu.memory_space<hbm>>
      %dma_start3A_64 = arith.constant 0 : i32
      %dma_start3A_65 = arith.constant 0 : i32
      %dma_start3A_66 = tpu.memref_slice %arg9[%dma_start3A_64, %dma_start3A_65] : memref<200x128xf32, #tpu.memory_space<vmem>> -> memref<160x128xf32, #tpu.memory_space<vmem>>
      tpu.enqueue_dma source(%dma_start3A_66 : memref<160x128xf32, #tpu.memory_space<vmem>>) target(%dma_start3A_63 : memref<160x128xf32, #tpu.memory_space<hbm>>) target_semaphore(%run_scoped3A : memref<!tpu.dma_semaphore, #tpu.memory_space<semaphore_mem>>)
      %dma_wait3A = arith.constant 0 : i32
      %dma_wait3A_67 = arith.constant 0 : i32
      %dma_wait3A_68 = tpu.memref_slice %arg9[%dma_wait3A, %dma_wait3A_67] : memref<200x128xf32, #tpu.memory_space<vmem>> -> memref<160x128xf32, #tpu.memory_space<vmem>>
      %dma_wait3A_69 = arith.constant 0 : i32
      %dma_wait3A_70 = tpu.memref_slice %arg6[%arg0, %add3A_31, %dma_wait3A_69] : memref<2x10240x128xf32, #tpu.memory_space<hbm>> -> memref<1x160x128xf32, #tpu.memory_space<hbm>>
      %dma_wait3A_71 = tpu.memref_squeeze %dma_wait3A_70 : memref<1x160x128xf32, #tpu.memory_space<hbm>> -> memref<160x128xf32, #tpu.memory_space<hbm>>
      %dma_wait3A_72 = arith.constant 0 : i32
      %dma_wait3A_73 = tpu.memref_slice %arg6[%arg0, %add3A_31, %dma_wait3A_72] : memref<2x10240x128xf32, #tpu.memory_space<hbm>> -> memref<1x160x128xf32, #tpu.memory_space<hbm>>
      %dma_wait3A_74 = tpu.memref_squeeze %dma_wait3A_73 : memref<1x160x128xf32, #tpu.memory_space<hbm>> -> memref<160x128xf32, #tpu.memory_space<hbm>>
      %dma_wait3A_75 = arith.constant 0 : i32
      %dma_wait3A_76 = arith.constant 0 : i32
      %dma_wait3A_77 = tpu.memref_slice %arg9[%dma_wait3A_75, %dma_wait3A_76] : memref<200x128xf32, #tpu.memory_space<vmem>> -> memref<160x128xf32, #tpu.memory_space<vmem>>
      tpu.wait_dma2 semaphore(%run_scoped3A : memref<!tpu.dma_semaphore, #tpu.memory_space<semaphore_mem>>) src(%dma_wait3A_77 : memref<160x128xf32, #tpu.memory_space<vmem>>) dst(%dma_wait3A_74 : memref<160x128xf32, #tpu.memory_space<hbm>>)
      tpu.yield
    }) : () -> ()
    %mul3A_32 = arith.constant 640 : i32
    %mul3A_33 = arith.muli %arg1, %mul3A_32 : i32
    %add3A_34 = arith.constant 160 : i32
    %add3A_35 = arith.addi %mul3A_33, %add3A_34 : i32
    "tpu.region"() ({
      %run_scoped3A = tpu.sem_alloc : memref<!tpu.dma_semaphore, #tpu.memory_space<semaphore_mem>>
      %dma_start3A = arith.constant 0 : i32
      %dma_start3A_56 = arith.constant 0 : i32
      %dma_start3A_57 = tpu.memref_slice %arg9[%dma_start3A, %dma_start3A_56] : memref<200x128xf32, #tpu.memory_space<vmem>> -> memref<160x128xf32, #tpu.memory_space<vmem>>
      %dma_start3A_58 = arith.constant 0 : i32
      %dma_start3A_59 = tpu.memref_slice %arg10[%add3A_35, %dma_start3A_58] : memref<10240x128xf32, #tpu.memory_space<vmem_shared>> -> memref<160x128xf32, #tpu.memory_space<vmem_shared>>
      %dma_start3A_60 = arith.constant 0 : i32
      %dma_start3A_61 = arith.constant 0 : i32
      %dma_start3A_62 = tpu.memref_slice %arg9[%dma_start3A_60, %dma_start3A_61] : memref<200x128xf32, #tpu.memory_space<vmem>> -> memref<160x128xf32, #tpu.memory_space<vmem>>
      %dma_start3A_63 = arith.constant 0 : i32
      %dma_start3A_64 = tpu.memref_slice %arg10[%add3A_35, %dma_start3A_63] : memref<10240x128xf32, #tpu.memory_space<vmem_shared>> -> memref<160x128xf32, #tpu.memory_space<vmem_shared>>
      tpu.enqueue_dma source(%dma_start3A_64 : memref<160x128xf32, #tpu.memory_space<vmem_shared>>) target(%dma_start3A_62 : memref<160x128xf32, #tpu.memory_space<vmem>>) target_semaphore(%run_scoped3A : memref<!tpu.dma_semaphore, #tpu.memory_space<semaphore_mem>>)
      %dma_wait3A = arith.constant 0 : i32
      %dma_wait3A_65 = arith.constant 0 : i32
      %dma_wait3A_66 = tpu.memref_slice %arg9[%dma_wait3A, %dma_wait3A_65] : memref<200x128xf32, #tpu.memory_space<vmem>> -> memref<160x128xf32, #tpu.memory_space<vmem>>
      %dma_wait3A_67 = arith.constant 0 : i32
      %dma_wait3A_68 = tpu.memref_slice %arg10[%add3A_35, %dma_wait3A_67] : memref<10240x128xf32, #tpu.memory_space<vmem_shared>> -> memref<160x128xf32, #tpu.memory_space<vmem_shared>>
      %dma_wait3A_69 = arith.constant 0 : i32
      %dma_wait3A_70 = arith.constant 0 : i32
      %dma_wait3A_71 = tpu.memref_slice %arg9[%dma_wait3A_69, %dma_wait3A_70] : memref<200x128xf32, #tpu.memory_space<vmem>> -> memref<160x128xf32, #tpu.memory_space<vmem>>
      %dma_wait3A_72 = arith.constant 0 : i32
      %dma_wait3A_73 = tpu.memref_slice %arg10[%add3A_35, %dma_wait3A_72] : memref<10240x128xf32, #tpu.memory_space<vmem_shared>> -> memref<160x128xf32, #tpu.memory_space<vmem_shared>>
      tpu.wait_dma2 semaphore(%run_scoped3A : memref<!tpu.dma_semaphore, #tpu.memory_space<semaphore_mem>>) src(%dma_wait3A_73 : memref<160x128xf32, #tpu.memory_space<vmem_shared>>) dst(%dma_wait3A_71 : memref<160x128xf32, #tpu.memory_space<vmem>>)
      tpu.yield
    }) : () -> ()
    %mul3A_36 = arith.constant 640 : i32
    %mul3A_37 = arith.muli %arg1, %mul3A_36 : i32
    %add3A_38 = arith.constant 160 : i32
    %add3A_39 = arith.addi %mul3A_37, %add3A_38 : i32
    "tpu.region"() ({
      %run_scoped3A = tpu.sem_alloc : memref<!tpu.dma_semaphore, #tpu.memory_space<semaphore_mem>>
      %dma_start3A = arith.constant 0 : i32
      %dma_start3A_56 = arith.constant 0 : i32
      %dma_start3A_57 = tpu.memref_slice %arg9[%dma_start3A, %dma_start3A_56] : memref<200x128xf32, #tpu.memory_space<vmem>> -> memref<160x128xf32, #tpu.memory_space<vmem>>
      %dma_start3A_58 = arith.constant 0 : i32
      %dma_start3A_59 = tpu.memref_slice %arg6[%arg0, %add3A_39, %dma_start3A_58] : memref<2x10240x128xf32, #tpu.memory_space<hbm>> -> memref<1x160x128xf32, #tpu.memory_space<hbm>>
      %dma_start3A_60 = tpu.memref_squeeze %dma_start3A_59 : memref<1x160x128xf32, #tpu.memory_space<hbm>> -> memref<160x128xf32, #tpu.memory_space<hbm>>
      %dma_start3A_61 = arith.constant 0 : i32
      %dma_start3A_62 = tpu.memref_slice %arg6[%arg0, %add3A_39, %dma_start3A_61] : memref<2x10240x128xf32, #tpu.memory_space<hbm>> -> memref<1x160x128xf32, #tpu.memory_space<hbm>>
      %dma_start3A_63 = tpu.memref_squeeze %dma_start3A_62 : memref<1x160x128xf32, #tpu.memory_space<hbm>> -> memref<160x128xf32, #tpu.memory_space<hbm>>
      %dma_start3A_64 = arith.constant 0 : i32
      %dma_start3A_65 = arith.constant 0 : i32
      %dma_start3A_66 = tpu.memref_slice %arg9[%dma_start3A_64, %dma_start3A_65] : memref<200x128xf32, #tpu.memory_space<vmem>> -> memref<160x128xf32, #tpu.memory_space<vmem>>
      tpu.enqueue_dma source(%dma_start3A_66 : memref<160x128xf32, #tpu.memory_space<vmem>>) target(%dma_start3A_63 : memref<160x128xf32, #tpu.memory_space<hbm>>) target_semaphore(%run_scoped3A : memref<!tpu.dma_semaphore, #tpu.memory_space<semaphore_mem>>)
      %dma_wait3A = arith.constant 0 : i32
      %dma_wait3A_67 = arith.constant 0 : i32
      %dma_wait3A_68 = tpu.memref_slice %arg9[%dma_wait3A, %dma_wait3A_67] : memref<200x128xf32, #tpu.memory_space<vmem>> -> memref<160x128xf32, #tpu.memory_space<vmem>>
      %dma_wait3A_69 = arith.constant 0 : i32
      %dma_wait3A_70 = tpu.memref_slice %arg6[%arg0, %add3A_39, %dma_wait3A_69] : memref<2x10240x128xf32, #tpu.memory_space<hbm>> -> memref<1x160x128xf32, #tpu.memory_space<hbm>>
      %dma_wait3A_71 = tpu.memref_squeeze %dma_wait3A_70 : memref<1x160x128xf32, #tpu.memory_space<hbm>> -> memref<160x128xf32, #tpu.memory_space<hbm>>
      %dma_wait3A_72 = arith.constant 0 : i32
      %dma_wait3A_73 = tpu.memref_slice %arg6[%arg0, %add3A_39, %dma_wait3A_72] : memref<2x10240x128xf32, #tpu.memory_space<hbm>> -> memref<1x160x128xf32, #tpu.memory_space<hbm>>
      %dma_wait3A_74 = tpu.memref_squeeze %dma_wait3A_73 : memref<1x160x128xf32, #tpu.memory_space<hbm>> -> memref<160x128xf32, #tpu.memory_space<hbm>>
      %dma_wait3A_75 = arith.constant 0 : i32
      %dma_wait3A_76 = arith.constant 0 : i32
      %dma_wait3A_77 = tpu.memref_slice %arg9[%dma_wait3A_75, %dma_wait3A_76] : memref<200x128xf32, #tpu.memory_space<vmem>> -> memref<160x128xf32, #tpu.memory_space<vmem>>
      tpu.wait_dma2 semaphore(%run_scoped3A : memref<!tpu.dma_semaphore, #tpu.memory_space<semaphore_mem>>) src(%dma_wait3A_77 : memref<160x128xf32, #tpu.memory_space<vmem>>) dst(%dma_wait3A_74 : memref<160x128xf32, #tpu.memory_space<hbm>>)
      tpu.yield
    }) : () -> ()
    %mul3A_40 = arith.constant 640 : i32
    %mul3A_41 = arith.muli %arg1, %mul3A_40 : i32
    %add3A_42 = arith.constant 320 : i32
    %add3A_43 = arith.addi %mul3A_41, %add3A_42 : i32
    "tpu.region"() ({
      %run_scoped3A = tpu.sem_alloc : memref<!tpu.dma_semaphore, #tpu.memory_space<semaphore_mem>>
      %dma_start3A = arith.constant 0 : i32
      %dma_start3A_56 = arith.constant 0 : i32
      %dma_start3A_57 = tpu.memref_slice %arg9[%dma_start3A, %dma_start3A_56] : memref<200x128xf32, #tpu.memory_space<vmem>> -> memref<160x128xf32, #tpu.memory_space<vmem>>
      %dma_start3A_58 = arith.constant 0 : i32
      %dma_start3A_59 = tpu.memref_slice %arg10[%add3A_43, %dma_start3A_58] : memref<10240x128xf32, #tpu.memory_space<vmem_shared>> -> memref<160x128xf32, #tpu.memory_space<vmem_shared>>
      %dma_start3A_60 = arith.constant 0 : i32
      %dma_start3A_61 = arith.constant 0 : i32
      %dma_start3A_62 = tpu.memref_slice %arg9[%dma_start3A_60, %dma_start3A_61] : memref<200x128xf32, #tpu.memory_space<vmem>> -> memref<160x128xf32, #tpu.memory_space<vmem>>
      %dma_start3A_63 = arith.constant 0 : i32
      %dma_start3A_64 = tpu.memref_slice %arg10[%add3A_43, %dma_start3A_63] : memref<10240x128xf32, #tpu.memory_space<vmem_shared>> -> memref<160x128xf32, #tpu.memory_space<vmem_shared>>
      tpu.enqueue_dma source(%dma_start3A_64 : memref<160x128xf32, #tpu.memory_space<vmem_shared>>) target(%dma_start3A_62 : memref<160x128xf32, #tpu.memory_space<vmem>>) target_semaphore(%run_scoped3A : memref<!tpu.dma_semaphore, #tpu.memory_space<semaphore_mem>>)
      %dma_wait3A = arith.constant 0 : i32
      %dma_wait3A_65 = arith.constant 0 : i32
      %dma_wait3A_66 = tpu.memref_slice %arg9[%dma_wait3A, %dma_wait3A_65] : memref<200x128xf32, #tpu.memory_space<vmem>> -> memref<160x128xf32, #tpu.memory_space<vmem>>
      %dma_wait3A_67 = arith.constant 0 : i32
      %dma_wait3A_68 = tpu.memref_slice %arg10[%add3A_43, %dma_wait3A_67] : memref<10240x128xf32, #tpu.memory_space<vmem_shared>> -> memref<160x128xf32, #tpu.memory_space<vmem_shared>>
      %dma_wait3A_69 = arith.constant 0 : i32
      %dma_wait3A_70 = arith.constant 0 : i32
      %dma_wait3A_71 = tpu.memref_slice %arg9[%dma_wait3A_69, %dma_wait3A_70] : memref<200x128xf32, #tpu.memory_space<vmem>> -> memref<160x128xf32, #tpu.memory_space<vmem>>
      %dma_wait3A_72 = arith.constant 0 : i32
      %dma_wait3A_73 = tpu.memref_slice %arg10[%add3A_43, %dma_wait3A_72] : memref<10240x128xf32, #tpu.memory_space<vmem_shared>> -> memref<160x128xf32, #tpu.memory_space<vmem_shared>>
      tpu.wait_dma2 semaphore(%run_scoped3A : memref<!tpu.dma_semaphore, #tpu.memory_space<semaphore_mem>>) src(%dma_wait3A_73 : memref<160x128xf32, #tpu.memory_space<vmem_shared>>) dst(%dma_wait3A_71 : memref<160x128xf32, #tpu.memory_space<vmem>>)
      tpu.yield
    }) : () -> ()
    %mul3A_44 = arith.constant 640 : i32
    %mul3A_45 = arith.muli %arg1, %mul3A_44 : i32
    %add3A_46 = arith.constant 320 : i32
    %add3A_47 = arith.addi %mul3A_45, %add3A_46 : i32
    "tpu.region"() ({
      %run_scoped3A = tpu.sem_alloc : memref<!tpu.dma_semaphore, #tpu.memory_space<semaphore_mem>>
      %dma_start3A = arith.constant 0 : i32
      %dma_start3A_56 = arith.constant 0 : i32
      %dma_start3A_57 = tpu.memref_slice %arg9[%dma_start3A, %dma_start3A_56] : memref<200x128xf32, #tpu.memory_space<vmem>> -> memref<160x128xf32, #tpu.memory_space<vmem>>
      %dma_start3A_58 = arith.constant 0 : i32
      %dma_start3A_59 = tpu.memref_slice %arg6[%arg0, %add3A_47, %dma_start3A_58] : memref<2x10240x128xf32, #tpu.memory_space<hbm>> -> memref<1x160x128xf32, #tpu.memory_space<hbm>>
      %dma_start3A_60 = tpu.memref_squeeze %dma_start3A_59 : memref<1x160x128xf32, #tpu.memory_space<hbm>> -> memref<160x128xf32, #tpu.memory_space<hbm>>
      %dma_start3A_61 = arith.constant 0 : i32
      %dma_start3A_62 = tpu.memref_slice %arg6[%arg0, %add3A_47, %dma_start3A_61] : memref<2x10240x128xf32, #tpu.memory_space<hbm>> -> memref<1x160x128xf32, #tpu.memory_space<hbm>>
      %dma_start3A_63 = tpu.memref_squeeze %dma_start3A_62 : memref<1x160x128xf32, #tpu.memory_space<hbm>> -> memref<160x128xf32, #tpu.memory_space<hbm>>
      %dma_start3A_64 = arith.constant 0 : i32
      %dma_start3A_65 = arith.constant 0 : i32
      %dma_start3A_66 = tpu.memref_slice %arg9[%dma_start3A_64, %dma_start3A_65] : memref<200x128xf32, #tpu.memory_space<vmem>> -> memref<160x128xf32, #tpu.memory_space<vmem>>
      tpu.enqueue_dma source(%dma_start3A_66 : memref<160x128xf32, #tpu.memory_space<vmem>>) target(%dma_start3A_63 : memref<160x128xf32, #tpu.memory_space<hbm>>) target_semaphore(%run_scoped3A : memref<!tpu.dma_semaphore, #tpu.memory_space<semaphore_mem>>)
      %dma_wait3A = arith.constant 0 : i32
      %dma_wait3A_67 = arith.constant 0 : i32
      %dma_wait3A_68 = tpu.memref_slice %arg9[%dma_wait3A, %dma_wait3A_67] : memref<200x128xf32, #tpu.memory_space<vmem>> -> memref<160x128xf32, #tpu.memory_space<vmem>>
      %dma_wait3A_69 = arith.constant 0 : i32
      %dma_wait3A_70 = tpu.memref_slice %arg6[%arg0, %add3A_47, %dma_wait3A_69] : memref<2x10240x128xf32, #tpu.memory_space<hbm>> -> memref<1x160x128xf32, #tpu.memory_space<hbm>>
      %dma_wait3A_71 = tpu.memref_squeeze %dma_wait3A_70 : memref<1x160x128xf32, #tpu.memory_space<hbm>> -> memref<160x128xf32, #tpu.memory_space<hbm>>
      %dma_wait3A_72 = arith.constant 0 : i32
      %dma_wait3A_73 = tpu.memref_slice %arg6[%arg0, %add3A_47, %dma_wait3A_72] : memref<2x10240x128xf32, #tpu.memory_space<hbm>> -> memref<1x160x128xf32, #tpu.memory_space<hbm>>
      %dma_wait3A_74 = tpu.memref_squeeze %dma_wait3A_73 : memref<1x160x128xf32, #tpu.memory_space<hbm>> -> memref<160x128xf32, #tpu.memory_space<hbm>>
      %dma_wait3A_75 = arith.constant 0 : i32
      %dma_wait3A_76 = arith.constant 0 : i32
      %dma_wait3A_77 = tpu.memref_slice %arg9[%dma_wait3A_75, %dma_wait3A_76] : memref<200x128xf32, #tpu.memory_space<vmem>> -> memref<160x128xf32, #tpu.memory_space<vmem>>
      tpu.wait_dma2 semaphore(%run_scoped3A : memref<!tpu.dma_semaphore, #tpu.memory_space<semaphore_mem>>) src(%dma_wait3A_77 : memref<160x128xf32, #tpu.memory_space<vmem>>) dst(%dma_wait3A_74 : memref<160x128xf32, #tpu.memory_space<hbm>>)
      tpu.yield
    }) : () -> ()
    %mul3A_48 = arith.constant 640 : i32
    %mul3A_49 = arith.muli %arg1, %mul3A_48 : i32
    %add3A_50 = arith.constant 480 : i32
    %add3A_51 = arith.addi %mul3A_49, %add3A_50 : i32
    "tpu.region"() ({
      %run_scoped3A = tpu.sem_alloc : memref<!tpu.dma_semaphore, #tpu.memory_space<semaphore_mem>>
      %dma_start3A = arith.constant 0 : i32
      %dma_start3A_56 = arith.constant 0 : i32
      %dma_start3A_57 = tpu.memref_slice %arg9[%dma_start3A, %dma_start3A_56] : memref<200x128xf32, #tpu.memory_space<vmem>> -> memref<160x128xf32, #tpu.memory_space<vmem>>
      %dma_start3A_58 = arith.constant 0 : i32
      %dma_start3A_59 = tpu.memref_slice %arg10[%add3A_51, %dma_start3A_58] : memref<10240x128xf32, #tpu.memory_space<vmem_shared>> -> memref<160x128xf32, #tpu.memory_space<vmem_shared>>
      %dma_start3A_60 = arith.constant 0 : i32
      %dma_start3A_61 = arith.constant 0 : i32
      %dma_start3A_62 = tpu.memref_slice %arg9[%dma_start3A_60, %dma_start3A_61] : memref<200x128xf32, #tpu.memory_space<vmem>> -> memref<160x128xf32, #tpu.memory_space<vmem>>
      %dma_start3A_63 = arith.constant 0 : i32
      %dma_start3A_64 = tpu.memref_slice %arg10[%add3A_51, %dma_start3A_63] : memref<10240x128xf32, #tpu.memory_space<vmem_shared>> -> memref<160x128xf32, #tpu.memory_space<vmem_shared>>
      tpu.enqueue_dma source(%dma_start3A_64 : memref<160x128xf32, #tpu.memory_space<vmem_shared>>) target(%dma_start3A_62 : memref<160x128xf32, #tpu.memory_space<vmem>>) target_semaphore(%run_scoped3A : memref<!tpu.dma_semaphore, #tpu.memory_space<semaphore_mem>>)
      %dma_wait3A = arith.constant 0 : i32
      %dma_wait3A_65 = arith.constant 0 : i32
      %dma_wait3A_66 = tpu.memref_slice %arg9[%dma_wait3A, %dma_wait3A_65] : memref<200x128xf32, #tpu.memory_space<vmem>> -> memref<160x128xf32, #tpu.memory_space<vmem>>
      %dma_wait3A_67 = arith.constant 0 : i32
      %dma_wait3A_68 = tpu.memref_slice %arg10[%add3A_51, %dma_wait3A_67] : memref<10240x128xf32, #tpu.memory_space<vmem_shared>> -> memref<160x128xf32, #tpu.memory_space<vmem_shared>>
      %dma_wait3A_69 = arith.constant 0 : i32
      %dma_wait3A_70 = arith.constant 0 : i32
      %dma_wait3A_71 = tpu.memref_slice %arg9[%dma_wait3A_69, %dma_wait3A_70] : memref<200x128xf32, #tpu.memory_space<vmem>> -> memref<160x128xf32, #tpu.memory_space<vmem>>
      %dma_wait3A_72 = arith.constant 0 : i32
      %dma_wait3A_73 = tpu.memref_slice %arg10[%add3A_51, %dma_wait3A_72] : memref<10240x128xf32, #tpu.memory_space<vmem_shared>> -> memref<160x128xf32, #tpu.memory_space<vmem_shared>>
      tpu.wait_dma2 semaphore(%run_scoped3A : memref<!tpu.dma_semaphore, #tpu.memory_space<semaphore_mem>>) src(%dma_wait3A_73 : memref<160x128xf32, #tpu.memory_space<vmem_shared>>) dst(%dma_wait3A_71 : memref<160x128xf32, #tpu.memory_space<vmem>>)
      tpu.yield
    }) : () -> ()
    %mul3A_52 = arith.constant 640 : i32
    %mul3A_53 = arith.muli %arg1, %mul3A_52 : i32
    %add3A_54 = arith.constant 480 : i32
    %add3A_55 = arith.addi %mul3A_53, %add3A_54 : i32
    "tpu.region"() ({
      %run_scoped3A = tpu.sem_alloc : memref<!tpu.dma_semaphore, #tpu.memory_space<semaphore_mem>>
      %dma_start3A = arith.constant 0 : i32
      %dma_start3A_56 = arith.constant 0 : i32
      %dma_start3A_57 = tpu.memref_slice %arg9[%dma_start3A, %dma_start3A_56] : memref<200x128xf32, #tpu.memory_space<vmem>> -> memref<160x128xf32, #tpu.memory_space<vmem>>
      %dma_start3A_58 = arith.constant 0 : i32
      %dma_start3A_59 = tpu.memref_slice %arg6[%arg0, %add3A_55, %dma_start3A_58] : memref<2x10240x128xf32, #tpu.memory_space<hbm>> -> memref<1x160x128xf32, #tpu.memory_space<hbm>>
      %dma_start3A_60 = tpu.memref_squeeze %dma_start3A_59 : memref<1x160x128xf32, #tpu.memory_space<hbm>> -> memref<160x128xf32, #tpu.memory_space<hbm>>
      %dma_start3A_61 = arith.constant 0 : i32
      %dma_start3A_62 = tpu.memref_slice %arg6[%arg0, %add3A_55, %dma_start3A_61] : memref<2x10240x128xf32, #tpu.memory_space<hbm>> -> memref<1x160x128xf32, #tpu.memory_space<hbm>>
      %dma_start3A_63 = tpu.memref_squeeze %dma_start3A_62 : memref<1x160x128xf32, #tpu.memory_space<hbm>> -> memref<160x128xf32, #tpu.memory_space<hbm>>
      %dma_start3A_64 = arith.constant 0 : i32
      %dma_start3A_65 = arith.constant 0 : i32
      %dma_start3A_66 = tpu.memref_slice %arg9[%dma_start3A_64, %dma_start3A_65] : memref<200x128xf32, #tpu.memory_space<vmem>> -> memref<160x128xf32, #tpu.memory_space<vmem>>
      tpu.enqueue_dma source(%dma_start3A_66 : memref<160x128xf32, #tpu.memory_space<vmem>>) target(%dma_start3A_63 : memref<160x128xf32, #tpu.memory_space<hbm>>) target_semaphore(%run_scoped3A : memref<!tpu.dma_semaphore, #tpu.memory_space<semaphore_mem>>)
      %dma_wait3A = arith.constant 0 : i32
      %dma_wait3A_67 = arith.constant 0 : i32
      %dma_wait3A_68 = tpu.memref_slice %arg9[%dma_wait3A, %dma_wait3A_67] : memref<200x128xf32, #tpu.memory_space<vmem>> -> memref<160x128xf32, #tpu.memory_space<vmem>>
      %dma_wait3A_69 = arith.constant 0 : i32
      %dma_wait3A_70 = tpu.memref_slice %arg6[%arg0, %add3A_55, %dma_wait3A_69] : memref<2x10240x128xf32, #tpu.memory_space<hbm>> -> memref<1x160x128xf32, #tpu.memory_space<hbm>>
      %dma_wait3A_71 = tpu.memref_squeeze %dma_wait3A_70 : memref<1x160x128xf32, #tpu.memory_space<hbm>> -> memref<160x128xf32, #tpu.memory_space<hbm>>
      %dma_wait3A_72 = arith.constant 0 : i32
      %dma_wait3A_73 = tpu.memref_slice %arg6[%arg0, %add3A_55, %dma_wait3A_72] : memref<2x10240x128xf32, #tpu.memory_space<hbm>> -> memref<1x160x128xf32, #tpu.memory_space<hbm>>
      %dma_wait3A_74 = tpu.memref_squeeze %dma_wait3A_73 : memref<1x160x128xf32, #tpu.memory_space<hbm>> -> memref<160x128xf32, #tpu.memory_space<hbm>>
      %dma_wait3A_75 = arith.constant 0 : i32
      %dma_wait3A_76 = arith.constant 0 : i32
      %dma_wait3A_77 = tpu.memref_slice %arg9[%dma_wait3A_75, %dma_wait3A_76] : memref<200x128xf32, #tpu.memory_space<vmem>> -> memref<160x128xf32, #tpu.memory_space<vmem>>
      tpu.wait_dma2 semaphore(%run_scoped3A : memref<!tpu.dma_semaphore, #tpu.memory_space<semaphore_mem>>) src(%dma_wait3A_77 : memref<160x128xf32, #tpu.memory_space<vmem>>) dst(%dma_wait3A_74 : memref<160x128xf32, #tpu.memory_space<hbm>>)
      tpu.yield
    }) : () -> ()
    return
  }
}

module attributes {stable_mosaic.version = 14 : i64} {
  func.func @_ta_body(%arg0: i32, %arg1: memref<640x128xf32, #tpu.memory_space<vmem>>, %arg2: memref<128x128xf32, #tpu.memory_space<vmem>>, %arg3: memref<640x2xf32, #tpu.memory_space<vmem>>, %arg4: memref<640x128xf32, #tpu.memory_space<vmem>>, %arg5: memref<640x128xf32, #tpu.memory_space<vmem>>, %arg6: memref<640x1xf32, #tpu.memory_space<vmem>>) attributes {dimension_semantics = [#tpu.dimension_semantics<arbitrary>], iteration_bounds = array<i64: 16>, scalar_prefetch = 0 : i64, scratch_operands = 0 : i64, tpu.core_type = #tpu.core_type<tc>, window_params = [{transform_indices = @transform_0, window_bounds = array<i64: 640, 128>}, {pipeline_mode = #tpu.pipeline_mode<synchronous>, transform_indices = @transform_1, window_bounds = array<i64: 128, 128>}, {transform_indices = @transform_2, window_bounds = array<i64: 640, 2>}, {transform_indices = @transform_3, window_bounds = array<i64: 640, 128>}, {transform_indices = @transform_4, window_bounds = array<i64: 640, 128>}, {transform_indices = @transform_5, window_bounds = array<i64: 640, 1>}]} {
    %get3A = arith.constant 0 : index
    %get3A_0 = arith.constant 0 : index
    %get3A_1 = vector.load %arg1[%get3A, %get3A_0] : memref<640x128xf32, #tpu.memory_space<vmem>>, vector<640x128xf32>
    %get3A_2 = arith.constant 0 : index
    %get3A_3 = arith.constant 0 : index
    %get3A_4 = vector.load %arg2[%get3A_2, %get3A_3] : memref<128x128xf32, #tpu.memory_space<vmem>>, vector<128x128xf32>
    %dot_general3A = arith.constant dense<0.000000e+00> : vector<640x128xf32>
    %dot_general3A_5 = tpu.matmul %get3A_1, %get3A_4, %dot_general3A {dimension_numbers = #tpu.dot_dimension_numbers<[1], [0], [0], [1], [0, 0, 1, 1], [], []>, transpose_lhs_hint = false} : vector<640x128xf32>, vector<128x128xf32>, vector<640x128xf32> -> vector<640x128xf32>
    %get3A_6 = arith.constant 0 : index
    %get3A_7 = arith.constant 0 : index
    %get3A_8 = vector.load %arg3[%get3A_6, %get3A_7] : memref<640x2xf32, #tpu.memory_space<vmem>>, vector<640x2xf32>
    %slice3A = vector.extract_strided_slice %get3A_8 {offsets = [0, 0], sizes = [640, 1], strides = [1, 1]} : vector<640x2xf32> to vector<640x1xf32>
    %slice3A_9 = vector.extract_strided_slice %get3A_8 {offsets = [0, 1], sizes = [640, 1], strides = [1, 1]} : vector<640x2xf32> to vector<640x1xf32>
    %add3A = arith.addf %slice3A, %slice3A_9 : vector<640x1xf32>
    %add3A_10 = arith.constant 1.000000e+00 : f32
    %add3A_11 = vector.broadcast %add3A_10 : f32 to vector<640x1xf32>
    %add3A_12 = arith.addf %add3A, %add3A_11 : vector<640x1xf32>
    %rsqrt3A = math.rsqrt %add3A_12 : vector<640x1xf32>
    %swap3A = arith.constant 0 : index
    %swap3A_13 = arith.constant 0 : index
    %swap3A_14 = vector.load %arg4[%swap3A, %swap3A_13] : memref<640x128xf32, #tpu.memory_space<vmem>>, vector<640x128xf32>
    tpu.vector_store %arg4[%swap3A, %swap3A_13], %dot_general3A_5 {strides = array<i32>} : memref<640x128xf32, #tpu.memory_space<vmem>>, vector<640x128xf32>,
    %mul3A = vector.broadcast %rsqrt3A : vector<640x1xf32> to vector<640x128xf32>
    %mul3A_15 = arith.mulf %dot_general3A_5, %mul3A : vector<640x128xf32>
    %swap3A_16 = arith.constant 0 : index
    %swap3A_17 = arith.constant 0 : index
    %swap3A_18 = vector.load %arg5[%swap3A_16, %swap3A_17] : memref<640x128xf32, #tpu.memory_space<vmem>>, vector<640x128xf32>
    tpu.vector_store %arg5[%swap3A_16, %swap3A_17], %mul3A_15 {strides = array<i32>} : memref<640x128xf32, #tpu.memory_space<vmem>>, vector<640x128xf32>,
    %swap3A_19 = arith.constant 0 : index
    %swap3A_20 = arith.constant 0 : index
    %swap3A_21 = vector.load %arg6[%swap3A_19, %swap3A_20] : memref<640x1xf32, #tpu.memory_space<vmem>>, vector<640x1xf32>
    tpu.vector_store %arg6[%swap3A_19, %swap3A_20], %rsqrt3A {strides = array<i32>} : memref<640x1xf32, #tpu.memory_space<vmem>>, vector<640x1xf32>,
    return
  }
  func.func @transform_0(%arg0: i32) -> (i32, i32) {
    %c0_i32 = arith.constant 0 : i32
    %c0_i32_0 = arith.constant 0 : i32
    return %arg0, %c0_i32 : i32, i32
  }
  func.func @transform_1(%arg0: i32) -> (i32, i32) {
    %c0_i32 = arith.constant 0 : i32
    %c0_i32_0 = arith.constant 0 : i32
    %c0_i32_1 = arith.constant 0 : i32
    return %c0_i32, %c0_i32_0 : i32, i32
  }
  func.func @transform_2(%arg0: i32) -> (i32, i32) {
    %c0_i32 = arith.constant 0 : i32
    %c0_i32_0 = arith.constant 0 : i32
    return %arg0, %c0_i32 : i32, i32
  }
  func.func @transform_3(%arg0: i32) -> (i32, i32) {
    %c0_i32 = arith.constant 0 : i32
    %c0_i32_0 = arith.constant 0 : i32
    return %arg0, %c0_i32 : i32, i32
  }
  func.func @transform_4(%arg0: i32) -> (i32, i32) {
    %c0_i32 = arith.constant 0 : i32
    %c0_i32_0 = arith.constant 0 : i32
    return %arg0, %c0_i32 : i32, i32
  }
  func.func @transform_5(%arg0: i32) -> (i32, i32) {
    %c0_i32 = arith.constant 0 : i32
    %c0_i32_0 = arith.constant 0 : i32
    return %arg0, %c0_i32 : i32, i32
  }
}

module attributes {stable_mosaic.version = 14 : i64} {
  func.func @_tb1_body(%arg0: i32, %arg1: memref<2x640x128xf32, #tpu.memory_space<vmem>>, %arg2: memref<640x128xf32, #tpu.memory_space<vmem>>, %arg3: memref<640x1xf32, #tpu.memory_space<vmem>>, %arg4: memref<1x128xf32, #tpu.memory_space<vmem>>, %arg5: memref<128x1xf32, #tpu.memory_space<vmem>>, %arg6: memref<640x128xf32, #tpu.memory_space<vmem>>, %arg7: memref<640x1xf32, #tpu.memory_space<vmem>>) attributes {dimension_semantics = [#tpu.dimension_semantics<arbitrary>], iteration_bounds = array<i64: 16>, scalar_prefetch = 0 : i64, scratch_operands = 0 : i64, tpu.core_type = #tpu.core_type<tc>, window_params = [{transform_indices = @transform_0, window_bounds = array<i64: 2, 640, 128>}, {transform_indices = @transform_1, window_bounds = array<i64: 640, 128>}, {transform_indices = @transform_2, window_bounds = array<i64: 640, 1>}, {pipeline_mode = #tpu.pipeline_mode<synchronous>, transform_indices = @transform_3, window_bounds = array<i64: 1, 128>}, {pipeline_mode = #tpu.pipeline_mode<synchronous>, transform_indices = @transform_4, window_bounds = array<i64: 128, 1>}, {transform_indices = @transform_5, window_bounds = array<i64: 640, 128>}, {transform_indices = @transform_6, window_bounds = array<i64: 640, 1>}]} {
    %get3A = arith.constant 0 : index
    %get3A_0 = arith.constant 0 : index
    %get3A_1 = arith.constant 0 : index
    %get3A_2 = vector.load %arg1[%get3A, %get3A_0, %get3A_1] : memref<2x640x128xf32, #tpu.memory_space<vmem>>, vector<2x640x128xf32>
    %slice3A = vector.extract_strided_slice %get3A_2 {offsets = [0, 0, 0], sizes = [1, 640, 128], strides = [1, 1, 1]} : vector<2x640x128xf32> to vector<1x640x128xf32>
    %squeeze3A = vector.shape_cast %slice3A : vector<1x640x128xf32> to vector<640x128xf32>
    %slice3A_3 = vector.extract_strided_slice %get3A_2 {offsets = [1, 0, 0], sizes = [1, 640, 128], strides = [1, 1, 1]} : vector<2x640x128xf32> to vector<1x640x128xf32>
    %squeeze3A_4 = vector.shape_cast %slice3A_3 : vector<1x640x128xf32> to vector<640x128xf32>
    %add3A = arith.addf %squeeze3A, %squeeze3A_4 : vector<640x128xf32>
    %get3A_5 = arith.constant 0 : index
    %get3A_6 = arith.constant 0 : index
    %get3A_7 = vector.load %arg3[%get3A_5, %get3A_6] : memref<640x1xf32, #tpu.memory_space<vmem>>, vector<640x1xf32>
    %mul3A = vector.broadcast %get3A_7 : vector<640x1xf32> to vector<640x128xf32>
    %mul3A_8 = arith.mulf %mul3A, %add3A : vector<640x128xf32>
    %mul3A_9 = arith.mulf %get3A_7, %get3A_7 : vector<640x1xf32>
    %get3A_10 = arith.constant 0 : index
    %get3A_11 = arith.constant 0 : index
    %get3A_12 = vector.load %arg2[%get3A_10, %get3A_11] : memref<640x128xf32, #tpu.memory_space<vmem>>, vector<640x128xf32>
    %mul3A_13 = vector.broadcast %mul3A_9 : vector<640x1xf32> to vector<640x128xf32>
    %mul3A_14 = arith.mulf %mul3A_13, %get3A_12 : vector<640x128xf32>
    %add3A_15 = arith.addf %mul3A_8, %mul3A_14 : vector<640x128xf32>
    %get3A_16 = arith.constant 0 : index
    %get3A_17 = arith.constant 0 : index
    %get3A_18 = vector.load %arg4[%get3A_16, %get3A_17] : memref<1x128xf32, #tpu.memory_space<vmem>>, vector<1x128xf32>
    %add3A_19 = vector.broadcast %get3A_18 : vector<1x128xf32> to vector<640x128xf32>
    %add3A_20 = arith.addf %add3A_15, %add3A_19 : vector<640x128xf32>
    %mul3A_21 = arith.constant 640 : i32
    %mul3A_22 = arith.muli %arg0, %mul3A_21 : i32
    %iota3A = tpu.iota {dimensions = array<i32: 0>} : vector<640x1xi32>
    %add3A_23 = vector.broadcast %mul3A_22 : i32 to vector<640x1xi32>
    %add3A_24 = arith.addi %add3A_23, %iota3A : vector<640x1xi32>
    %lt3A = arith.constant 10000 : i32
    %lt3A_25 = vector.broadcast %lt3A : i32 to vector<640x1xi32>
    %lt3A_26 = arith.cmpi slt, %add3A_24, %lt3A_25 : vector<640x1xi32>
    %jit3A = arith.constant 0.000000e+00 : f32
    %broadcast_in_dim3A = vector.shape_cast %lt3A_26 : vector<640x1xi1> to vector<640x1xi1>
    %broadcast_in_dim3A_27 = vector.broadcast %broadcast_in_dim3A : vector<640x1xi1> to vector<640x128xi1>
    %broadcast_in_dim3A_28 = vector.broadcast %jit3A : f32 to vector<640x128xf32>
    %select_n3A = arith.select %broadcast_in_dim3A_27, %add3A_20, %broadcast_in_dim3A_28 : vector<640x128xi1>, vector<640x128xf32>
    %get3A_29 = arith.constant 0 : index
    %get3A_30 = arith.constant 0 : index
    %get3A_31 = vector.load %arg5[%get3A_29, %get3A_30] : memref<128x1xf32, #tpu.memory_space<vmem>>, vector<128x1xf32>
    %mul3A_32 = arith.mulf %get3A_31, %get3A_31 : vector<128x1xf32>
    %reduce_sum3A = vector.shape_cast %mul3A_32 : vector<128x1xf32> to vector<1x128x1xf32>
    %reduce_sum3A_33 = arith.constant dense<0.000000e+00> : vector<1xf32>
    %reduce_sum3A_34 = vector.multi_reduction <add>, %reduce_sum3A, %reduce_sum3A_33 [1, 2] : vector<1x128x1xf32> to vector<1xf32>
    %reduce_sum3A_35 = vector.shape_cast %reduce_sum3A_34 : vector<1xf32> to vector<1x1x1xf32>
    %reduce_sum3A_36 = vector.extract %reduce_sum3A_35[0, 0, 0] : f32 from vector<1x1x1xf32>
    %sqrt3A = math.sqrt %reduce_sum3A_36 : f32
    %dot_general3A = arith.constant dense<0.000000e+00> : vector<640x1xf32>
    %dot_general3A_37 = tpu.matmul %select_n3A, %get3A_31, %dot_general3A {dimension_numbers = #tpu.dot_dimension_numbers<[1], [0], [0], [1], [0, 0, 1, 1], [], []>, transpose_lhs_hint = false} : vector<640x128xf32>, vector<128x1xf32>, vector<640x1xf32> -> vector<640x1xf32>
    %div3A = vector.broadcast %sqrt3A : f32 to vector<640x1xf32>
    %div3A_38 = arith.divf %dot_general3A_37, %div3A : vector<640x1xf32>
    %tanh3A = math.tanh %div3A_38 : vector<640x1xf32>
    %swap3A = arith.constant 0 : index
    %swap3A_39 = arith.constant 0 : index
    %swap3A_40 = vector.load %arg7[%swap3A, %swap3A_39] : memref<640x1xf32, #tpu.memory_space<vmem>>, vector<640x1xf32>
    tpu.vector_store %arg7[%swap3A, %swap3A_39], %tanh3A {strides = array<i32>} : memref<640x1xf32, #tpu.memory_space<vmem>>, vector<640x1xf32>,
    %mul3A_41 = vector.broadcast %tanh3A : vector<640x1xf32> to vector<640x128xf32>
    %mul3A_42 = arith.mulf %select_n3A, %mul3A_41 : vector<640x128xf32>
    %swap3A_43 = arith.constant 0 : index
    %swap3A_44 = arith.constant 0 : index
    %swap3A_45 = vector.load %arg6[%swap3A_43, %swap3A_44] : memref<640x128xf32, #tpu.memory_space<vmem>>, vector<640x128xf32>
    tpu.vector_store %arg6[%swap3A_43, %swap3A_44], %mul3A_42 {strides = array<i32>} : memref<640x128xf32, #tpu.memory_space<vmem>>, vector<640x128xf32>,
    return
  }
  func.func @transform_0(%arg0: i32) -> (i32, i32, i32) {
    %c0_i32 = arith.constant 0 : i32
    %c0_i32_0 = arith.constant 0 : i32
    %c0_i32_1 = arith.constant 0 : i32
    return %c0_i32, %arg0, %c0_i32_0 : i32, i32, i32
  }
  func.func @transform_1(%arg0: i32) -> (i32, i32) {
    %c0_i32 = arith.constant 0 : i32
    %c0_i32_0 = arith.constant 0 : i32
    return %arg0, %c0_i32 : i32, i32
  }
  func.func @transform_2(%arg0: i32) -> (i32, i32) {
    %c0_i32 = arith.constant 0 : i32
    %c0_i32_0 = arith.constant 0 : i32
    return %arg0, %c0_i32 : i32, i32
  }
  func.func @transform_3(%arg0: i32) -> (i32, i32) {
    %c0_i32 = arith.constant 0 : i32
    %c0_i32_0 = arith.constant 0 : i32
    %c0_i32_1 = arith.constant 0 : i32
    return %c0_i32, %c0_i32_0 : i32, i32
  }
  func.func @transform_4(%arg0: i32) -> (i32, i32) {
    %c0_i32 = arith.constant 0 : i32
    %c0_i32_0 = arith.constant 0 : i32
    %c0_i32_1 = arith.constant 0 : i32
    return %c0_i32, %c0_i32_0 : i32, i32
  }
  func.func @transform_5(%arg0: i32) -> (i32, i32) {
    %c0_i32 = arith.constant 0 : i32
    %c0_i32_0 = arith.constant 0 : i32
    return %arg0, %c0_i32 : i32, i32
  }
  func.func @transform_6(%arg0: i32) -> (i32, i32) {
    %c0_i32 = arith.constant 0 : i32
    %c0_i32_0 = arith.constant 0 : i32
    return %arg0, %c0_i32 : i32, i32
  }
}

module attributes {stable_mosaic.version = 14 : i64} {
  func.func @_tb2_body(%arg0: i32, %arg1: memref<640x1xf32, #tpu.memory_space<vmem>>, %arg2: memref<640x1xi32, #tpu.memory_space<vmem>>, %arg3: memref<5x2048xf32, #tpu.memory_space<vmem>>, %arg4: memref<5x2048xi32, #tpu.memory_space<vmem>>, %arg5: memref<640x1xi32, #tpu.memory_space<vmem>>) attributes {dimension_semantics = [#tpu.dimension_semantics<arbitrary>], iteration_bounds = array<i64: 16>, scalar_prefetch = 0 : i64, scratch_operands = 0 : i64, tpu.core_type = #tpu.core_type<tc>, window_params = [{transform_indices = @transform_0, window_bounds = array<i64: 640, 1>}, {transform_indices = @transform_1, window_bounds = array<i64: 640, 1>}, {pipeline_mode = #tpu.pipeline_mode<synchronous>, transform_indices = @transform_2, window_bounds = array<i64: 5, 2048>}, {pipeline_mode = #tpu.pipeline_mode<synchronous>, transform_indices = @transform_3, window_bounds = array<i64: 5, 2048>}, {transform_indices = @transform_4, window_bounds = array<i64: 640, 1>}]} {
    %get3A = arith.constant 0 : index
    %get3A_0 = arith.constant 0 : index
    %get3A_1 = vector.load %arg1[%get3A, %get3A_0] : memref<640x1xf32, #tpu.memory_space<vmem>>, vector<640x1xf32>
    %get3A_2 = arith.constant 0 : index
    %get3A_3 = arith.constant 0 : index
    %get3A_4 = vector.load %arg2[%get3A_2, %get3A_3] : memref<640x1xi32, #tpu.memory_space<vmem>>, vector<640x1xi32>
    %mul3A = arith.constant 640 : i32
    %mul3A_5 = arith.muli %arg0, %mul3A : i32
    %iota3A = tpu.iota {dimensions = array<i32: 0>} : vector<640x1xi32>
    %add3A = vector.broadcast %mul3A_5 : i32 to vector<640x1xi32>
    %add3A_6 = arith.addi %add3A, %iota3A : vector<640x1xi32>
    %broadcast_in_dim3A = arith.constant 0.000000e+00 : f32
    %broadcast_in_dim3A_7 = vector.broadcast %broadcast_in_dim3A : f32 to vector<640x1xf32>
    %iota3A_8 = tpu.iota {dimensions = array<i32: 0>} : vector<64x1xi32>
    %iota3A_9 = tpu.iota {dimensions = array<i32: 1>} : vector<1x64xi32>
    %broadcast_in_dim3A_10 = arith.constant 0.000000e+00 : f32
    %broadcast_in_dim3A_11 = vector.broadcast %broadcast_in_dim3A_10 : f32 to vector<64x1xf32>
    %get3A_12 = arith.constant 0 : index
    %get3A_13 = arith.constant 0 : index
    %get3A_14 = vector.load %arg4[%get3A_12, %get3A_13] : memref<5x2048xi32, #tpu.memory_space<vmem>>, vector<1x2048xi32>
    %get3A_15 = arith.constant 0 : index
    %get3A_16 = arith.constant 0 : index
    %get3A_17 = vector.load %arg3[%get3A_15, %get3A_16] : memref<5x2048xf32, #tpu.memory_space<vmem>>, vector<1x2048xf32>
    %iota3A_18 = tpu.iota {dimensions = array<i32: 1>} : vector<1x2048xi32>
    %add3A_19 = arith.constant 0 : i32
    %add3A_20 = vector.broadcast %add3A_19 : i32 to vector<1x2048xi32>
    %add3A_21 = arith.addi %add3A_20, %iota3A_18 : vector<1x2048xi32>
    %eq3A = vector.broadcast %get3A_4 : vector<640x1xi32> to vector<640x2048xi32>
    %eq3A_22 = vector.broadcast %get3A_14 : vector<1x2048xi32> to vector<640x2048xi32>
    %eq3A_23 = arith.cmpi eq, %eq3A, %eq3A_22 : vector<640x2048xi32>
    %gt3A = vector.broadcast %get3A_17 : vector<1x2048xf32> to vector<640x2048xf32>
    %gt3A_24 = vector.broadcast %get3A_1 : vector<640x1xf32> to vector<640x2048xf32>
    %gt3A_25 = arith.cmpf ogt, %gt3A, %gt3A_24 : vector<640x2048xf32>
    %eq3A_26 = vector.broadcast %get3A_17 : vector<1x2048xf32> to vector<640x2048xf32>
    %eq3A_27 = vector.broadcast %get3A_1 : vector<640x1xf32> to vector<640x2048xf32>
    %eq3A_28 = arith.cmpf oeq, %eq3A_26, %eq3A_27 : vector<640x2048xf32>
    %lt3A = vector.broadcast %add3A_21 : vector<1x2048xi32> to vector<640x2048xi32>
    %lt3A_29 = vector.broadcast %add3A_6 : vector<640x1xi32> to vector<640x2048xi32>
    %lt3A_30 = arith.cmpi slt, %lt3A, %lt3A_29 : vector<640x2048xi32>
    %and3A = arith.andi %eq3A_28, %lt3A_30 : vector<640x2048xi1>
    %or3A = arith.ori %gt3A_25, %and3A : vector<640x2048xi1>
    %and3A_31 = arith.andi %eq3A_23, %or3A : vector<640x2048xi1>
    %jit3A = arith.constant 1.000000e+00 : f32
    %jit3A_32 = arith.constant 0.000000e+00 : f32
    %broadcast_in_dim3A_33 = vector.broadcast %jit3A : f32 to vector<640x2048xf32>
    %broadcast_in_dim3A_34 = vector.broadcast %jit3A_32 : f32 to vector<640x2048xf32>
    %select_n3A = arith.select %and3A_31, %broadcast_in_dim3A_33, %broadcast_in_dim3A_34 : vector<640x2048xi1>, vector<640x2048xf32>
    %reduce_sum3A = arith.constant dense<0.000000e+00> : vector<640xf32>
    %reduce_sum3A_35 = vector.multi_reduction <add>, %select_n3A, %reduce_sum3A [1] : vector<640x2048xf32> to vector<640xf32>
    %broadcast_in_dim3A_36 = vector.shape_cast %reduce_sum3A_35 : vector<640xf32> to vector<640x1xf32>
    %add3A_37 = arith.addf %broadcast_in_dim3A_7, %broadcast_in_dim3A_36 : vector<640x1xf32>
    %eq3A_38 = vector.broadcast %get3A_14 : vector<1x2048xi32> to vector<64x2048xi32>
    %eq3A_39 = vector.broadcast %iota3A_8 : vector<64x1xi32> to vector<64x2048xi32>
    %eq3A_40 = arith.cmpi eq, %eq3A_38, %eq3A_39 : vector<64x2048xi32>
    %jit3A_41 = arith.constant 1.000000e+00 : f32
    %jit3A_42 = arith.constant 0.000000e+00 : f32
    %broadcast_in_dim3A_43 = vector.broadcast %jit3A_41 : f32 to vector<64x2048xf32>
    %broadcast_in_dim3A_44 = vector.broadcast %jit3A_42 : f32 to vector<64x2048xf32>
    %select_n3A_45 = arith.select %eq3A_40, %broadcast_in_dim3A_43, %broadcast_in_dim3A_44 : vector<64x2048xi1>, vector<64x2048xf32>
    %reduce_sum3A_46 = arith.constant dense<0.000000e+00> : vector<64xf32>
    %reduce_sum3A_47 = vector.multi_reduction <add>, %select_n3A_45, %reduce_sum3A_46 [1] : vector<64x2048xf32> to vector<64xf32>
    %broadcast_in_dim3A_48 = vector.shape_cast %reduce_sum3A_47 : vector<64xf32> to vector<64x1xf32>
    %add3A_49 = arith.addf %broadcast_in_dim3A_11, %broadcast_in_dim3A_48 : vector<64x1xf32>
    %get3A_50 = arith.constant 1 : index
    %get3A_51 = arith.constant 0 : index
    %get3A_52 = vector.load %arg4[%get3A_50, %get3A_51] : memref<5x2048xi32, #tpu.memory_space<vmem>>, vector<1x2048xi32>
    %get3A_53 = arith.constant 1 : index
    %get3A_54 = arith.constant 0 : index
    %get3A_55 = vector.load %arg3[%get3A_53, %get3A_54] : memref<5x2048xf32, #tpu.memory_space<vmem>>, vector<1x2048xf32>
    %iota3A_56 = tpu.iota {dimensions = array<i32: 1>} : vector<1x2048xi32>
    %add3A_57 = arith.constant 2048 : i32
    %add3A_58 = vector.broadcast %add3A_57 : i32 to vector<1x2048xi32>
    %add3A_59 = arith.addi %add3A_58, %iota3A_56 : vector<1x2048xi32>
    %eq3A_60 = vector.broadcast %get3A_4 : vector<640x1xi32> to vector<640x2048xi32>
    %eq3A_61 = vector.broadcast %get3A_52 : vector<1x2048xi32> to vector<640x2048xi32>
    %eq3A_62 = arith.cmpi eq, %eq3A_60, %eq3A_61 : vector<640x2048xi32>
    %gt3A_63 = vector.broadcast %get3A_55 : vector<1x2048xf32> to vector<640x2048xf32>
    %gt3A_64 = vector.broadcast %get3A_1 : vector<640x1xf32> to vector<640x2048xf32>
    %gt3A_65 = arith.cmpf ogt, %gt3A_63, %gt3A_64 : vector<640x2048xf32>
    %eq3A_66 = vector.broadcast %get3A_55 : vector<1x2048xf32> to vector<640x2048xf32>
    %eq3A_67 = vector.broadcast %get3A_1 : vector<640x1xf32> to vector<640x2048xf32>
    %eq3A_68 = arith.cmpf oeq, %eq3A_66, %eq3A_67 : vector<640x2048xf32>
    %lt3A_69 = vector.broadcast %add3A_59 : vector<1x2048xi32> to vector<640x2048xi32>
    %lt3A_70 = vector.broadcast %add3A_6 : vector<640x1xi32> to vector<640x2048xi32>
    %lt3A_71 = arith.cmpi slt, %lt3A_69, %lt3A_70 : vector<640x2048xi32>
    %and3A_72 = arith.andi %eq3A_68, %lt3A_71 : vector<640x2048xi1>
    %or3A_73 = arith.ori %gt3A_65, %and3A_72 : vector<640x2048xi1>
    %and3A_74 = arith.andi %eq3A_62, %or3A_73 : vector<640x2048xi1>
    %jit3A_75 = arith.constant 1.000000e+00 : f32
    %jit3A_76 = arith.constant 0.000000e+00 : f32
    %broadcast_in_dim3A_77 = vector.broadcast %jit3A_75 : f32 to vector<640x2048xf32>
    %broadcast_in_dim3A_78 = vector.broadcast %jit3A_76 : f32 to vector<640x2048xf32>
    %select_n3A_79 = arith.select %and3A_74, %broadcast_in_dim3A_77, %broadcast_in_dim3A_78 : vector<640x2048xi1>, vector<640x2048xf32>
    %reduce_sum3A_80 = arith.constant dense<0.000000e+00> : vector<640xf32>
    %reduce_sum3A_81 = vector.multi_reduction <add>, %select_n3A_79, %reduce_sum3A_80 [1] : vector<640x2048xf32> to vector<640xf32>
    %broadcast_in_dim3A_82 = vector.shape_cast %reduce_sum3A_81 : vector<640xf32> to vector<640x1xf32>
    %add3A_83 = arith.addf %add3A_37, %broadcast_in_dim3A_82 : vector<640x1xf32>
    %eq3A_84 = vector.broadcast %get3A_52 : vector<1x2048xi32> to vector<64x2048xi32>
    %eq3A_85 = vector.broadcast %iota3A_8 : vector<64x1xi32> to vector<64x2048xi32>
    %eq3A_86 = arith.cmpi eq, %eq3A_84, %eq3A_85 : vector<64x2048xi32>
    %jit3A_87 = arith.constant 1.000000e+00 : f32
    %jit3A_88 = arith.constant 0.000000e+00 : f32
    %broadcast_in_dim3A_89 = vector.broadcast %jit3A_87 : f32 to vector<64x2048xf32>
    %broadcast_in_dim3A_90 = vector.broadcast %jit3A_88 : f32 to vector<64x2048xf32>
    %select_n3A_91 = arith.select %eq3A_86, %broadcast_in_dim3A_89, %broadcast_in_dim3A_90 : vector<64x2048xi1>, vector<64x2048xf32>
    %reduce_sum3A_92 = arith.constant dense<0.000000e+00> : vector<64xf32>
    %reduce_sum3A_93 = vector.multi_reduction <add>, %select_n3A_91, %reduce_sum3A_92 [1] : vector<64x2048xf32> to vector<64xf32>
    %broadcast_in_dim3A_94 = vector.shape_cast %reduce_sum3A_93 : vector<64xf32> to vector<64x1xf32>
    %add3A_95 = arith.addf %add3A_49, %broadcast_in_dim3A_94 : vector<64x1xf32>
    %get3A_96 = arith.constant 2 : index
    %get3A_97 = arith.constant 0 : index
    %get3A_98 = vector.load %arg4[%get3A_96, %get3A_97] : memref<5x2048xi32, #tpu.memory_space<vmem>>, vector<1x2048xi32>
    %get3A_99 = arith.constant 2 : index
    %get3A_100 = arith.constant 0 : index
    %get3A_101 = vector.load %arg3[%get3A_99, %get3A_100] : memref<5x2048xf32, #tpu.memory_space<vmem>>, vector<1x2048xf32>
    %iota3A_102 = tpu.iota {dimensions = array<i32: 1>} : vector<1x2048xi32>
    %add3A_103 = arith.constant 4096 : i32
    %add3A_104 = vector.broadcast %add3A_103 : i32 to vector<1x2048xi32>
    %add3A_105 = arith.addi %add3A_104, %iota3A_102 : vector<1x2048xi32>
    %eq3A_106 = vector.broadcast %get3A_4 : vector<640x1xi32> to vector<640x2048xi32>
    %eq3A_107 = vector.broadcast %get3A_98 : vector<1x2048xi32> to vector<640x2048xi32>
    %eq3A_108 = arith.cmpi eq, %eq3A_106, %eq3A_107 : vector<640x2048xi32>
    %gt3A_109 = vector.broadcast %get3A_101 : vector<1x2048xf32> to vector<640x2048xf32>
    %gt3A_110 = vector.broadcast %get3A_1 : vector<640x1xf32> to vector<640x2048xf32>
    %gt3A_111 = arith.cmpf ogt, %gt3A_109, %gt3A_110 : vector<640x2048xf32>
    %eq3A_112 = vector.broadcast %get3A_101 : vector<1x2048xf32> to vector<640x2048xf32>
    %eq3A_113 = vector.broadcast %get3A_1 : vector<640x1xf32> to vector<640x2048xf32>
    %eq3A_114 = arith.cmpf oeq, %eq3A_112, %eq3A_113 : vector<640x2048xf32>
    %lt3A_115 = vector.broadcast %add3A_105 : vector<1x2048xi32> to vector<640x2048xi32>
    %lt3A_116 = vector.broadcast %add3A_6 : vector<640x1xi32> to vector<640x2048xi32>
    %lt3A_117 = arith.cmpi slt, %lt3A_115, %lt3A_116 : vector<640x2048xi32>
    %and3A_118 = arith.andi %eq3A_114, %lt3A_117 : vector<640x2048xi1>
    %or3A_119 = arith.ori %gt3A_111, %and3A_118 : vector<640x2048xi1>
    %and3A_120 = arith.andi %eq3A_108, %or3A_119 : vector<640x2048xi1>
    %jit3A_121 = arith.constant 1.000000e+00 : f32
    %jit3A_122 = arith.constant 0.000000e+00 : f32
    %broadcast_in_dim3A_123 = vector.broadcast %jit3A_121 : f32 to vector<640x2048xf32>
    %broadcast_in_dim3A_124 = vector.broadcast %jit3A_122 : f32 to vector<640x2048xf32>
    %select_n3A_125 = arith.select %and3A_120, %broadcast_in_dim3A_123, %broadcast_in_dim3A_124 : vector<640x2048xi1>, vector<640x2048xf32>
    %reduce_sum3A_126 = arith.constant dense<0.000000e+00> : vector<640xf32>
    %reduce_sum3A_127 = vector.multi_reduction <add>, %select_n3A_125, %reduce_sum3A_126 [1] : vector<640x2048xf32> to vector<640xf32>
    %broadcast_in_dim3A_128 = vector.shape_cast %reduce_sum3A_127 : vector<640xf32> to vector<640x1xf32>
    %add3A_129 = arith.addf %add3A_83, %broadcast_in_dim3A_128 : vector<640x1xf32>
    %eq3A_130 = vector.broadcast %get3A_98 : vector<1x2048xi32> to vector<64x2048xi32>
    %eq3A_131 = vector.broadcast %iota3A_8 : vector<64x1xi32> to vector<64x2048xi32>
    %eq3A_132 = arith.cmpi eq, %eq3A_130, %eq3A_131 : vector<64x2048xi32>
    %jit3A_133 = arith.constant 1.000000e+00 : f32
    %jit3A_134 = arith.constant 0.000000e+00 : f32
    %broadcast_in_dim3A_135 = vector.broadcast %jit3A_133 : f32 to vector<64x2048xf32>
    %broadcast_in_dim3A_136 = vector.broadcast %jit3A_134 : f32 to vector<64x2048xf32>
    %select_n3A_137 = arith.select %eq3A_132, %broadcast_in_dim3A_135, %broadcast_in_dim3A_136 : vector<64x2048xi1>, vector<64x2048xf32>
    %reduce_sum3A_138 = arith.constant dense<0.000000e+00> : vector<64xf32>
    %reduce_sum3A_139 = vector.multi_reduction <add>, %select_n3A_137, %reduce_sum3A_138 [1] : vector<64x2048xf32> to vector<64xf32>
    %broadcast_in_dim3A_140 = vector.shape_cast %reduce_sum3A_139 : vector<64xf32> to vector<64x1xf32>
    %add3A_141 = arith.addf %add3A_95, %broadcast_in_dim3A_140 : vector<64x1xf32>
    %get3A_142 = arith.constant 3 : index
    %get3A_143 = arith.constant 0 : index
    %get3A_144 = vector.load %arg4[%get3A_142, %get3A_143] : memref<5x2048xi32, #tpu.memory_space<vmem>>, vector<1x2048xi32>
    %get3A_145 = arith.constant 3 : index
    %get3A_146 = arith.constant 0 : index
    %get3A_147 = vector.load %arg3[%get3A_145, %get3A_146] : memref<5x2048xf32, #tpu.memory_space<vmem>>, vector<1x2048xf32>
    %iota3A_148 = tpu.iota {dimensions = array<i32: 1>} : vector<1x2048xi32>
    %add3A_149 = arith.constant 6144 : i32
    %add3A_150 = vector.broadcast %add3A_149 : i32 to vector<1x2048xi32>
    %add3A_151 = arith.addi %add3A_150, %iota3A_148 : vector<1x2048xi32>
    %eq3A_152 = vector.broadcast %get3A_4 : vector<640x1xi32> to vector<640x2048xi32>
    %eq3A_153 = vector.broadcast %get3A_144 : vector<1x2048xi32> to vector<640x2048xi32>
    %eq3A_154 = arith.cmpi eq, %eq3A_152, %eq3A_153 : vector<640x2048xi32>
    %gt3A_155 = vector.broadcast %get3A_147 : vector<1x2048xf32> to vector<640x2048xf32>
    %gt3A_156 = vector.broadcast %get3A_1 : vector<640x1xf32> to vector<640x2048xf32>
    %gt3A_157 = arith.cmpf ogt, %gt3A_155, %gt3A_156 : vector<640x2048xf32>
    %eq3A_158 = vector.broadcast %get3A_147 : vector<1x2048xf32> to vector<640x2048xf32>
    %eq3A_159 = vector.broadcast %get3A_1 : vector<640x1xf32> to vector<640x2048xf32>
    %eq3A_160 = arith.cmpf oeq, %eq3A_158, %eq3A_159 : vector<640x2048xf32>
    %lt3A_161 = vector.broadcast %add3A_151 : vector<1x2048xi32> to vector<640x2048xi32>
    %lt3A_162 = vector.broadcast %add3A_6 : vector<640x1xi32> to vector<640x2048xi32>
    %lt3A_163 = arith.cmpi slt, %lt3A_161, %lt3A_162 : vector<640x2048xi32>
    %and3A_164 = arith.andi %eq3A_160, %lt3A_163 : vector<640x2048xi1>
    %or3A_165 = arith.ori %gt3A_157, %and3A_164 : vector<640x2048xi1>
    %and3A_166 = arith.andi %eq3A_154, %or3A_165 : vector<640x2048xi1>
    %jit3A_167 = arith.constant 1.000000e+00 : f32
    %jit3A_168 = arith.constant 0.000000e+00 : f32
    %broadcast_in_dim3A_169 = vector.broadcast %jit3A_167 : f32 to vector<640x2048xf32>
    %broadcast_in_dim3A_170 = vector.broadcast %jit3A_168 : f32 to vector<640x2048xf32>
    %select_n3A_171 = arith.select %and3A_166, %broadcast_in_dim3A_169, %broadcast_in_dim3A_170 : vector<640x2048xi1>, vector<640x2048xf32>
    %reduce_sum3A_172 = arith.constant dense<0.000000e+00> : vector<640xf32>
    %reduce_sum3A_173 = vector.multi_reduction <add>, %select_n3A_171, %reduce_sum3A_172 [1] : vector<640x2048xf32> to vector<640xf32>
    %broadcast_in_dim3A_174 = vector.shape_cast %reduce_sum3A_173 : vector<640xf32> to vector<640x1xf32>
    %add3A_175 = arith.addf %add3A_129, %broadcast_in_dim3A_174 : vector<640x1xf32>
    %eq3A_176 = vector.broadcast %get3A_144 : vector<1x2048xi32> to vector<64x2048xi32>
    %eq3A_177 = vector.broadcast %iota3A_8 : vector<64x1xi32> to vector<64x2048xi32>
    %eq3A_178 = arith.cmpi eq, %eq3A_176, %eq3A_177 : vector<64x2048xi32>
    %jit3A_179 = arith.constant 1.000000e+00 : f32
    %jit3A_180 = arith.constant 0.000000e+00 : f32
    %broadcast_in_dim3A_181 = vector.broadcast %jit3A_179 : f32 to vector<64x2048xf32>
    %broadcast_in_dim3A_182 = vector.broadcast %jit3A_180 : f32 to vector<64x2048xf32>
    %select_n3A_183 = arith.select %eq3A_178, %broadcast_in_dim3A_181, %broadcast_in_dim3A_182 : vector<64x2048xi1>, vector<64x2048xf32>
    %reduce_sum3A_184 = arith.constant dense<0.000000e+00> : vector<64xf32>
    %reduce_sum3A_185 = vector.multi_reduction <add>, %select_n3A_183, %reduce_sum3A_184 [1] : vector<64x2048xf32> to vector<64xf32>
    %broadcast_in_dim3A_186 = vector.shape_cast %reduce_sum3A_185 : vector<64xf32> to vector<64x1xf32>
    %add3A_187 = arith.addf %add3A_141, %broadcast_in_dim3A_186 : vector<64x1xf32>
    %get3A_188 = arith.constant 4 : index
    %get3A_189 = arith.constant 0 : index
    %get3A_190 = vector.load %arg4[%get3A_188, %get3A_189] : memref<5x2048xi32, #tpu.memory_space<vmem>>, vector<1x2048xi32>
    %get3A_191 = arith.constant 4 : index
    %get3A_192 = arith.constant 0 : index
    %get3A_193 = vector.load %arg3[%get3A_191, %get3A_192] : memref<5x2048xf32, #tpu.memory_space<vmem>>, vector<1x2048xf32>
    %iota3A_194 = tpu.iota {dimensions = array<i32: 1>} : vector<1x2048xi32>
    %add3A_195 = arith.constant 8192 : i32
    %add3A_196 = vector.broadcast %add3A_195 : i32 to vector<1x2048xi32>
    %add3A_197 = arith.addi %add3A_196, %iota3A_194 : vector<1x2048xi32>
    %eq3A_198 = vector.broadcast %get3A_4 : vector<640x1xi32> to vector<640x2048xi32>
    %eq3A_199 = vector.broadcast %get3A_190 : vector<1x2048xi32> to vector<640x2048xi32>
    %eq3A_200 = arith.cmpi eq, %eq3A_198, %eq3A_199 : vector<640x2048xi32>
    %gt3A_201 = vector.broadcast %get3A_193 : vector<1x2048xf32> to vector<640x2048xf32>
    %gt3A_202 = vector.broadcast %get3A_1 : vector<640x1xf32> to vector<640x2048xf32>
    %gt3A_203 = arith.cmpf ogt, %gt3A_201, %gt3A_202 : vector<640x2048xf32>
    %eq3A_204 = vector.broadcast %get3A_193 : vector<1x2048xf32> to vector<640x2048xf32>
    %eq3A_205 = vector.broadcast %get3A_1 : vector<640x1xf32> to vector<640x2048xf32>
    %eq3A_206 = arith.cmpf oeq, %eq3A_204, %eq3A_205 : vector<640x2048xf32>
    %lt3A_207 = vector.broadcast %add3A_197 : vector<1x2048xi32> to vector<640x2048xi32>
    %lt3A_208 = vector.broadcast %add3A_6 : vector<640x1xi32> to vector<640x2048xi32>
    %lt3A_209 = arith.cmpi slt, %lt3A_207, %lt3A_208 : vector<640x2048xi32>
    %and3A_210 = arith.andi %eq3A_206, %lt3A_209 : vector<640x2048xi1>
    %or3A_211 = arith.ori %gt3A_203, %and3A_210 : vector<640x2048xi1>
    %and3A_212 = arith.andi %eq3A_200, %or3A_211 : vector<640x2048xi1>
    %jit3A_213 = arith.constant 1.000000e+00 : f32
    %jit3A_214 = arith.constant 0.000000e+00 : f32
    %broadcast_in_dim3A_215 = vector.broadcast %jit3A_213 : f32 to vector<640x2048xf32>
    %broadcast_in_dim3A_216 = vector.broadcast %jit3A_214 : f32 to vector<640x2048xf32>
    %select_n3A_217 = arith.select %and3A_212, %broadcast_in_dim3A_215, %broadcast_in_dim3A_216 : vector<640x2048xi1>, vector<640x2048xf32>
    %reduce_sum3A_218 = arith.constant dense<0.000000e+00> : vector<640xf32>
    %reduce_sum3A_219 = vector.multi_reduction <add>, %select_n3A_217, %reduce_sum3A_218 [1] : vector<640x2048xf32> to vector<640xf32>
    %broadcast_in_dim3A_220 = vector.shape_cast %reduce_sum3A_219 : vector<640xf32> to vector<640x1xf32>
    %add3A_221 = arith.addf %add3A_175, %broadcast_in_dim3A_220 : vector<640x1xf32>
    %eq3A_222 = vector.broadcast %get3A_190 : vector<1x2048xi32> to vector<64x2048xi32>
    %eq3A_223 = vector.broadcast %iota3A_8 : vector<64x1xi32> to vector<64x2048xi32>
    %eq3A_224 = arith.cmpi eq, %eq3A_222, %eq3A_223 : vector<64x2048xi32>
    %jit3A_225 = arith.constant 1.000000e+00 : f32
    %jit3A_226 = arith.constant 0.000000e+00 : f32
    %broadcast_in_dim3A_227 = vector.broadcast %jit3A_225 : f32 to vector<64x2048xf32>
    %broadcast_in_dim3A_228 = vector.broadcast %jit3A_226 : f32 to vector<64x2048xf32>
    %select_n3A_229 = arith.select %eq3A_224, %broadcast_in_dim3A_227, %broadcast_in_dim3A_228 : vector<64x2048xi1>, vector<64x2048xf32>
    %reduce_sum3A_230 = arith.constant dense<0.000000e+00> : vector<64xf32>
    %reduce_sum3A_231 = vector.multi_reduction <add>, %select_n3A_229, %reduce_sum3A_230 [1] : vector<64x2048xf32> to vector<64xf32>
    %broadcast_in_dim3A_232 = vector.shape_cast %reduce_sum3A_231 : vector<64xf32> to vector<64x1xf32>
    %add3A_233 = arith.addf %add3A_187, %broadcast_in_dim3A_232 : vector<64x1xf32>
    %add3A_234 = arith.constant 1.000000e+00 : f32
    %add3A_235 = vector.broadcast %add3A_234 : f32 to vector<64x1xf32>
    %add3A_236 = arith.addf %add3A_233, %add3A_235 : vector<64x1xf32>
    %mul3A_237 = arith.constant 5.000000e-01 : f32
    %mul3A_238 = vector.broadcast %mul3A_237 : f32 to vector<64x1xf32>
    %mul3A_239 = arith.mulf %add3A_236, %mul3A_238 : vector<64x1xf32>
    %floor3A = math.floor %mul3A_239 : vector<64x1xf32>
    %lt3A_240 = vector.broadcast %iota3A_9 : vector<1x64xi32> to vector<64x64xi32>
    %lt3A_241 = vector.broadcast %iota3A_8 : vector<64x1xi32> to vector<64x64xi32>
    %lt3A_242 = arith.cmpi slt, %lt3A_240, %lt3A_241 : vector<64x64xi32>
    %jit3A_243 = arith.constant 1.000000e+00 : f32
    %jit3A_244 = arith.constant 0.000000e+00 : f32
    %broadcast_in_dim3A_245 = vector.broadcast %jit3A_243 : f32 to vector<64x64xf32>
    %broadcast_in_dim3A_246 = vector.broadcast %jit3A_244 : f32 to vector<64x64xf32>
    %select_n3A_247 = arith.select %lt3A_242, %broadcast_in_dim3A_245, %broadcast_in_dim3A_246 : vector<64x64xi1>, vector<64x64xf32>
    %dot_general3A = arith.constant dense<0.000000e+00> : vector<64x1xf32>
    %dot_general3A_248 = tpu.matmul %select_n3A_247, %floor3A, %dot_general3A {dimension_numbers = #tpu.dot_dimension_numbers<[1], [0], [0], [1], [0, 0, 1, 1], [], []>, precision = #tpu.contract_precision<fp32>, transpose_lhs_hint = false} : vector<64x64xf32>, vector<64x1xf32>, vector<64x1xf32> -> vector<64x1xf32>
    %add3A_249 = arith.constant 5.000000e-01 : f32
    %add3A_250 = vector.broadcast %add3A_249 : f32 to vector<64x1xf32>
    %add3A_251 = arith.addf %dot_general3A_248, %add3A_250 : vector<64x1xf32>
    %floor3A_252 = math.floor %add3A_251 : vector<64x1xf32>
    %eq3A_253 = vector.broadcast %get3A_4 : vector<640x1xi32> to vector<640x64xi32>
    %eq3A_254 = vector.broadcast %iota3A_9 : vector<1x64xi32> to vector<640x64xi32>
    %eq3A_255 = arith.cmpi eq, %eq3A_253, %eq3A_254 : vector<640x64xi32>
    %jit3A_256 = arith.constant 1.000000e+00 : f32
    %jit3A_257 = arith.constant 0.000000e+00 : f32
    %broadcast_in_dim3A_258 = vector.broadcast %jit3A_256 : f32 to vector<640x64xf32>
    %broadcast_in_dim3A_259 = vector.broadcast %jit3A_257 : f32 to vector<640x64xf32>
    %select_n3A_260 = arith.select %eq3A_255, %broadcast_in_dim3A_258, %broadcast_in_dim3A_259 : vector<640x64xi1>, vector<640x64xf32>
    %dot_general3A_261 = arith.constant dense<0.000000e+00> : vector<640x1xf32>
    %dot_general3A_262 = tpu.matmul %select_n3A_260, %floor3A, %dot_general3A_261 {dimension_numbers = #tpu.dot_dimension_numbers<[1], [0], [0], [1], [0, 0, 1, 1], [], []>, precision = #tpu.contract_precision<fp32>, transpose_lhs_hint = false} : vector<640x64xf32>, vector<64x1xf32>, vector<640x1xf32> -> vector<640x1xf32>
    %add3A_263 = arith.constant 5.000000e-01 : f32
    %add3A_264 = vector.broadcast %add3A_263 : f32 to vector<640x1xf32>
    %add3A_265 = arith.addf %dot_general3A_262, %add3A_264 : vector<640x1xf32>
    %floor3A_266 = math.floor %add3A_265 : vector<640x1xf32>
    %dot_general3A_267 = arith.constant dense<0.000000e+00> : vector<640x1xf32>
    %dot_general3A_268 = tpu.matmul %select_n3A_260, %floor3A_252, %dot_general3A_267 {dimension_numbers = #tpu.dot_dimension_numbers<[1], [0], [0], [1], [0, 0, 1, 1], [], []>, precision = #tpu.contract_precision<fp32>, transpose_lhs_hint = false} : vector<640x64xf32>, vector<64x1xf32>, vector<640x1xf32> -> vector<640x1xf32>
    %add3A_269 = arith.constant 5.000000e-01 : f32
    %add3A_270 = vector.broadcast %add3A_269 : f32 to vector<640x1xf32>
    %add3A_271 = arith.addf %dot_general3A_268, %add3A_270 : vector<640x1xf32>
    %floor3A_272 = math.floor %add3A_271 : vector<640x1xf32>
    %lt3A_273 = arith.cmpf olt, %add3A_221, %floor3A_266 : vector<640x1xf32>
    %add3A_274 = arith.addf %floor3A_272, %add3A_221 : vector<640x1xf32>
    %jit3A_275 = arith.constant -1.000000e+00 : f32
    %broadcast_in_dim3A_276 = vector.broadcast %jit3A_275 : f32 to vector<640x1xf32>
    %select_n3A_277 = arith.select %lt3A_273, %add3A_274, %broadcast_in_dim3A_276 : vector<640x1xi1>, vector<640x1xf32>
    %convert_element_type3A = arith.fptosi %select_n3A_277 : vector<640x1xf32> to vector<640x1xi32>
    %swap3A = arith.constant 0 : index
    %swap3A_278 = arith.constant 0 : index
    %swap3A_279 = vector.load %arg5[%swap3A, %swap3A_278] : memref<640x1xi32, #tpu.memory_space<vmem>>, vector<640x1xi32>
    tpu.vector_store %arg5[%swap3A, %swap3A_278], %convert_element_type3A {strides = array<i32>} : memref<640x1xi32, #tpu.memory_space<vmem>>, vector<640x1xi32>,
    return
  }
  func.func @transform_0(%arg0: i32) -> (i32, i32) {
    %c0_i32 = arith.constant 0 : i32
    %c0_i32_0 = arith.constant 0 : i32
    return %arg0, %c0_i32 : i32, i32
  }
  func.func @transform_1(%arg0: i32) -> (i32, i32) {
    %c0_i32 = arith.constant 0 : i32
    %c0_i32_0 = arith.constant 0 : i32
    return %arg0, %c0_i32 : i32, i32
  }
  func.func @transform_2(%arg0: i32) -> (i32, i32) {
    %c0_i32 = arith.constant 0 : i32
    %c0_i32_0 = arith.constant 0 : i32
    %c0_i32_1 = arith.constant 0 : i32
    return %c0_i32, %c0_i32_0 : i32, i32
  }
  func.func @transform_3(%arg0: i32) -> (i32, i32) {
    %c0_i32 = arith.constant 0 : i32
    %c0_i32_0 = arith.constant 0 : i32
    %c0_i32_1 = arith.constant 0 : i32
    return %c0_i32, %c0_i32_0 : i32, i32
  }
  func.func @transform_4(%arg0: i32) -> (i32, i32) {
    %c0_i32 = arith.constant 0 : i32
    %c0_i32_0 = arith.constant 0 : i32
    return %arg0, %c0_i32 : i32, i32
  }
}

module attributes {stable_mosaic.version = 14 : i64} {
  func.func @_tc_body(%arg0: i32, %arg1: memref<640x128xf32, #tpu.memory_space<vmem>>, %arg2: memref<128x128xf32, #tpu.memory_space<vmem>>, %arg3: memref<640x2xf32, #tpu.memory_space<vmem>>, %arg4: memref<640x128xf32, #tpu.memory_space<vmem>>, %arg5: memref<640x128xf32, #tpu.memory_space<vmem>>, %arg6: memref<640x1xf32, #tpu.memory_space<vmem>>) attributes {dimension_semantics = [#tpu.dimension_semantics<arbitrary>], iteration_bounds = array<i64: 16>, scalar_prefetch = 0 : i64, scratch_operands = 0 : i64, tpu.core_type = #tpu.core_type<tc>, window_params = [{transform_indices = @transform_0, window_bounds = array<i64: 640, 128>}, {pipeline_mode = #tpu.pipeline_mode<synchronous>, transform_indices = @transform_1, window_bounds = array<i64: 128, 128>}, {transform_indices = @transform_2, window_bounds = array<i64: 640, 2>}, {transform_indices = @transform_3, window_bounds = array<i64: 640, 128>}, {transform_indices = @transform_4, window_bounds = array<i64: 640, 128>}, {transform_indices = @transform_5, window_bounds = array<i64: 640, 1>}]} {
    %get3A = arith.constant 0 : index
    %get3A_0 = arith.constant 0 : index
    %get3A_1 = vector.load %arg1[%get3A, %get3A_0] : memref<640x128xf32, #tpu.memory_space<vmem>>, vector<640x128xf32>
    %get3A_2 = arith.constant 0 : index
    %get3A_3 = arith.constant 0 : index
    %get3A_4 = vector.load %arg2[%get3A_2, %get3A_3] : memref<128x128xf32, #tpu.memory_space<vmem>>, vector<128x128xf32>
    %dot_general3A = arith.constant dense<0.000000e+00> : vector<640x128xf32>
    %dot_general3A_5 = tpu.matmul %get3A_1, %get3A_4, %dot_general3A {dimension_numbers = #tpu.dot_dimension_numbers<[1], [0], [0], [1], [0, 0, 1, 1], [], []>, transpose_lhs_hint = false} : vector<640x128xf32>, vector<128x128xf32>, vector<640x128xf32> -> vector<640x128xf32>
    %get3A_6 = arith.constant 0 : index
    %get3A_7 = arith.constant 0 : index
    %get3A_8 = vector.load %arg3[%get3A_6, %get3A_7] : memref<640x2xf32, #tpu.memory_space<vmem>>, vector<640x2xf32>
    %slice3A = vector.extract_strided_slice %get3A_8 {offsets = [0, 0], sizes = [640, 1], strides = [1, 1]} : vector<640x2xf32> to vector<640x1xf32>
    %slice3A_9 = vector.extract_strided_slice %get3A_8 {offsets = [0, 1], sizes = [640, 1], strides = [1, 1]} : vector<640x2xf32> to vector<640x1xf32>
    %add3A = arith.addf %slice3A, %slice3A_9 : vector<640x1xf32>
    %add3A_10 = arith.constant 1.000000e+00 : f32
    %add3A_11 = vector.broadcast %add3A_10 : f32 to vector<640x1xf32>
    %add3A_12 = arith.addf %add3A, %add3A_11 : vector<640x1xf32>
    %rsqrt3A = math.rsqrt %add3A_12 : vector<640x1xf32>
    %swap3A = arith.constant 0 : index
    %swap3A_13 = arith.constant 0 : index
    %swap3A_14 = vector.load %arg4[%swap3A, %swap3A_13] : memref<640x128xf32, #tpu.memory_space<vmem>>, vector<640x128xf32>
    tpu.vector_store %arg4[%swap3A, %swap3A_13], %dot_general3A_5 {strides = array<i32>} : memref<640x128xf32, #tpu.memory_space<vmem>>, vector<640x128xf32>,
    %mul3A = vector.broadcast %rsqrt3A : vector<640x1xf32> to vector<640x128xf32>
    %mul3A_15 = arith.mulf %dot_general3A_5, %mul3A : vector<640x128xf32>
    %swap3A_16 = arith.constant 0 : index
    %swap3A_17 = arith.constant 0 : index
    %swap3A_18 = vector.load %arg5[%swap3A_16, %swap3A_17] : memref<640x128xf32, #tpu.memory_space<vmem>>, vector<640x128xf32>
    tpu.vector_store %arg5[%swap3A_16, %swap3A_17], %mul3A_15 {strides = array<i32>} : memref<640x128xf32, #tpu.memory_space<vmem>>, vector<640x128xf32>,
    %swap3A_19 = arith.constant 0 : index
    %swap3A_20 = arith.constant 0 : index
    %swap3A_21 = vector.load %arg6[%swap3A_19, %swap3A_20] : memref<640x1xf32, #tpu.memory_space<vmem>>, vector<640x1xf32>
    tpu.vector_store %arg6[%swap3A_19, %swap3A_20], %rsqrt3A {strides = array<i32>} : memref<640x1xf32, #tpu.memory_space<vmem>>, vector<640x1xf32>,
    return
  }
  func.func @transform_0(%arg0: i32) -> (i32, i32) {
    %c0_i32 = arith.constant 0 : i32
    %c0_i32_0 = arith.constant 0 : i32
    return %arg0, %c0_i32 : i32, i32
  }
  func.func @transform_1(%arg0: i32) -> (i32, i32) {
    %c0_i32 = arith.constant 0 : i32
    %c0_i32_0 = arith.constant 0 : i32
    %c0_i32_1 = arith.constant 0 : i32
    return %c0_i32, %c0_i32_0 : i32, i32
  }
  func.func @transform_2(%arg0: i32) -> (i32, i32) {
    %c0_i32 = arith.constant 0 : i32
    %c0_i32_0 = arith.constant 0 : i32
    return %arg0, %c0_i32 : i32, i32
  }
  func.func @transform_3(%arg0: i32) -> (i32, i32) {
    %c0_i32 = arith.constant 0 : i32
    %c0_i32_0 = arith.constant 0 : i32
    return %arg0, %c0_i32 : i32, i32
  }
  func.func @transform_4(%arg0: i32) -> (i32, i32) {
    %c0_i32 = arith.constant 0 : i32
    %c0_i32_0 = arith.constant 0 : i32
    return %arg0, %c0_i32 : i32, i32
  }
  func.func @transform_5(%arg0: i32) -> (i32, i32) {
    %c0_i32 = arith.constant 0 : i32
    %c0_i32_0 = arith.constant 0 : i32
    return %arg0, %c0_i32 : i32, i32
  }
}

module attributes {stable_mosaic.version = 14 : i64} {
  func.func @_te_body(%arg0: i32, %arg1: memref<2x640x128xf32, #tpu.memory_space<vmem>>, %arg2: memref<640x128xf32, #tpu.memory_space<vmem>>, %arg3: memref<640x1xf32, #tpu.memory_space<vmem>>, %arg4: memref<1x128xf32, #tpu.memory_space<vmem>>, %arg5: memref<10240x1xi32, #tpu.memory_space<vmem>>, %arg6: memref<128x1xf32, #tpu.memory_space<vmem>>, %arg7: memref<1x1xf32, #tpu.memory_space<vmem>>, %arg8: memref<64x1xf32, #tpu.memory_space<vmem>>, %arg9: memref<64x128xf32, #tpu.memory_space<vmem>>) attributes {dimension_semantics = [#tpu.dimension_semantics<arbitrary>], iteration_bounds = array<i64: 16>, scalar_prefetch = 0 : i64, scratch_operands = 1 : i64, tpu.core_type = #tpu.core_type<tc>, window_params = [{transform_indices = @transform_0, window_bounds = array<i64: 2, 640, 128>}, {transform_indices = @transform_1, window_bounds = array<i64: 640, 128>}, {transform_indices = @transform_2, window_bounds = array<i64: 640, 1>}, {pipeline_mode = #tpu.pipeline_mode<synchronous>, transform_indices = @transform_3, window_bounds = array<i64: 1, 128>}, {pipeline_mode = #tpu.pipeline_mode<synchronous>, transform_indices = @transform_4, window_bounds = array<i64: 10240, 1>}, {pipeline_mode = #tpu.pipeline_mode<synchronous>, transform_indices = @transform_5, window_bounds = array<i64: 128, 1>}, {pipeline_mode = #tpu.pipeline_mode<synchronous>, transform_indices = @transform_6, window_bounds = array<i64: 1, 1>}, {pipeline_mode = #tpu.pipeline_mode<synchronous>, transform_indices = @transform_7, window_bounds = array<i64: 64, 1>}]} {
    %get3A = arith.constant 0 : index
    %get3A_0 = arith.constant 0 : index
    %get3A_1 = arith.constant 0 : index
    %get3A_2 = vector.load %arg1[%get3A, %get3A_0, %get3A_1] : memref<2x640x128xf32, #tpu.memory_space<vmem>>, vector<2x640x128xf32>
    %slice3A = vector.extract_strided_slice %get3A_2 {offsets = [0, 0, 0], sizes = [1, 640, 128], strides = [1, 1, 1]} : vector<2x640x128xf32> to vector<1x640x128xf32>
    %squeeze3A = vector.shape_cast %slice3A : vector<1x640x128xf32> to vector<640x128xf32>
    %slice3A_3 = vector.extract_strided_slice %get3A_2 {offsets = [1, 0, 0], sizes = [1, 640, 128], strides = [1, 1, 1]} : vector<2x640x128xf32> to vector<1x640x128xf32>
    %squeeze3A_4 = vector.shape_cast %slice3A_3 : vector<1x640x128xf32> to vector<640x128xf32>
    %add3A = arith.addf %squeeze3A, %squeeze3A_4 : vector<640x128xf32>
    %get3A_5 = arith.constant 0 : index
    %get3A_6 = arith.constant 0 : index
    %get3A_7 = vector.load %arg3[%get3A_5, %get3A_6] : memref<640x1xf32, #tpu.memory_space<vmem>>, vector<640x1xf32>
    %mul3A = vector.broadcast %get3A_7 : vector<640x1xf32> to vector<640x128xf32>
    %mul3A_8 = arith.mulf %mul3A, %add3A : vector<640x128xf32>
    %mul3A_9 = arith.mulf %get3A_7, %get3A_7 : vector<640x1xf32>
    %get3A_10 = arith.constant 0 : index
    %get3A_11 = arith.constant 0 : index
    %get3A_12 = vector.load %arg2[%get3A_10, %get3A_11] : memref<640x128xf32, #tpu.memory_space<vmem>>, vector<640x128xf32>
    %mul3A_13 = vector.broadcast %mul3A_9 : vector<640x1xf32> to vector<640x128xf32>
    %mul3A_14 = arith.mulf %mul3A_13, %get3A_12 : vector<640x128xf32>
    %add3A_15 = arith.addf %mul3A_8, %mul3A_14 : vector<640x128xf32>
    %get3A_16 = arith.constant 0 : index
    %get3A_17 = arith.constant 0 : index
    %get3A_18 = vector.load %arg4[%get3A_16, %get3A_17] : memref<1x128xf32, #tpu.memory_space<vmem>>, vector<1x128xf32>
    %add3A_19 = vector.broadcast %get3A_18 : vector<1x128xf32> to vector<640x128xf32>
    %add3A_20 = arith.addf %add3A_15, %add3A_19 : vector<640x128xf32>
    %get3A_21 = arith.constant 0 : index
    %get3A_22 = arith.constant 0 : index
    %get3A_23 = vector.load %arg5[%get3A_21, %get3A_22] : memref<10240x1xi32, #tpu.memory_space<vmem>>, vector<10240x1xi32>
    %iota3A = tpu.iota {dimensions = array<i32: 1>} : vector<1x64xi32>
    %eq3A = vector.broadcast %get3A_23 : vector<10240x1xi32> to vector<10240x64xi32>
    %eq3A_24 = vector.broadcast %iota3A : vector<1x64xi32> to vector<10240x64xi32>
    %eq3A_25 = arith.cmpi eq, %eq3A, %eq3A_24 : vector<10240x64xi32>
    %jit3A = arith.constant 1.000000e+00 : f32
    %jit3A_26 = arith.constant 0.000000e+00 : f32
    %broadcast_in_dim3A = vector.broadcast %jit3A : f32 to vector<10240x64xf32>
    %broadcast_in_dim3A_27 = vector.broadcast %jit3A_26 : f32 to vector<10240x64xf32>
    %select_n3A = arith.select %eq3A_25, %broadcast_in_dim3A, %broadcast_in_dim3A_27 : vector<10240x64xi1>, vector<10240x64xf32>
    %reduce_sum3A = arith.constant dense<0.000000e+00> : vector<64xf32>
    %reduce_sum3A_28 = vector.multi_reduction <add>, %select_n3A, %reduce_sum3A [0] : vector<10240x64xf32> to vector<64xf32>
    %broadcast_in_dim3A_29 = vector.shape_cast %reduce_sum3A_28 : vector<64xf32> to vector<1x64xf32>
    %add3A_30 = arith.constant 1.000000e+00 : f32
    %add3A_31 = vector.broadcast %add3A_30 : f32 to vector<1x64xf32>
    %add3A_32 = arith.addf %broadcast_in_dim3A_29, %add3A_31 : vector<1x64xf32>
    %mul3A_33 = arith.constant 5.000000e-01 : f32
    %mul3A_34 = vector.broadcast %mul3A_33 : f32 to vector<1x64xf32>
    %mul3A_35 = arith.mulf %add3A_32, %mul3A_34 : vector<1x64xf32>
    %floor3A = math.floor %mul3A_35 : vector<1x64xf32>
    %iota3A_36 = tpu.iota {dimensions = array<i32: 0>} : vector<64x1xi32>
    %iota3A_37 = tpu.iota {dimensions = array<i32: 1>} : vector<1x64xi32>
    %lt3A = vector.broadcast %iota3A_36 : vector<64x1xi32> to vector<64x64xi32>
    %lt3A_38 = vector.broadcast %iota3A_37 : vector<1x64xi32> to vector<64x64xi32>
    %lt3A_39 = arith.cmpi slt, %lt3A, %lt3A_38 : vector<64x64xi32>
    %jit3A_40 = arith.constant 1.000000e+00 : f32
    %jit3A_41 = arith.constant 0.000000e+00 : f32
    %broadcast_in_dim3A_42 = vector.broadcast %jit3A_40 : f32 to vector<64x64xf32>
    %broadcast_in_dim3A_43 = vector.broadcast %jit3A_41 : f32 to vector<64x64xf32>
    %select_n3A_44 = arith.select %lt3A_39, %broadcast_in_dim3A_42, %broadcast_in_dim3A_43 : vector<64x64xi1>, vector<64x64xf32>
    %dot_general3A = arith.constant dense<0.000000e+00> : vector<1x64xf32>
    %dot_general3A_45 = tpu.matmul %floor3A, %select_n3A_44, %dot_general3A {dimension_numbers = #tpu.dot_dimension_numbers<[1], [0], [0], [1], [0, 0, 1, 1], [], []>, precision = #tpu.contract_precision<fp32>, transpose_lhs_hint = false} : vector<1x64xf32>, vector<64x64xf32>, vector<1x64xf32> -> vector<1x64xf32>
    %add3A_46 = arith.constant 5.000000e-01 : f32
    %add3A_47 = vector.broadcast %add3A_46 : f32 to vector<1x64xf32>
    %add3A_48 = arith.addf %dot_general3A_45, %add3A_47 : vector<1x64xf32>
    %floor3A_49 = math.floor %add3A_48 : vector<1x64xf32>
    %add3A_50 = arith.addf %floor3A_49, %floor3A : vector<1x64xf32>
    %mul3A_51 = arith.constant 640 : i32
    %mul3A_52 = arith.muli %arg0, %mul3A_51 : i32
    %iota3A_53 = tpu.iota {dimensions = array<i32: 0>} : vector<640x1xi32>
    %add3A_54 = vector.broadcast %mul3A_52 : i32 to vector<640x1xi32>
    %add3A_55 = arith.addi %add3A_54, %iota3A_53 : vector<640x1xi32>
    %convert_element_type3A = arith.sitofp %add3A_55 : vector<640x1xi32> to vector<640x1xf32>
    %ge3A = vector.broadcast %convert_element_type3A : vector<640x1xf32> to vector<640x64xf32>
    %ge3A_56 = vector.broadcast %floor3A_49 : vector<1x64xf32> to vector<640x64xf32>
    %ge3A_57 = arith.cmpf oge, %ge3A, %ge3A_56 : vector<640x64xf32>
    %lt3A_58 = vector.broadcast %convert_element_type3A : vector<640x1xf32> to vector<640x64xf32>
    %lt3A_59 = vector.broadcast %add3A_50 : vector<1x64xf32> to vector<640x64xf32>
    %lt3A_60 = arith.cmpf olt, %lt3A_58, %lt3A_59 : vector<640x64xf32>
    %and3A = arith.andi %ge3A_57, %lt3A_60 : vector<640x64xi1>
    %jit3A_61 = arith.constant 1.000000e+00 : f32
    %jit3A_62 = arith.constant 0.000000e+00 : f32
    %broadcast_in_dim3A_63 = vector.broadcast %jit3A_61 : f32 to vector<640x64xf32>
    %broadcast_in_dim3A_64 = vector.broadcast %jit3A_62 : f32 to vector<640x64xf32>
    %select_n3A_65 = arith.select %and3A, %broadcast_in_dim3A_63, %broadcast_in_dim3A_64 : vector<640x64xi1>, vector<640x64xf32>
    %dot_general3A_66 = arith.constant dense<0.000000e+00> : vector<64x128xf32>
    %dot_general3A_67 = tpu.matmul %select_n3A_65, %add3A_20, %dot_general3A_66 {dimension_numbers = #tpu.dot_dimension_numbers<[0], [0], [1], [1], [0, 1, 1, 1], [], []>, precision = #tpu.contract_precision<fp32>, transpose_lhs_hint = false} : vector<640x64xf32>, vector<640x128xf32>, vector<64x128xf32> -> vector<64x128xf32>
    %eq3A_68 = arith.constant 0 : i32
    %eq3A_69 = arith.cmpi eq, %arg0, %eq3A_68 : i32
    %convert_element_type3A_70 = arith.extui %eq3A_69 : i1 to i32
    %cond3A = arith.constant 0 : i32
    %cond3A_71 = arith.cmpi ne, %convert_element_type3A_70, %cond3A : i32
    scf.if %cond3A_71 {
      %broadcast_in_dim3A_83 = arith.constant 0.000000e+00 : f32
      %broadcast_in_dim3A_84 = vector.broadcast %broadcast_in_dim3A_83 : f32 to vector<64x128xf32>
      %swap3A_85 = arith.constant 0 : index
      %swap3A_86 = arith.constant 0 : index
      %swap3A_87 = vector.load %arg9[%swap3A_85, %swap3A_86] : memref<64x128xf32, #tpu.memory_space<vmem>>, vector<64x128xf32>
      tpu.vector_store %arg9[%swap3A_85, %swap3A_86], %broadcast_in_dim3A_84 {strides = array<i32>} : memref<64x128xf32, #tpu.memory_space<vmem>>, vector<64x128xf32>,
    } else {
    }
    %get3A_72 = arith.constant 0 : index
    %get3A_73 = arith.constant 0 : index
    %get3A_74 = vector.load %arg9[%get3A_72, %get3A_73] : memref<64x128xf32, #tpu.memory_space<vmem>>, vector<64x128xf32>
    %add3A_75 = arith.addf %get3A_74, %dot_general3A_67 : vector<64x128xf32>
    %swap3A = arith.constant 0 : index
    %swap3A_76 = arith.constant 0 : index
    %swap3A_77 = vector.load %arg9[%swap3A, %swap3A_76] : memref<64x128xf32, #tpu.memory_space<vmem>>, vector<64x128xf32>
    tpu.vector_store %arg9[%swap3A, %swap3A_76], %add3A_75 {strides = array<i32>} : memref<64x128xf32, #tpu.memory_space<vmem>>, vector<64x128xf32>,
    %eq3A_78 = arith.constant 15 : i32
    %eq3A_79 = arith.cmpi eq, %arg0, %eq3A_78 : i32
    %convert_element_type3A_80 = arith.extui %eq3A_79 : i1 to i32
    %cond3A_81 = arith.constant 0 : i32
    %cond3A_82 = arith.cmpi ne, %convert_element_type3A_80, %cond3A_81 : i32
    scf.if %cond3A_82 {
      %get3A_83 = arith.constant 0 : index
      %get3A_84 = arith.constant 0 : index
      %get3A_85 = vector.load %arg9[%get3A_83, %get3A_84] : memref<64x128xf32, #tpu.memory_space<vmem>>, vector<64x128xf32>
      %get3A_86 = arith.constant 0 : index
      %get3A_87 = arith.constant 0 : index
      %get3A_88 = vector.load %arg6[%get3A_86, %get3A_87] : memref<128x1xf32, #tpu.memory_space<vmem>>, vector<128x1xf32>
      %dot_general3A_89 = arith.constant dense<0.000000e+00> : vector<64x1xf32>
      %dot_general3A_90 = tpu.matmul %get3A_85, %get3A_88, %dot_general3A_89 {dimension_numbers = #tpu.dot_dimension_numbers<[1], [0], [0], [1], [0, 0, 1, 1], [], []>, precision = #tpu.contract_precision<fp32>, transpose_lhs_hint = false} : vector<64x128xf32>, vector<128x1xf32>, vector<64x1xf32> -> vector<64x1xf32>
      %get3A_91 = arith.constant 0 : index
      %get3A_92 = arith.constant 0 : index
      %get3A_93 = vector.load %arg7[%get3A_91, %get3A_92] : memref<1x1xf32, #tpu.memory_space<vmem>>, vector<1x1xf32>
      %add3A_94 = vector.broadcast %get3A_93 : vector<1x1xf32> to vector<64x1xf32>
      %add3A_95 = arith.addf %dot_general3A_90, %add3A_94 : vector<64x1xf32>
      %swap3A_96 = arith.constant 0 : index
      %swap3A_97 = arith.constant 0 : index
      %swap3A_98 = vector.load %arg8[%swap3A_96, %swap3A_97] : memref<64x1xf32, #tpu.memory_space<vmem>>, vector<64x1xf32>
      tpu.vector_store %arg8[%swap3A_96, %swap3A_97], %add3A_95 {strides = array<i32>} : memref<64x1xf32, #tpu.memory_space<vmem>>, vector<64x1xf32>,
    } else {
    }
    return
  }
  func.func @transform_0(%arg0: i32) -> (i32, i32, i32) {
    %c0_i32 = arith.constant 0 : i32
    %c0_i32_0 = arith.constant 0 : i32
    %c0_i32_1 = arith.constant 0 : i32
    return %c0_i32, %arg0, %c0_i32_0 : i32, i32, i32
  }
  func.func @transform_1(%arg0: i32) -> (i32, i32) {
    %c0_i32 = arith.constant 0 : i32
    %c0_i32_0 = arith.constant 0 : i32
    return %arg0, %c0_i32 : i32, i32
  }
  func.func @transform_2(%arg0: i32) -> (i32, i32) {
    %c0_i32 = arith.constant 0 : i32
    %c0_i32_0 = arith.constant 0 : i32
    return %arg0, %c0_i32 : i32, i32
  }
  func.func @transform_3(%arg0: i32) -> (i32, i32) {
    %c0_i32 = arith.constant 0 : i32
    %c0_i32_0 = arith.constant 0 : i32
    %c0_i32_1 = arith.constant 0 : i32
    return %c0_i32, %c0_i32_0 : i32, i32
  }
  func.func @transform_4(%arg0: i32) -> (i32, i32) {
    %c0_i32 = arith.constant 0 : i32
    %c0_i32_0 = arith.constant 0 : i32
    %c0_i32_1 = arith.constant 0 : i32
    return %c0_i32, %c0_i32_0 : i32, i32
  }
  func.func @transform_5(%arg0: i32) -> (i32, i32) {
    %c0_i32 = arith.constant 0 : i32
    %c0_i32_0 = arith.constant 0 : i32
    %c0_i32_1 = arith.constant 0 : i32
    return %c0_i32, %c0_i32_0 : i32, i32
  }
  func.func @transform_6(%arg0: i32) -> (i32, i32) {
    %c0_i32 = arith.constant 0 : i32
    %c0_i32_0 = arith.constant 0 : i32
    %c0_i32_1 = arith.constant 0 : i32
    return %c0_i32, %c0_i32_0 : i32, i32
  }
  func.func @transform_7(%arg0: i32) -> (i32, i32) {
    %c0_i32 = arith.constant 0 : i32
    %c0_i32_0 = arith.constant 0 : i32
    %c0_i32_1 = arith.constant 0 : i32
    return %c0_i32, %c0_i32_0 : i32, i32
  }
}

</mosaic_0001>

<sc_bundles>
// kernel: kernel.11.cloned.1.call-start
scs
__scs_entry_jumppad:
0x0: {  	(pc) =	sbr.rel $0x88, $3  }
0x1: {  	(tag) =	ssettag $0x0;
	lr =	simm.s32 $0x1  }
0x2: {  	[smem:$0x3F97] =	sst lr;
	_ =	strace $0xD0000000  }
0x3: {  	_ = 	snop  }
0x4: {  	_ = 	snop  }
0x5: {  	_ = 	snop  }
0x6: {  	_ = 	snop  }
0x7: {  	_ = 	snop  }
__scs_overlays_trampoline_lowered:
0x8: {  	[smem:$0x3FA6] =	sst s0  }
0x9: {  	[smem:$0x3FA7] =	sst s1  }
0xa: {  	[smem:$0x3FA8] =	sst s2  }
0xb: {  	[smem:$0x3FA9] =	sst s3  }
0xc: {  	[smem:$0x3FAA] =	sst s4  }
0xd: {  	[smem:$0x3FAB] =	sst s5  }
0xe: {  	[smem:$0x3FAC] =	sst s6  }
0xf: {  	[smem:$0x3FAD] =	sst s7  }
0x10: {  	[smem:$0x3FAE] =	sst s8  }
0x11: {  	[smem:$0x3FAF] =	sst s9;
	s0 =	simm.s32 @!p0 $0x0  }
0x12: {  	s1 =	sld [smem:$0x3F95];
	s0 =	simm.s32 @p0 $0x1  }
0x13: {  	[smem:$0x3FB0] =	sst s0;
	s0 =	simm.s32 @!p1 $0x0  }
0x14: {  	s2 =	sld [smem:$0x3F94];
	s0 =	simm.s32 @p1 $0x1  }
0x15: {  	[smem:$0x3FB1] =	sst s0;
	s0 =	simm.s32 @!p2 $0x0  }
0x16: {  	s3 =	sld [smem:$0x3FDB];
	s0 =	simm.s32 @p2 $0x1  }
0x17: {  	s4 =	simm.s32 $0x1BF5;
	[smem:$0x3FB3] =	sst s0  }
0x18: {  	s0 =	sld [smem:$0x3F96];
	_ =	swait.ge [sflag:s4], $0x0  }
0x19: {  	s7 =	sld [smem:$0x3F97]  }
0x1a: {  	s8 =	sadd.s32 $0xFFFFE003, lr  }
0x1b: {  	s9 =	sadd.s32 $0xFFFFFEF7, lr;
	s5 =	simm.s32 $0xFFFFFFFF;
	p2 =	slt.u32 s8, $0xFFFFF086  }
0x1c: {  	p1 =	slt.u32 s9, $0xF7A;
	s5 =	simm.s32 @!p2 $0x0  }
0x1d: {  	s5 =	simm.s32 @p1 $0x1;
	p0 =	seq.s32 s7, s2  }
0x1e: {  	s7 =	smul.u32 @!p0 $0xF7A, s2;
	p2 =	seq.s32 @!p0 s5, $0x0  }
0x1f: {  	s9 =	smul.u32 $0xF7A, s1;
	s8 =	simm.s32 @!p0 $0x1BF5;
	p2 =	por !p2, p0  }
0x20: {  	[sflag:s8] =	ssyncset.s32 @!p0 $0xFFFFF086;
	s6 =	sadd.s32 @!p0 s3, s7;
	s7 =	simm.s32 @!p0 $0x108  }
0x21: {  	s3 =	sadd.s32 s3, s9;
	s6 =	sadd.s32 @!p0 $0x88, s6;
	s7 =	simm.s32 @p2 $0x1082  }
0x22: {  	[simem:s7], [sflag:s8] =	dma.local @!p0 [hbm:s6], $0xF7A  }
0x23: {  	s9 =	sor.u32 $0xD0000000, s2;
	s6 =	simm.s32 $0x108;
	_ =	swait.ge @!p0 [sflag:s8], $0x0  }
0x24: {  	s3 =	sadd.s32 $0x88, s3;
	s6 =	simm.s32 @!p1 $0x1082;
	[sflag:s4] =	ssyncset.s32 $0xFFFFF086  }
0x25: {  	[simem:s6], [sflag:s4] =	dma.local [hbm:s3], $0xF7A  }
0x26: {  	[smem:$0x3F97] =	sst s1;
	(tag) =	ssettag s2;
	_ =	strace s9  }
0x27: {  	s1 =	sld [smem:$0x3FA7]  }
0x28: {  	s2 =	sld [smem:$0x3FA8]  }
0x29: {  	s4 =	sld [smem:$0x3FAA]  }
0x2a: {  	p0 =	seq.s32 s5, $0x0;
	s5 =	sld [smem:$0x3FAB]  }
0x2b: {  	s6 =	sld [smem:$0x3FAC]  }
0x2c: {  	s7 =	sld [smem:$0x3FAD]  }
0x2d: {  	s3 =	simm.s32 $0x108;
	s8 =	sld [smem:$0x3FAE]  }
0x2e: {  	s3 =	simm.s32 @!p0 $0x1082;
	s9 =	sld [smem:$0x3FAF]  }
0x2f: {  	lr =	sadd.s32 s0, s3;
	s0 =	sld [smem:$0x3FA6]  }
0x30: {  	s3 =	sld [smem:$0x3FA9]  }
0x31: {  	[smem:$0x3FB2] =	sst s10  }
0x32: {  	s10 =	sld [smem:$0x3FB0];
	_ =	sdelay $0x3  }
0x33: {  	p0 =	seq.s32 s10, $0x1;
	s10 =	sld [smem:$0x3FB2];
	_ =	sdelay $0x3  }
0x34: {  	[smem:$0x3FB2] =	sst s10  }
0x35: {  	s10 =	sld [smem:$0x3FB1];
	_ =	sdelay $0x3  }
0x36: {  	p1 =	seq.s32 s10, $0x1;
	s10 =	sld [smem:$0x3FB2];
	_ =	sdelay $0x3  }
0x37: {  	[smem:$0x3FB2] =	sst s10  }
0x38: {  	s10 =	sld [smem:$0x3FB3]  }
0x39: {  	_ = 	snop;
	(pc) =	sbr.ind lr, $3  }
0x3a: {  	_ = 	snop  }
0x3b: {  	_ = 	snop  }
0x3c: {  	p2 =	seq.s32 s10, $0x1;
	s10 =	sld [smem:$0x3FB2]  }
0x3d: {  	_ =	shalt  }
0x3e: {  	_ =	shalt  }
0x3f: {  	_ =	shalt  }
0x40: {  	_ =	shalt  }
0x41: {  	_ =	shalt  }
0x42: {  	_ =	shalt  }
0x43: {  	_ =	shalt  }
0x44: {  	_ =	shalt  }
0x45: {  	_ =	shalt  }
0x46: {  	_ =	shalt  }
0x47: {  	_ =	shalt  }
0x48: {  	_ =	shalt  }
0x49: {  	_ =	shalt  }
0x4a: {  	_ =	shalt  }
0x4b: {  	_ =	shalt  }
0x4c: {  	_ =	shalt  }
0x4d: {  	_ =	shalt  }
0x4e: {  	_ =	shalt  }
0x4f: {  	_ =	shalt  }
0x50: {  	_ =	shalt  }
0x51: {  	_ =	shalt  }
0x52: {  	_ =	shalt  }
0x53: {  	_ =	shalt  }
0x54: {  	_ =	shalt  }
0x55: {  	_ =	shalt  }
0x56: {  	_ =	shalt  }
0x57: {  	_ =	shalt  }
0x58: {  	_ =	shalt  }
0x59: {  	_ =	shalt  }
0x5a: {  	_ =	shalt  }
0x5b: {  	_ =	shalt  }
0x5c: {  	_ =	shalt  }
0x5d: {  	_ =	shalt  }
0x5e: {  	_ =	shalt  }
0x5f: {  	_ =	shalt  }
0x60: {  	_ =	shalt  }
0x61: {  	_ =	shalt  }
0x62: {  	_ =	shalt  }
0x63: {  	_ =	shalt  }
0x64: {  	_ =	shalt  }
0x65: {  	_ =	shalt  }
0x66: {  	_ =	shalt  }
0x67: {  	_ =	shalt  }
0x68: {  	_ =	shalt  }
0x69: {  	_ =	shalt  }
0x6a: {  	_ =	shalt  }
0x6b: {  	_ =	shalt  }
0x6c: {  	_ =	shalt  }
0x6d: {  	_ =	shalt  }
0x6e: {  	_ =	shalt  }
0x6f: {  	_ =	shalt  }
0x70: {  	_ =	shalt  }
0x71: {  	_ =	shalt  }
0x72: {  	_ =	shalt  }
0x73: {  	_ =	shalt  }
0x74: {  	_ =	shalt  }
0x75: {  	_ =	shalt  }
0x76: {  	_ =	shalt  }
0x77: {  	_ =	shalt  }
0x78: {  	_ =	shalt  }
0x79: {  	_ =	shalt  }
0x7a: {  	_ =	shalt  }
0x7b: {  	_ =	shalt  }
0x7c: {  	_ =	shalt  }
0x7d: {  	_ =	shalt  }
0x7e: {  	_ =	shalt  }
0x7f: {  	_ =	shalt  }
0x80: {  	_ =	shalt  }
0x81: {  	_ =	shalt  }
0x82: {  	_ =	shalt  }
0x83: {  	_ =	shalt  }
0x84: {  	_ =	shalt  }
0x85: {  	_ =	shalt  }
0x86: {  	_ =	shalt  }
0x87: {  	_ =	shalt  }
.Lfunc_end0:
.L_simem_size_0:
called_computation_lowered:
.L_overlay_start_0:
0x88: {  	s2 =	sld [smem:$0x3FD9]  }
0x89: {  	s3 =	sld [smem:$0x3FFE];
	_ =	sdelay $0x1  }
0x8a: {  	s1 =	srdreg.scid  }
0x8b: {  	s0 =	sand.u32 $0x1, s1  }
0x8c: {  	s16 =	sshll.u32 s0, $0xA;
	s2 =	sadd.s32 s3, s2  }
0x8d: {  	s2 =	sadd.s32 s2, s16  }
0x8e: {  	[smem:$0x3FBE] =	sst s2  }
0x8f: {  	_ = 	snop  }
0x90: {  	(tm) =	ssettm $0x1  }
0x91: {  	s17 =	sld [smem:$0x3FFB];
	_ =	sdelay $0x3  }
0x92: {  	_ =	strace s17  }
0x93: {  	s2 =	sld [smem:$0x3FFC];
	_ =	sdelay $0x3  }
0x94: {  	_ =	strace s2  }
0x95: {  	s2 =	sld [smem:$0x3FFD];
	_ =	sdelay $0x3  }
0x96: {  	_ =	strace s2  }
0x97: {  	_ =	strace $0x8FFFFFFF  }
0x98: {  	s18 =	sld [smem:$0x3FDB];
	_ =	sdelay $0x1  }
0x99: {  	s19 =	simm.s32 $_scs_section_size  }
0x9a: {  	s4 =	simm.s32 $_size__tile_overlayer_lowered;
	s5 =	simm.s32 $_tile_overlayer_lowered  }
0x9b: {  	s22 =	simm.s32 $0x1BFF;
	s21 =	sshll.u32 s5, $0x1;
	s2 =	sadd.s32 s19, s18  }
0x9c: {  	s6 =	simm.s32 $0x0;
	s20 =	sshll.u32 s4, $0x1;
	s4 =	sadd.s32 s21, s2  }
0x9d: {  	[timem:s6], [sflag:s22] =	dma.local [hbm:s4], s20  }
0x9e: {  	_ =	swait.ge [sflag:s22], s20  }
0x9f: {  	s3 =	ssub.s32 $0x0, s20;
	[sflag:s22] =	ssyncset.done $0x0  }
0xa0: {  	[sflag:s22] =	ssyncadd.s32 s3;
	_ =	sdelay $0x1  }
0xa1: {  	s23 =	simm.s32 $0x1B8B  }
0xa2: {  	_ =	swait.ge [sflag:s23], $0x1  }
0xa3: {  	[sflag:s23] =	ssyncset.done $0x0  }
0xa4: {  	s25 =	simm.s32 $0x1B8E;
	s24 =	sld [smem:$0x3FFE];
	[sflag:s23] =	ssyncadd.s32 $0xFFFFFFFF  }
0xa5: {  	s26 =	simm.s32 $execute0_lowered;
	[smem:$0x3FD2] =	sst s25  }
0xa6: {  	s4 =	sshll.u32 s26, $0x1;
	_ =	strace $0x80000046;
	[dreg:$0x1] =	wrdreg $0xFFFFFFFF  }
0xa7: {  	s28 =	simm.s32 $_size_execute0_lowered;
	s2 =	sadd.s32 s2, s4;
	[dreg:$0x0] =	wrdreg $0x0  }
0xa8: {  	s4 =	sshll.u32 s28, $0x1;
	[dreg:$0x2] =	wrdreg s2  }
0xa9: {  	[dreg:$0x3] =	wrdreg s4  }
0xaa: {  	[dreg:$0x4] =	wrdreg $0xC0  }
0xab: {  	_ =	task [dreg:s6], $0x5FFFF  }
0xac: {  	[dreg:$0x1] =	wrdreg $0xFFFFFFFF  }
0xad: {  	[dreg:$0x0] =	wrdreg $0x60  }
0xae: {  	[dreg:$0x2] =	wrdreg s24  }
0xaf: {  	[dreg:$0x3] =	wrdreg $0x4800  }
0xb0: {  	[dreg:$0x4] =	wrdreg $0x9  }
0xb1: {  	_ =	task.clear_ibuf [dreg:s6], $0x5FFFF;
	_ =	strace $0x90000046  }
0xb2: {  	s29 =	simm.s32 $0x9;
	_ =	strace $0x80000048  }
0xb3: {  	_ =	swait.ge [sflag:s29], $0x1  }
0xb4: {  	[sflag:s29] =	ssyncadd.s32 $0xFFFFFFFF  }
0xb5: {  	_ =	strace $0x90000048  }
0xb6: {  	_ =	sfence  }
0xb7: {  	s30 =	sld [smem:$0x0];
	_ =	sdelay $0x2  }
0xb8: {  	s31 =	sshll.u32 s1, $0xD;
	s1 =	sshrl.u32 s1, $0x2  }
0xb9: {  	s3 =	sand.u32 $0x4000, s31;
	s1 =	sadd.s32 s1, s30  }
0xba: {  	s0 =	sor.u32 s3, s0;
	s1 =	sshll.u32 s1, $0x11  }
0xbb: {  	s0 =	sor.u32 s1, s0  }
0xbc: {  	s0 =	sadd.s32 $0x8F2B, s0  }
0xbd: {  	[sflag:s0] =	ssyncadd.remote.s32 $0x1  }
0xbe: {  	_ =	sfence.sel $0xFFFF  }
0xbf: {  	[dreg:$0x0] =	wrdreg $0xFFFFFFFF;
	(pc) =	sbr.abs _section_cstart, $3  }
0xc0: {  	[dreg:$0x1] =	wrdreg $0xFFFFFFFF  }
0xc1: {  	_ =	task.clear_ibuf [dreg:s6], $0x2FFFF;
	_ =	strace $0x9FFFFFFF  }
0xc2: {  	(tm) =	ssettm $0x7FFFFFFF  }
0xc3: {  	_ =	shalt  }
tec
execute0_lowered:
.L_overlay_start_1:
0x0: {  	(tag) =	ssettag $0x1  }
0x1: {  	s4 =	rddreg [dreg:$0x0];
	s0 =	srdreg.scid  }
0x2: {  	s2 =	rddreg [dreg:$0x1];
	s1 =	stileid.u32  }
0x3: {  	s3 =	simm.s32 $0x0;
	s11 =	simm.s32 $0x100;
	s7 =	smul.u32 $0x2710, s1  }
0x4: {  	s12 =	simm.s32 $0x80;
	s5 =	sand.u32 $0x1, s0;
	s28 =	smul.u32 $0x500, s1  }
0x5: {  	s13 =	simm.s32 $0x0;
	[smem:$0x7FF] =	sst s3;
	s6 =	smul.u32 $0x27100, s5  }
0x6: {  	s0 =	rddreg [dreg:$0x2];
	s9 =	smul.u32 $0xA00, s1;
	_ =	strace $0x80000047  }
0x7: {  	s8 =	sshll.u32 s5, $0x7;
	s5 =	ssub.s32 $0x2, s5;
	s6 =	sadd.s32 s7, s6  }
0x8: {  	s29 =	sor.u32 s8, s28;
	s30 =	sshrl.u32 s5, $0x1;
	s6 =	sshrl.u32 s6, $0x3  }
0x9: {  	s31 =	sshrl.u32 s9, $0x2;
	s10 =	sadd.s32 s6, s4;
	s6 =	sshrl.u32 s29, $0x3  }
0xa: {  	s8 =	simm.s32 $0x200;
	s9 =	simm.s32 $0x1;
	s6 =	sadd.s32 s6, s4  }
0xb: {  	s7 =	ssub.s32 s5, s30;
	s4 =	sadd.s32 s31, s2;
	s5 =	sadd.s32 $0x16800, s6  }
0xc: {  	v0 =	vimm.f32 $0.0e+00;
	v1 =	vimm.f32 $1.000000000e+00;
	s6 =	smax.u32 s7, $0x1;
	s7 =	sadd.s32 $0xCA00, s10;
	s10 =	simm.s32 $0xC8  }
.LBB2_1:
0xd: {  	[tilespmem:$0x200] =	vst v0  }
0xe: {  	[tilespmem:$0x210] =	vst v0  }
0xf: {  	[tilespmem:$0x220] =	vst v0  }
0x10: {  	[tilespmem:$0x230] =	vst v0  }
0x11: {  	[tilespmem:$0x240] =	vst v0  }
0x12: {  	[tilespmem:$0x250] =	vst v0  }
0x13: {  	[tilespmem:$0x260] =	vst v0  }
0x14: {  	[tilespmem:$0x270] =	vst v0  }
0x15: {  	[tilespmem:$0x280] =	vst v0  }
0x16: {  	[tilespmem:$0x290] =	vst v0  }
0x17: {  	[tilespmem:$0x2A0] =	vst v0  }
0x18: {  	[tilespmem:$0x2B0] =	vst v0  }
0x19: {  	[tilespmem:$0x2C0] =	vst v0  }
0x1a: {  	[tilespmem:$0x2D0] =	vst v0  }
0x1b: {  	[tilespmem:$0x2E0] =	vst v0  }
0x1c: {  	[tilespmem:$0x2F0] =	vst v0  }
0x1d: {  	[tilespmem:$0x300] =	vst v0  }
0x1e: {  	[tilespmem:$0x310] =	vst v0  }
0x1f: {  	[tilespmem:$0x320] =	vst v0  }
0x20: {  	[tilespmem:$0x330] =	vst v0  }
0x21: {  	[tilespmem:$0x340] =	vst v0  }
0x22: {  	[tilespmem:$0x350] =	vst v0  }
0x23: {  	[tilespmem:$0x360] =	vst v0  }
0x24: {  	[tilespmem:$0x370] =	vst v0  }
0x25: {  	[tilespmem:$0x380] =	vst v0  }
0x26: {  	[tilespmem:$0x390] =	vst v0  }
0x27: {  	[tilespmem:$0x3A0] =	vst v0  }
0x28: {  	[tilespmem:$0x3B0] =	vst v0  }
0x29: {  	[tilespmem:$0x3C0] =	vst v0  }
0x2a: {  	[tilespmem:$0x3D0] =	vst v0  }
0x2b: {  	[tilespmem:$0x3E0] =	vst v0  }
0x2c: {  	[tilespmem:$0x3F0] =	vst v0  }
0x2d: {  	[tilespmem:$0x400] =	vst v0  }
0x2e: {  	[tilespmem:$0x410] =	vst v0  }
0x2f: {  	[tilespmem:$0x420] =	vst v0  }
0x30: {  	[tilespmem:$0x430] =	vst v0  }
0x31: {  	[tilespmem:$0x440] =	vst v0  }
0x32: {  	[tilespmem:$0x450] =	vst v0  }
0x33: {  	[tilespmem:$0x460] =	vst v0  }
0x34: {  	[tilespmem:$0x470] =	vst v0  }
0x35: {  	[spmem:s4] =	stream.linear.scatter [tilespmem:s8], [sflag:$0x1], $0x280, $0x38;
	[tilespmem:$0x700] =	vst v63  }
0x36: {  	_ =	swait.ge [sflag:s9], $0x280  }
0x37: {  	[sflag:s9] =	ssyncset.done $0x0  }
0x38: {  	[sflag:s9] =	ssyncadd.s32 $0xFFFFFD80  }
0x39: {  	[tilespmem:$0x100] =	vst v1  }
0x3a: {  	[tilespmem:$0x110] =	vst v1  }
0x3b: {  	[tilespmem:$0x120] =	vst v1  }
0x3c: {  	[tilespmem:$0x130] =	vst v1  }
0x3d: {  	[tilespmem:$0x140] =	vst v1  }
0x3e: {  	[tilespmem:$0x150] =	vst v1  }
0x3f: {  	[tilespmem:$0x160] =	vst v1  }
0x40: {  	[tilespmem:$0x170] =	vst v1  }
0x41: {  	[tilespmem:$0x180] =	vst v1  }
0x42: {  	[tilespmem:$0x190] =	vst v1  }
0x43: {  	[tilespmem:$0x1A0] =	vst v1  }
0x44: {  	[tilespmem:$0x1B0] =	vst v1  }
0x45: {  	[tilespmem:$0x1B8] =	vst v1  }
0x46: {  	s14 =	sadd.s32 $0x0, s7;
	[bflag:$0x0] =	sbarrier.arrive $0xFFFF  }
0x47: {  	[tilespmem:s3], [sflag:$0x1] =	stream.linear.gather [hbm4b:s14+s3], $0xC8, $0x38;
	[tilespmem:$0x700] =	vst v63  }
0x48: {  	_ =	swait.ge [sflag:s9], $0xC8  }
0x49: {  	[sflag:s9] =	ssyncset.done $0x0  }
0x4a: {  	[sflag:s9] =	ssyncadd.s32 $0xFFFFFF38  }
0x4b: {  	[spmem:s2] =	stream.indirect.scatter.add.f32 [tilespmem:s11], [sflag:$0x1], $0x1, s3, s10, $0xb8;
	[tilespmem:$0x700] =	vst v63  }
0x4c: {  	_ =	swait.ge [sflag:s9], $0xC8  }
0x4d: {  	s15 =	simm.s32 $0x32;
	s14 =	simm.s32 $0x19;
	[sflag:s9] =	ssyncset.done $0x0  }
.LBB2_2:
0x4e: {  	s16 =	sadd.s32 s14, s7  }
0x4f: {  	[sflag:s9] =	ssyncadd.s32 $0xFFFFFF38;
	s14 =	smov.u32 s15;
	s17 =	sadd.s32 $0x19, s15  }
0x50: {  	[tilespmem:s3], [sflag:$0x1] =	stream.linear.gather [hbm4b:s16+s3], $0xC8, $0x38;
	[tilespmem:$0x700] =	vst v63  }
0x51: {  	p0 =	sne.s32 s15, $0x4C9;
	_ =	swait.ge [sflag:s9], $0xC8  }
.Ltmp0:
0x52: {  	[sflag:s9] =	ssyncset.done $0x0;
	(pc) =	sbr.rel @p0 .LBB2_2-.Ltmp0, $4  }
0x53: {  	[sflag:s9] =	ssyncadd.s32 $0xFFFFFF38  }
0x54: {  	[spmem:s2] =	stream.indirect.scatter.add.f32 [tilespmem:s11], [sflag:$0x1], $0x1, s3, s10, $0xb8;
	[tilespmem:$0x700] =	vst v63  }
0x55: {  	_ =	swait.ge [sflag:s9], $0xC8  }
0x56: {  	s15 =	smov.u32 s17;
	[sflag:s9] =	ssyncset.done $0x0  }
0x57: {  	s14 =	sadd.s32 s14, s7;
	[sflag:s9] =	ssyncadd.s32 $0xFFFFFF38  }
0x58: {  	[tilespmem:s3], [sflag:$0x1] =	stream.linear.gather [hbm4b:s14+s3], $0xC8, $0x38;
	[tilespmem:$0x700] =	vst v63  }
0x59: {  	_ =	swait.ge [sflag:s9], $0xC8  }
0x5a: {  	[sflag:s9] =	ssyncset.done $0x0  }
0x5b: {  	[sflag:s9] =	ssyncadd.s32 $0xFFFFFF38  }
0x5c: {  	[spmem:s2] =	stream.indirect.scatter.add.f32 [tilespmem:s11], [sflag:$0x1], $0x1, s3, s10, $0xb8;
	[tilespmem:$0x700] =	vst v63  }
0x5d: {  	_ =	swait.ge [sflag:s9], $0xC8  }
0x5e: {  	[sflag:s9] =	ssyncset.done $0x0  }
0x5f: {  	[sflag:s9] =	ssyncadd.s32 $0xFFFFFF38  }
0x60: {  	[bflag:$0x0] =	sbarrier.arrive $0xFFFF  }
0x61: {  	[tilespmem:s8], [sflag:$0x1] =	stream.linear.gather [spmem:s4], $0x280, $0x38;
	[tilespmem:$0x700] =	vst v63  }
0x62: {  	s13 =	sadd.s32 $0x1, s13;
	_ =	swait.ge [sflag:s9], $0x280  }
0x63: {  	p0 =	sne.s32 s13, s6;
	[sflag:s9] =	ssyncset.done $0x0  }
.Ltmp1:
0x64: {  	[sflag:s9] =	ssyncadd.s32 $0xFFFFFD80;
	(pc) =	sbr.rel @p0 .LBB2_1-.Ltmp1, $4  }
0x65: {  	[hbm4b:s5+s12] =	stream.strided.scatter [tilespmem:s8], [sflag:$0x1], $0x280, s11, s12, $0x38;
	[tilespmem:$0x700] =	vst v63  }
0x66: {  	_ =	swait.ge [sflag:s9], $0x280  }
0x67: {  	[sflag:s9] =	ssyncset.done $0x0  }
0x68: {  	[sflag:s9] =	ssyncadd.s32 $0xFFFFFD80  }
0x69: {  	_ =	sfence.sel $0x180000  }
0x6a: {  	[bflag:$0x0] =	sbarrier.arrive $0xFFFF  }
0x6b: {  	p0 =	sne.s32 s1, $0x0;
	_ =	strace $0x90000047  }
0x6c: {  	s0 =	sadd.s32 @!p0 $0x100000, s0;
	[bflag:$0x2] =	sbarrier.arrive $0xFFFF  }
0x6d: {  	[sflag:s0] =	ssyncadd.tile.s32 @!p0 $0x1;
	_ =	shalt  }
.Lfunc_end2:
_tile_overlayer_lowered:
.L_overlay_start_2:
0x6e: {  	(tag) =	ssettag $0x2  }
0x6f: {  	s0 =	rddreg [dreg:$0x0];
	s2 =	stileid.u32  }
0x70: {  	s1 =	rddreg [dreg:$0x1];
	p0 =	sne.s32 s2, $0x0  }
0x71: {  	s3 =	rddreg [dreg:$0x2];
	[bflag:$0x3] =	sbarrier.arrive $0xFFFF;
	s2 =	simm.s32 @!p0 $0x1C01  }
0x72: {  	[timem:s3], [sflag:s2] =	dma.local @!p0 [hbm:s0], s1  }
0x73: {  	s0 =	simm.s32 @!p0 $0x1  }
0x74: {  	_ =	swait.ge @!p0 [sflag:s0], s1  }
0x75: {  	s1 =	ssub.s32 @!p0 $0x0, s1;
	[sflag:s0] =	ssyncset.done @!p0 $0x0  }
0x76: {  	[sflag:s0] =	ssyncadd.s32 @!p0 s1  }
0x77: {  	[bflag:$0x3] =	sbarrier.arrive $0xFFFF  }
0x78: {  	_ =	shalt  }

// kernel: kernel.14.cloned.1.call-start
scs
__scs_entry_jumppad:
0x0: {  	(pc) =	sbr.rel $0x88, $3  }
0x1: {  	(tag) =	ssettag $0x0;
	lr =	simm.s32 $0x1  }
0x2: {  	[smem:$0x3F97] =	sst lr;
	_ =	strace $0xD0000000  }
0x3: {  	_ = 	snop  }
0x4: {  	_ = 	snop  }
0x5: {  	_ = 	snop  }
0x6: {  	_ = 	snop  }
0x7: {  	_ = 	snop  }
__scs_overlays_trampoline_lowered:
0x8: {  	[smem:$0x3FA6] =	sst s0  }
0x9: {  	[smem:$0x3FA7] =	sst s1  }
0xa: {  	[smem:$0x3FA8] =	sst s2  }
0xb: {  	[smem:$0x3FA9] =	sst s3  }
0xc: {  	[smem:$0x3FAA] =	sst s4  }
0xd: {  	[smem:$0x3FAB] =	sst s5  }
0xe: {  	[smem:$0x3FAC] =	sst s6  }
0xf: {  	[smem:$0x3FAD] =	sst s7  }
0x10: {  	[smem:$0x3FAE] =	sst s8  }
0x11: {  	[smem:$0x3FAF] =	sst s9;
	s0 =	simm.s32 @!p0 $0x0  }
0x12: {  	s1 =	sld [smem:$0x3F95];
	s0 =	simm.s32 @p0 $0x1  }
0x13: {  	[smem:$0x3FB0] =	sst s0;
	s0 =	simm.s32 @!p1 $0x0  }
0x14: {  	s2 =	sld [smem:$0x3F94];
	s0 =	simm.s32 @p1 $0x1  }
0x15: {  	[smem:$0x3FB1] =	sst s0;
	s0 =	simm.s32 @!p2 $0x0  }
0x16: {  	s3 =	sld [smem:$0x3FDB];
	s0 =	simm.s32 @p2 $0x1  }
0x17: {  	s4 =	simm.s32 $0x1BF5;
	[smem:$0x3FB3] =	sst s0  }
0x18: {  	s0 =	sld [smem:$0x3F96];
	_ =	swait.ge [sflag:s4], $0x0  }
0x19: {  	s7 =	sld [smem:$0x3F97]  }
0x1a: {  	s8 =	sadd.s32 $0xFFFFE003, lr  }
0x1b: {  	s9 =	sadd.s32 $0xFFFFFEF7, lr;
	s5 =	simm.s32 $0xFFFFFFFF;
	p2 =	slt.u32 s8, $0xFFFFF086  }
0x1c: {  	p1 =	slt.u32 s9, $0xF7A;
	s5 =	simm.s32 @!p2 $0x0  }
0x1d: {  	s5 =	simm.s32 @p1 $0x1;
	p0 =	seq.s32 s7, s2  }
0x1e: {  	s7 =	smul.u32 @!p0 $0xF7A, s2;
	p2 =	seq.s32 @!p0 s5, $0x0  }
0x1f: {  	s9 =	smul.u32 $0xF7A, s1;
	s8 =	simm.s32 @!p0 $0x1BF5;
	p2 =	por !p2, p0  }
0x20: {  	[sflag:s8] =	ssyncset.s32 @!p0 $0xFFFFF086;
	s6 =	sadd.s32 @!p0 s3, s7;
	s7 =	simm.s32 @!p0 $0x108  }
0x21: {  	s3 =	sadd.s32 s3, s9;
	s6 =	sadd.s32 @!p0 $0x88, s6;
	s7 =	simm.s32 @p2 $0x1082  }
0x22: {  	[simem:s7], [sflag:s8] =	dma.local @!p0 [hbm:s6], $0xF7A  }
0x23: {  	s9 =	sor.u32 $0xD0000000, s2;
	s6 =	simm.s32 $0x108;
	_ =	swait.ge @!p0 [sflag:s8], $0x0  }
0x24: {  	s3 =	sadd.s32 $0x88, s3;
	s6 =	simm.s32 @!p1 $0x1082;
	[sflag:s4] =	ssyncset.s32 $0xFFFFF086  }
0x25: {  	[simem:s6], [sflag:s4] =	dma.local [hbm:s3], $0xF7A  }
0x26: {  	[smem:$0x3F97] =	sst s1;
	(tag) =	ssettag s2;
	_ =	strace s9  }
0x27: {  	s1 =	sld [smem:$0x3FA7]  }
0x28: {  	s2 =	sld [smem:$0x3FA8]  }
0x29: {  	s4 =	sld [smem:$0x3FAA]  }
0x2a: {  	p0 =	seq.s32 s5, $0x0;
	s5 =	sld [smem:$0x3FAB]  }
0x2b: {  	s6 =	sld [smem:$0x3FAC]  }
0x2c: {  	s7 =	sld [smem:$0x3FAD]  }
0x2d: {  	s3 =	simm.s32 $0x108;
	s8 =	sld [smem:$0x3FAE]  }
0x2e: {  	s3 =	simm.s32 @!p0 $0x1082;
	s9 =	sld [smem:$0x3FAF]  }
0x2f: {  	lr =	sadd.s32 s0, s3;
	s0 =	sld [smem:$0x3FA6]  }
0x30: {  	s3 =	sld [smem:$0x3FA9]  }
0x31: {  	[smem:$0x3FB2] =	sst s10  }
0x32: {  	s10 =	sld [smem:$0x3FB0];
	_ =	sdelay $0x3  }
0x33: {  	p0 =	seq.s32 s10, $0x1;
	s10 =	sld [smem:$0x3FB2];
	_ =	sdelay $0x3  }
0x34: {  	[smem:$0x3FB2] =	sst s10  }
0x35: {  	s10 =	sld [smem:$0x3FB1];
	_ =	sdelay $0x3  }
0x36: {  	p1 =	seq.s32 s10, $0x1;
	s10 =	sld [smem:$0x3FB2];
	_ =	sdelay $0x3  }
0x37: {  	[smem:$0x3FB2] =	sst s10  }
0x38: {  	s10 =	sld [smem:$0x3FB3]  }
0x39: {  	_ = 	snop;
	(pc) =	sbr.ind lr, $3  }
0x3a: {  	_ = 	snop  }
0x3b: {  	_ = 	snop  }
0x3c: {  	p2 =	seq.s32 s10, $0x1;
	s10 =	sld [smem:$0x3FB2]  }
0x3d: {  	_ =	shalt  }
0x3e: {  	_ =	shalt  }
0x3f: {  	_ =	shalt  }
0x40: {  	_ =	shalt  }
0x41: {  	_ =	shalt  }
0x42: {  	_ =	shalt  }
0x43: {  	_ =	shalt  }
0x44: {  	_ =	shalt  }
0x45: {  	_ =	shalt  }
0x46: {  	_ =	shalt  }
0x47: {  	_ =	shalt  }
0x48: {  	_ =	shalt  }
0x49: {  	_ =	shalt  }
0x4a: {  	_ =	shalt  }
0x4b: {  	_ =	shalt  }
0x4c: {  	_ =	shalt  }
0x4d: {  	_ =	shalt  }
0x4e: {  	_ =	shalt  }
0x4f: {  	_ =	shalt  }
0x50: {  	_ =	shalt  }
0x51: {  	_ =	shalt  }
0x52: {  	_ =	shalt  }
0x53: {  	_ =	shalt  }
0x54: {  	_ =	shalt  }
0x55: {  	_ =	shalt  }
0x56: {  	_ =	shalt  }
0x57: {  	_ =	shalt  }
0x58: {  	_ =	shalt  }
0x59: {  	_ =	shalt  }
0x5a: {  	_ =	shalt  }
0x5b: {  	_ =	shalt  }
0x5c: {  	_ =	shalt  }
0x5d: {  	_ =	shalt  }
0x5e: {  	_ =	shalt  }
0x5f: {  	_ =	shalt  }
0x60: {  	_ =	shalt  }
0x61: {  	_ =	shalt  }
0x62: {  	_ =	shalt  }
0x63: {  	_ =	shalt  }
0x64: {  	_ =	shalt  }
0x65: {  	_ =	shalt  }
0x66: {  	_ =	shalt  }
0x67: {  	_ =	shalt  }
0x68: {  	_ =	shalt  }
0x69: {  	_ =	shalt  }
0x6a: {  	_ =	shalt  }
0x6b: {  	_ =	shalt  }
0x6c: {  	_ =	shalt  }
0x6d: {  	_ =	shalt  }
0x6e: {  	_ =	shalt  }
0x6f: {  	_ =	shalt  }
0x70: {  	_ =	shalt  }
0x71: {  	_ =	shalt  }
0x72: {  	_ =	shalt  }
0x73: {  	_ =	shalt  }
0x74: {  	_ =	shalt  }
0x75: {  	_ =	shalt  }
0x76: {  	_ =	shalt  }
0x77: {  	_ =	shalt  }
0x78: {  	_ =	shalt  }
0x79: {  	_ =	shalt  }
0x7a: {  	_ =	shalt  }
0x7b: {  	_ =	shalt  }
0x7c: {  	_ =	shalt  }
0x7d: {  	_ =	shalt  }
0x7e: {  	_ =	shalt  }
0x7f: {  	_ =	shalt  }
0x80: {  	_ =	shalt  }
0x81: {  	_ =	shalt  }
0x82: {  	_ =	shalt  }
0x83: {  	_ =	shalt  }
0x84: {  	_ =	shalt  }
0x85: {  	_ =	shalt  }
0x86: {  	_ =	shalt  }
0x87: {  	_ =	shalt  }
.Lfunc_end0:
.L_simem_size_0:
called_computation.1_lowered:
.L_overlay_start_0:
0x88: {  	s2 =	sld [smem:$0x3FD9]  }
0x89: {  	s3 =	sld [smem:$0x3FFE];
	_ =	sdelay $0x1  }
0x8a: {  	s1 =	srdreg.scid  }
0x8b: {  	s0 =	sand.u32 $0x1, s1  }
0x8c: {  	s16 =	sshll.u32 s0, $0xA;
	s2 =	sadd.s32 s3, s2  }
0x8d: {  	s2 =	sadd.s32 s2, s16  }
0x8e: {  	[smem:$0x3FBE] =	sst s2  }
0x8f: {  	_ = 	snop  }
0x90: {  	(tm) =	ssettm $0x1  }
0x91: {  	s17 =	sld [smem:$0x3FFB];
	_ =	sdelay $0x3  }
0x92: {  	_ =	strace s17  }
0x93: {  	s2 =	sld [smem:$0x3FFC];
	_ =	sdelay $0x3  }
0x94: {  	_ =	strace s2  }
0x95: {  	s2 =	sld [smem:$0x3FFD];
	_ =	sdelay $0x3  }
0x96: {  	_ =	strace s2  }
0x97: {  	_ =	strace $0x8FFFFFFF  }
0x98: {  	s18 =	sld [smem:$0x3FDB];
	_ =	sdelay $0x1  }
0x99: {  	s19 =	simm.s32 $_scs_section_size  }
0x9a: {  	s4 =	simm.s32 $_size__tile_overlayer_lowered;
	s5 =	simm.s32 $_tile_overlayer_lowered  }
0x9b: {  	s22 =	simm.s32 $0x1BFF;
	s21 =	sshll.u32 s5, $0x1;
	s2 =	sadd.s32 s19, s18  }
0x9c: {  	s6 =	simm.s32 $0x0;
	s20 =	sshll.u32 s4, $0x1;
	s4 =	sadd.s32 s21, s2  }
0x9d: {  	[timem:s6], [sflag:s22] =	dma.local [hbm:s4], s20  }
0x9e: {  	_ =	swait.ge [sflag:s22], s20  }
0x9f: {  	s3 =	ssub.s32 $0x0, s20;
	[sflag:s22] =	ssyncset.done $0x0  }
0xa0: {  	[sflag:s22] =	ssyncadd.s32 s3;
	_ =	sdelay $0x1  }
0xa1: {  	s23 =	simm.s32 $0x1B8B  }
0xa2: {  	_ =	swait.ge [sflag:s23], $0x1  }
0xa3: {  	[sflag:s23] =	ssyncset.done $0x0  }
0xa4: {  	s25 =	simm.s32 $0x1B8E;
	s24 =	sld [smem:$0x3FFE];
	[sflag:s23] =	ssyncadd.s32 $0xFFFFFFFF  }
0xa5: {  	s26 =	simm.s32 $execute0_lowered;
	[smem:$0x3FD2] =	sst s25  }
0xa6: {  	s4 =	sshll.u32 s26, $0x1;
	_ =	strace $0x80000049;
	[dreg:$0x1] =	wrdreg $0xFFFFFFFF  }
0xa7: {  	s28 =	simm.s32 $_size_execute0_lowered;
	s2 =	sadd.s32 s2, s4;
	[dreg:$0x0] =	wrdreg $0x0  }
0xa8: {  	s4 =	sshll.u32 s28, $0x1;
	[dreg:$0x2] =	wrdreg s2  }
0xa9: {  	[dreg:$0x3] =	wrdreg s4  }
0xaa: {  	[dreg:$0x4] =	wrdreg $0xC0  }
0xab: {  	_ =	task [dreg:s6], $0x5FFFF  }
0xac: {  	[dreg:$0x1] =	wrdreg $0xFFFFFFFF  }
0xad: {  	[dreg:$0x0] =	wrdreg $0x60  }
0xae: {  	[dreg:$0x2] =	wrdreg s24  }
0xaf: {  	[dreg:$0x3] =	wrdreg $0x66000  }
0xb0: {  	[dreg:$0x4] =	wrdreg $0x9  }
0xb1: {  	_ =	task.clear_ibuf [dreg:s6], $0x5FFFF;
	_ =	strace $0x90000049  }
0xb2: {  	s29 =	simm.s32 $0x9;
	_ =	strace $0x8000004B  }
0xb3: {  	_ =	swait.ge [sflag:s29], $0x1  }
0xb4: {  	[sflag:s29] =	ssyncadd.s32 $0xFFFFFFFF  }
0xb5: {  	_ =	strace $0x9000004B  }
0xb6: {  	_ =	sfence  }
0xb7: {  	s30 =	sld [smem:$0x0];
	_ =	sdelay $0x2  }
0xb8: {  	s31 =	sshll.u32 s1, $0xD;
	s1 =	sshrl.u32 s1, $0x2  }
0xb9: {  	s3 =	sand.u32 $0x4000, s31;
	s1 =	sadd.s32 s1, s30  }
0xba: {  	s0 =	sor.u32 s3, s0;
	s1 =	sshll.u32 s1, $0x11  }
0xbb: {  	s0 =	sor.u32 s1, s0  }
0xbc: {  	s0 =	sadd.s32 $0x8F2B, s0  }
0xbd: {  	[sflag:s0] =	ssyncadd.remote.s32 $0x1  }
0xbe: {  	_ =	sfence.sel $0xFFFF  }
0xbf: {  	[dreg:$0x0] =	wrdreg $0xFFFFFFFF;
	(pc) =	sbr.abs _section_cstart, $3  }
0xc0: {  	[dreg:$0x1] =	wrdreg $0xFFFFFFFF  }
0xc1: {  	_ =	task.clear_ibuf [dreg:s6], $0x2FFFF;
	_ =	strace $0x9FFFFFFF  }
0xc2: {  	(tm) =	ssettm $0x7FFFFFFF  }
0xc3: {  	_ =	shalt  }
tec
execute0_lowered:
.L_overlay_start_1:
0x0: {  	(tag) =	ssettag $0x1  }
0x1: {  	s6 =	rddreg [dreg:$0x0]  }
0x2: {  	s2 =	rddreg [dreg:$0x1]  }
0x3: {  	s0 =	srdreg.scid;
	s1 =	rddreg [dreg:$0x2]  }
0x4: {  	s3 =	simm.s32 $0x0;
	s18 =	simm.s32 $0x2;
	s7 =	sand.u32 $0x1, s0  }
0x5: {  	s19 =	simm.s32 $0x100;
	s0 =	stileid.u32;
	s4 =	smul.u32 $0x27100, s7  }
0x6: {  	s20 =	simm.s32 $0xC8;
	s21 =	simm.s32 $0x1;
	s5 =	smul.u32 $0x2710, s0  }
0x7: {  	s22 =	simm.s32 $0x0;
	[smem:$0x7FF] =	sst s3;
	s8 =	smul.u32 $0x50000, s0  }
0x8: {  	s13 =	sadd.s32 $0x8E800, s6;
	s9 =	ssub.s32 $0x2, s7;
	s10 =	smul.u32 $0x14000, s0  }
0x9: {  	_ =	strace $0x8000004A;
	s11 =	smul.u32 $0x140000, s7;
	s28 =	sshrl.u32 s9, $0x1  }
0xa: {  	s4 =	sadd.s32 s5, s4;
	s14 =	ssub.s32 s9, s28;
	s29 =	sshrl.u32 s8, $0x2  }
0xb: {  	s12 =	sadd.s32 $0x5000, s10;
	s30 =	sadd.s32 s10, s11;
	s15 =	sadd.s32 $0xA000, s10  }
0xc: {  	s17 =	sadd.s32 $0xF000, s10;
	s5 =	sshrl.u32 s4, $0x3;
	s4 =	sadd.s32 $0x16800, s6  }
0xd: {  	s7 =	sadd.s32 s12, s2;
	s31 =	sshrl.u32 s30, $0x3;
	s8 =	sadd.s32 s15, s2  }
0xe: {  	s9 =	sadd.s32 s17, s2;
	s12 =	sadd.s32 s11, s12;
	s15 =	sadd.s32 s11, s15  }
0xf: {  	s11 =	sadd.s32 s11, s17;
	s14 =	smax.u32 s14, $0x1;
	s16 =	sadd.s32 s5, s6  }
0x10: {  	s5 =	sadd.s32 $0x66800, s6;
	s6 =	sadd.s32 s29, s2;
	s10 =	sadd.s32 s13, s31  }
0x11: {  	s12 =	sshrl.u32 s12, $0x3;
	s15 =	sshrl.u32 s15, $0x3;
	s17 =	sshrl.u32 s11, $0x3  }
0x12: {  	s11 =	sadd.s32 s13, s12;
	s12 =	sadd.s32 s13, s15;
	s13 =	sadd.s32 s13, s17  }
0x13: {  	s15 =	sadd.s32 $0xCA00, s16;
	s16 =	sadd.s32 $0x2C00, s16;
	s17 =	simm.s32 $0x200  }
.LBB2_1:
0x14: {  	[tilespmem:s17], [sflag:$0x2] =	stream.linear.gather [hbm4b:s5+s3], $0x5000, $0x38;
	[tilespmem:$0x1A600] =	vst v63  }
0x15: {  	_ =	swait.ge [sflag:s18], $0x5000  }
0x16: {  	[sflag:s18] =	ssyncset.done $0x0  }
0x17: {  	[sflag:s18] =	ssyncadd.s32 $0xFFFFB000  }
0x18: {  	[spmem:s6] =	stream.linear.scatter [tilespmem:s17], [sflag:$0x2], $0x5000, $0x38;
	[tilespmem:$0x1A600] =	vst v63  }
0x19: {  	_ =	swait.ge [sflag:s18], $0x5000  }
0x1a: {  	[sflag:s18] =	ssyncset.done $0x0  }
0x1b: {  	[sflag:s18] =	ssyncadd.s32 $0xFFFFB000  }
0x1c: {  	[spmem:s7] =	stream.linear.scatter [tilespmem:s17], [sflag:$0x2], $0x5000, $0x38;
	[tilespmem:$0x1A600] =	vst v63  }
0x1d: {  	_ =	swait.ge [sflag:s18], $0x5000  }
0x1e: {  	[sflag:s18] =	ssyncset.done $0x0  }
0x1f: {  	[sflag:s18] =	ssyncadd.s32 $0xFFFFB000  }
0x20: {  	[spmem:s8] =	stream.linear.scatter [tilespmem:s17], [sflag:$0x2], $0x5000, $0x38;
	[tilespmem:$0x1A600] =	vst v63  }
0x21: {  	_ =	swait.ge [sflag:s18], $0x5000  }
0x22: {  	[sflag:s18] =	ssyncset.done $0x0  }
0x23: {  	[sflag:s18] =	ssyncadd.s32 $0xFFFFB000  }
0x24: {  	[spmem:s9] =	stream.linear.scatter [tilespmem:s17], [sflag:$0x2], $0x5000, $0x38;
	[tilespmem:$0x1A600] =	vst v63  }
0x25: {  	_ =	swait.ge [sflag:s18], $0x5000  }
0x26: {  	[sflag:s18] =	ssyncset.done $0x0  }
0x27: {  	[sflag:s18] =	ssyncadd.s32 $0xFFFFB000  }
0x28: {  	s23 =	sadd.s32 $0x0, s16;
	[bflag:$0x0] =	sbarrier.arrive $0xFFFF  }
0x29: {  	[tilespmem:s3], [sflag:$0x2] =	stream.linear.gather [hbm4b:s23+s3], $0xC8, $0x38;
	[tilespmem:$0x1A600] =	vst v63  }
0x2a: {  	_ =	swait.ge [sflag:s18], $0xC8  }
0x2b: {  	[sflag:s18] =	ssyncset.done $0x0  }
0x2c: {  	s31 =	sadd.s32 $0x0, s15;
	[sflag:s18] =	ssyncadd.s32 $0xFFFFFF38  }
0x2d: {  	[tilespmem:s19], [sflag:$0x2] =	stream.linear.gather [hbm4b:s31+s3], $0xC8, $0x38;
	[tilespmem:$0x1A600] =	vst v63  }
0x2e: {  	_ =	swait.ge [sflag:s18], $0xC8  }
0x2f: {  	[sflag:s18] =	ssyncset.done $0x0  }
0x30: {  	[sflag:s18] =	ssyncadd.s32 $0xFFFFFF38  }
0x31: {  	[tilespmem:s17], [sflag:$0x1] =	stream.indirect.gather [hbm4b:s4+s20], $0x80, s3, s20, $0xb8;
	[tilespmem:$0x1A600] =	vst v63  }
0x32: {  	_ =	swait.ge [sflag:s21], $0x6400  }
0x33: {  	[sflag:s21] =	ssyncset.done $0x0  }
0x34: {  	[sflag:s21] =	ssyncadd.s32 $0xFFFF9C00  }
0x35: {  	[spmem:s2] =	stream.indirect.scatter.add.f32 [tilespmem:s17], [sflag:$0x2], $0x80, s19, s20, $0xb8;
	[tilespmem:$0x1A600] =	vst v63  }
0x36: {  	_ =	swait.ge [sflag:s18], $0x6400  }
0x37: {  	s24 =	simm.s32 $0x32;
	s23 =	simm.s32 $0x19;
	[sflag:s18] =	ssyncset.done $0x0  }
.LBB2_2:
0x38: {  	s25 =	sadd.s32 s23, s16  }
0x39: {  	[sflag:s18] =	ssyncadd.s32 $0xFFFF9C00;
	s26 =	smov.u32 s24;
	s28 =	sadd.s32 $0x19, s24  }
0x3a: {  	[tilespmem:s3], [sflag:$0x2] =	stream.linear.gather [hbm4b:s25+s3], $0xC8, $0x38;
	[tilespmem:$0x1A600] =	vst v63  }
0x3b: {  	p0 =	sne.s32 s24, $0x4C9;
	_ =	swait.ge [sflag:s18], $0xC8  }
0x3c: {  	[sflag:s18] =	ssyncset.done $0x0  }
0x3d: {  	s24 =	sadd.s32 s23, s15;
	s23 =	smov.u32 s26;
	[sflag:s18] =	ssyncadd.s32 $0xFFFFFF38  }
0x3e: {  	[tilespmem:s19], [sflag:$0x2] =	stream.linear.gather [hbm4b:s24+s3], $0xC8, $0x38;
	[tilespmem:$0x1A600] =	vst v63  }
0x3f: {  	_ =	swait.ge [sflag:s18], $0xC8  }
0x40: {  	[sflag:s18] =	ssyncset.done $0x0  }
0x41: {  	[sflag:s18] =	ssyncadd.s32 $0xFFFFFF38  }
0x42: {  	[tilespmem:s17], [sflag:$0x1] =	stream.indirect.gather [hbm4b:s4+s20], $0x80, s3, s20, $0xb8;
	[tilespmem:$0x1A600] =	vst v63  }
0x43: {  	_ =	swait.ge [sflag:s21], $0x6400  }
.Ltmp0:
0x44: {  	[sflag:s21] =	ssyncset.done $0x0;
	(pc) =	sbr.rel @p0 .LBB2_2-.Ltmp0, $4  }
0x45: {  	[sflag:s21] =	ssyncadd.s32 $0xFFFF9C00  }
0x46: {  	[spmem:s2] =	stream.indirect.scatter.add.f32 [tilespmem:s17], [sflag:$0x2], $0x80, s19, s20, $0xb8;
	[tilespmem:$0x1A600] =	vst v63  }
0x47: {  	_ =	swait.ge [sflag:s18], $0x6400  }
0x48: {  	s24 =	smov.u32 s28;
	[sflag:s18] =	ssyncset.done $0x0  }
0x49: {  	s24 =	sadd.s32 s23, s16;
	[sflag:s18] =	ssyncadd.s32 $0xFFFF9C00  }
0x4a: {  	[tilespmem:s3], [sflag:$0x2] =	stream.linear.gather [hbm4b:s24+s3], $0xC8, $0x38;
	[tilespmem:$0x1A600] =	vst v63  }
0x4b: {  	_ =	swait.ge [sflag:s18], $0xC8  }
0x4c: {  	[sflag:s18] =	ssyncset.done $0x0  }
0x4d: {  	s31 =	sadd.s32 s23, s15;
	[sflag:s18] =	ssyncadd.s32 $0xFFFFFF38  }
0x4e: {  	[tilespmem:s19], [sflag:$0x2] =	stream.linear.gather [hbm4b:s31+s3], $0xC8, $0x38;
	[tilespmem:$0x1A600] =	vst v63  }
0x4f: {  	_ =	swait.ge [sflag:s18], $0xC8  }
0x50: {  	[sflag:s18] =	ssyncset.done $0x0  }
0x51: {  	[sflag:s18] =	ssyncadd.s32 $0xFFFFFF38  }
0x52: {  	[tilespmem:s17], [sflag:$0x1] =	stream.indirect.gather [hbm4b:s4+s20], $0x80, s3, s20, $0xb8;
	[tilespmem:$0x1A600] =	vst v63  }
0x53: {  	_ =	swait.ge [sflag:s21], $0x6400  }
0x54: {  	[sflag:s21] =	ssyncset.done $0x0  }
0x55: {  	[sflag:s21] =	ssyncadd.s32 $0xFFFF9C00  }
0x56: {  	[spmem:s2] =	stream.indirect.scatter.add.f32 [tilespmem:s17], [sflag:$0x2], $0x80, s19, s20, $0xb8;
	[tilespmem:$0x1A600] =	vst v63  }
0x57: {  	_ =	swait.ge [sflag:s18], $0x6400  }
0x58: {  	[sflag:s18] =	ssyncset.done $0x0  }
0x59: {  	[sflag:s18] =	ssyncadd.s32 $0xFFFF9C00  }
0x5a: {  	[bflag:$0x0] =	sbarrier.arrive $0xFFFF  }
0x5b: {  	[tilespmem:s17], [sflag:$0x2] =	stream.linear.gather [spmem:s6], $0x5000, $0x38;
	[tilespmem:$0x1A600] =	vst v63  }
0x5c: {  	_ =	swait.ge [sflag:s18], $0x5000  }
0x5d: {  	[sflag:s18] =	ssyncset.done $0x0  }
0x5e: {  	[sflag:s18] =	ssyncadd.s32 $0xFFFFB000  }
0x5f: {  	[hbm4b:s10+s3] =	stream.linear.scatter [tilespmem:s17], [sflag:$0x2], $0x5000, $0x38;
	[tilespmem:$0x1A600] =	vst v63  }
0x60: {  	_ =	swait.ge [sflag:s18], $0x5000  }
0x61: {  	[sflag:s18] =	ssyncset.done $0x0  }
0x62: {  	[sflag:s18] =	ssyncadd.s32 $0xFFFFB000  }
0x63: {  	[tilespmem:s17], [sflag:$0x2] =	stream.linear.gather [spmem:s7], $0x5000, $0x38;
	[tilespmem:$0x1A600] =	vst v63  }
0x64: {  	_ =	swait.ge [sflag:s18], $0x5000  }
0x65: {  	[sflag:s18] =	ssyncset.done $0x0  }
0x66: {  	[sflag:s18] =	ssyncadd.s32 $0xFFFFB000  }
0x67: {  	[hbm4b:s11+s3] =	stream.linear.scatter [tilespmem:s17], [sflag:$0x2], $0x5000, $0x38;
	[tilespmem:$0x1A600] =	vst v63  }
0x68: {  	_ =	swait.ge [sflag:s18], $0x5000  }
0x69: {  	[sflag:s18] =	ssyncset.done $0x0  }
0x6a: {  	[sflag:s18] =	ssyncadd.s32 $0xFFFFB000  }
0x6b: {  	[tilespmem:s17], [sflag:$0x2] =	stream.linear.gather [spmem:s8], $0x5000, $0x38;
	[tilespmem:$0x1A600] =	vst v63  }
0x6c: {  	_ =	swait.ge [sflag:s18], $0x5000  }
0x6d: {  	[sflag:s18] =	ssyncset.done $0x0  }
0x6e: {  	[sflag:s18] =	ssyncadd.s32 $0xFFFFB000  }
0x6f: {  	[hbm4b:s12+s3] =	stream.linear.scatter [tilespmem:s17], [sflag:$0x2], $0x5000, $0x38;
	[tilespmem:$0x1A600] =	vst v63  }
0x70: {  	_ =	swait.ge [sflag:s18], $0x5000  }
0x71: {  	[sflag:s18] =	ssyncset.done $0x0  }
0x72: {  	[sflag:s18] =	ssyncadd.s32 $0xFFFFB000  }
0x73: {  	[tilespmem:s17], [sflag:$0x2] =	stream.linear.gather [spmem:s9], $0x5000, $0x38;
	[tilespmem:$0x1A600] =	vst v63  }
0x74: {  	s22 =	sadd.s32 $0x1, s22;
	_ =	swait.ge [sflag:s18], $0x5000  }
0x75: {  	p0 =	sne.s32 s22, s14;
	[sflag:s18] =	ssyncset.done $0x0  }
.Ltmp1:
0x76: {  	[sflag:s18] =	ssyncadd.s32 $0xFFFFB000;
	(pc) =	sbr.rel @p0 .LBB2_1-.Ltmp1, $4  }
0x77: {  	[hbm4b:s13+s3] =	stream.linear.scatter [tilespmem:s17], [sflag:$0x2], $0x5000, $0x38;
	[tilespmem:$0x1A600] =	vst v63  }
0x78: {  	_ =	swait.ge [sflag:s18], $0x5000  }
0x79: {  	[sflag:s18] =	ssyncset.done $0x0  }
0x7a: {  	[sflag:s18] =	ssyncadd.s32 $0xFFFFB000  }
0x7b: {  	_ =	sfence.sel $0x180000  }
0x7c: {  	[bflag:$0x0] =	sbarrier.arrive $0xFFFF  }
0x7d: {  	p0 =	sne.s32 s0, $0x0;
	_ =	strace $0x9000004A  }
0x7e: {  	s0 =	sadd.s32 @!p0 $0x100000, s1;
	[bflag:$0x2] =	sbarrier.arrive $0xFFFF  }
0x7f: {  	[sflag:s0] =	ssyncadd.tile.s32 @!p0 $0x1;
	_ =	shalt  }
.Lfunc_end2:
_tile_overlayer_lowered:
.L_overlay_start_2:
0x80: {  	(tag) =	ssettag $0x2  }
0x81: {  	s0 =	rddreg [dreg:$0x0];
	s2 =	stileid.u32  }
0x82: {  	s1 =	rddreg [dreg:$0x1];
	p0 =	sne.s32 s2, $0x0  }
0x83: {  	s3 =	rddreg [dreg:$0x2];
	[bflag:$0x3] =	sbarrier.arrive $0xFFFF;
	s2 =	simm.s32 @!p0 $0x1C02  }
0x84: {  	[timem:s3], [sflag:s2] =	dma.local @!p0 [hbm:s0], s1  }
0x85: {  	s0 =	simm.s32 @!p0 $0x2  }
0x86: {  	_ =	swait.ge @!p0 [sflag:s0], s1  }
0x87: {  	s1 =	ssub.s32 @!p0 $0x0, s1;
	[sflag:s0] =	ssyncset.done @!p0 $0x0  }
0x88: {  	[sflag:s0] =	ssyncadd.s32 @!p0 s1  }
0x89: {  	[bflag:$0x3] =	sbarrier.arrive $0xFFFF  }
0x8a: {  	_ =	shalt  }

// kernel: kernel.17.cloned.1.call-start
scs
__scs_entry_jumppad:
0x0: {  	(pc) =	sbr.rel $0x88, $3  }
0x1: {  	(tag) =	ssettag $0x0;
	lr =	simm.s32 $0x1  }
0x2: {  	[smem:$0x3F97] =	sst lr;
	_ =	strace $0xD0000000  }
0x3: {  	_ = 	snop  }
0x4: {  	_ = 	snop  }
0x5: {  	_ = 	snop  }
0x6: {  	_ = 	snop  }
0x7: {  	_ = 	snop  }
__scs_overlays_trampoline_lowered:
0x8: {  	[smem:$0x3FA6] =	sst s0  }
0x9: {  	[smem:$0x3FA7] =	sst s1  }
0xa: {  	[smem:$0x3FA8] =	sst s2  }
0xb: {  	[smem:$0x3FA9] =	sst s3  }
0xc: {  	[smem:$0x3FAA] =	sst s4  }
0xd: {  	[smem:$0x3FAB] =	sst s5  }
0xe: {  	[smem:$0x3FAC] =	sst s6  }
0xf: {  	[smem:$0x3FAD] =	sst s7  }
0x10: {  	[smem:$0x3FAE] =	sst s8  }
0x11: {  	[smem:$0x3FAF] =	sst s9;
	s0 =	simm.s32 @!p0 $0x0  }
0x12: {  	s1 =	sld [smem:$0x3F95];
	s0 =	simm.s32 @p0 $0x1  }
0x13: {  	[smem:$0x3FB0] =	sst s0;
	s0 =	simm.s32 @!p1 $0x0  }
0x14: {  	s2 =	sld [smem:$0x3F94];
	s0 =	simm.s32 @p1 $0x1  }
0x15: {  	[smem:$0x3FB1] =	sst s0;
	s0 =	simm.s32 @!p2 $0x0  }
0x16: {  	s3 =	sld [smem:$0x3FDB];
	s0 =	simm.s32 @p2 $0x1  }
0x17: {  	s4 =	simm.s32 $0x1BF5;
	[smem:$0x3FB3] =	sst s0  }
0x18: {  	s0 =	sld [smem:$0x3F96];
	_ =	swait.ge [sflag:s4], $0x0  }
0x19: {  	s7 =	sld [smem:$0x3F97]  }
0x1a: {  	s8 =	sadd.s32 $0xFFFFE003, lr  }
0x1b: {  	s9 =	sadd.s32 $0xFFFFFEF7, lr;
	s5 =	simm.s32 $0xFFFFFFFF;
	p2 =	slt.u32 s8, $0xFFFFF086  }
0x1c: {  	p1 =	slt.u32 s9, $0xF7A;
	s5 =	simm.s32 @!p2 $0x0  }
0x1d: {  	s5 =	simm.s32 @p1 $0x1;
	p0 =	seq.s32 s7, s2  }
0x1e: {  	s7 =	smul.u32 @!p0 $0xF7A, s2;
	p2 =	seq.s32 @!p0 s5, $0x0  }
0x1f: {  	s9 =	smul.u32 $0xF7A, s1;
	s8 =	simm.s32 @!p0 $0x1BF5;
	p2 =	por !p2, p0  }
0x20: {  	[sflag:s8] =	ssyncset.s32 @!p0 $0xFFFFF086;
	s6 =	sadd.s32 @!p0 s3, s7;
	s7 =	simm.s32 @!p0 $0x108  }
0x21: {  	s3 =	sadd.s32 s3, s9;
	s6 =	sadd.s32 @!p0 $0x88, s6;
	s7 =	simm.s32 @p2 $0x1082  }
0x22: {  	[simem:s7], [sflag:s8] =	dma.local @!p0 [hbm:s6], $0xF7A  }
0x23: {  	s9 =	sor.u32 $0xD0000000, s2;
	s6 =	simm.s32 $0x108;
	_ =	swait.ge @!p0 [sflag:s8], $0x0  }
0x24: {  	s3 =	sadd.s32 $0x88, s3;
	s6 =	simm.s32 @!p1 $0x1082;
	[sflag:s4] =	ssyncset.s32 $0xFFFFF086  }
0x25: {  	[simem:s6], [sflag:s4] =	dma.local [hbm:s3], $0xF7A  }
0x26: {  	[smem:$0x3F97] =	sst s1;
	(tag) =	ssettag s2;
	_ =	strace s9  }
0x27: {  	s1 =	sld [smem:$0x3FA7]  }
0x28: {  	s2 =	sld [smem:$0x3FA8]  }
0x29: {  	s4 =	sld [smem:$0x3FAA]  }
0x2a: {  	p0 =	seq.s32 s5, $0x0;
	s5 =	sld [smem:$0x3FAB]  }
0x2b: {  	s6 =	sld [smem:$0x3FAC]  }
0x2c: {  	s7 =	sld [smem:$0x3FAD]  }
0x2d: {  	s3 =	simm.s32 $0x108;
	s8 =	sld [smem:$0x3FAE]  }
0x2e: {  	s3 =	simm.s32 @!p0 $0x1082;
	s9 =	sld [smem:$0x3FAF]  }
0x2f: {  	lr =	sadd.s32 s0, s3;
	s0 =	sld [smem:$0x3FA6]  }
0x30: {  	s3 =	sld [smem:$0x3FA9]  }
0x31: {  	[smem:$0x3FB2] =	sst s10  }
0x32: {  	s10 =	sld [smem:$0x3FB0];
	_ =	sdelay $0x3  }
0x33: {  	p0 =	seq.s32 s10, $0x1;
	s10 =	sld [smem:$0x3FB2];
	_ =	sdelay $0x3  }
0x34: {  	[smem:$0x3FB2] =	sst s10  }
0x35: {  	s10 =	sld [smem:$0x3FB1];
	_ =	sdelay $0x3  }
0x36: {  	p1 =	seq.s32 s10, $0x1;
	s10 =	sld [smem:$0x3FB2];
	_ =	sdelay $0x3  }
0x37: {  	[smem:$0x3FB2] =	sst s10  }
0x38: {  	s10 =	sld [smem:$0x3FB3]  }
0x39: {  	_ = 	snop;
	(pc) =	sbr.ind lr, $3  }
0x3a: {  	_ = 	snop  }
0x3b: {  	_ = 	snop  }
0x3c: {  	p2 =	seq.s32 s10, $0x1;
	s10 =	sld [smem:$0x3FB2]  }
0x3d: {  	_ =	shalt  }
0x3e: {  	_ =	shalt  }
0x3f: {  	_ =	shalt  }
0x40: {  	_ =	shalt  }
0x41: {  	_ =	shalt  }
0x42: {  	_ =	shalt  }
0x43: {  	_ =	shalt  }
0x44: {  	_ =	shalt  }
0x45: {  	_ =	shalt  }
0x46: {  	_ =	shalt  }
0x47: {  	_ =	shalt  }
0x48: {  	_ =	shalt  }
0x49: {  	_ =	shalt  }
0x4a: {  	_ =	shalt  }
0x4b: {  	_ =	shalt  }
0x4c: {  	_ =	shalt  }
0x4d: {  	_ =	shalt  }
0x4e: {  	_ =	shalt  }
0x4f: {  	_ =	shalt  }
0x50: {  	_ =	shalt  }
0x51: {  	_ =	shalt  }
0x52: {  	_ =	shalt  }
0x53: {  	_ =	shalt  }
0x54: {  	_ =	shalt  }
0x55: {  	_ =	shalt  }
0x56: {  	_ =	shalt  }
0x57: {  	_ =	shalt  }
0x58: {  	_ =	shalt  }
0x59: {  	_ =	shalt  }
0x5a: {  	_ =	shalt  }
0x5b: {  	_ =	shalt  }
0x5c: {  	_ =	shalt  }
0x5d: {  	_ =	shalt  }
0x5e: {  	_ =	shalt  }
0x5f: {  	_ =	shalt  }
0x60: {  	_ =	shalt  }
0x61: {  	_ =	shalt  }
0x62: {  	_ =	shalt  }
0x63: {  	_ =	shalt  }
0x64: {  	_ =	shalt  }
0x65: {  	_ =	shalt  }
0x66: {  	_ =	shalt  }
0x67: {  	_ =	shalt  }
0x68: {  	_ =	shalt  }
0x69: {  	_ =	shalt  }
0x6a: {  	_ =	shalt  }
0x6b: {  	_ =	shalt  }
0x6c: {  	_ =	shalt  }
0x6d: {  	_ =	shalt  }
0x6e: {  	_ =	shalt  }
0x6f: {  	_ =	shalt  }
0x70: {  	_ =	shalt  }
0x71: {  	_ =	shalt  }
0x72: {  	_ =	shalt  }
0x73: {  	_ =	shalt  }
0x74: {  	_ =	shalt  }
0x75: {  	_ =	shalt  }
0x76: {  	_ =	shalt  }
0x77: {  	_ =	shalt  }
0x78: {  	_ =	shalt  }
0x79: {  	_ =	shalt  }
0x7a: {  	_ =	shalt  }
0x7b: {  	_ =	shalt  }
0x7c: {  	_ =	shalt  }
0x7d: {  	_ =	shalt  }
0x7e: {  	_ =	shalt  }
0x7f: {  	_ =	shalt  }
0x80: {  	_ =	shalt  }
0x81: {  	_ =	shalt  }
0x82: {  	_ =	shalt  }
0x83: {  	_ =	shalt  }
0x84: {  	_ =	shalt  }
0x85: {  	_ =	shalt  }
0x86: {  	_ =	shalt  }
0x87: {  	_ =	shalt  }
.Lfunc_end0:
.L_simem_size_0:
called_computation.2_lowered:
.L_overlay_start_0:
0x88: {  	s2 =	sld [smem:$0x3FD9]  }
0x89: {  	s3 =	sld [smem:$0x3FFE];
	_ =	sdelay $0x1  }
0x8a: {  	s1 =	srdreg.scid  }
0x8b: {  	s0 =	sand.u32 $0x1, s1  }
0x8c: {  	s16 =	sshll.u32 s0, $0xA;
	s2 =	sadd.s32 s3, s2  }
0x8d: {  	s2 =	sadd.s32 s2, s16  }
0x8e: {  	[smem:$0x3FBE] =	sst s2  }
0x8f: {  	_ = 	snop  }
0x90: {  	(tm) =	ssettm $0x1  }
0x91: {  	s17 =	sld [smem:$0x3FFB];
	_ =	sdelay $0x3  }
0x92: {  	_ =	strace s17  }
0x93: {  	s2 =	sld [smem:$0x3FFC];
	_ =	sdelay $0x3  }
0x94: {  	_ =	strace s2  }
0x95: {  	s2 =	sld [smem:$0x3FFD];
	_ =	sdelay $0x3  }
0x96: {  	_ =	strace s2  }
0x97: {  	_ =	strace $0x8FFFFFFF  }
0x98: {  	s18 =	sld [smem:$0x3FDB];
	_ =	sdelay $0x1  }
0x99: {  	s19 =	simm.s32 $_scs_section_size  }
0x9a: {  	s4 =	simm.s32 $_size__tile_overlayer_lowered;
	s5 =	simm.s32 $_tile_overlayer_lowered  }
0x9b: {  	s22 =	simm.s32 $0x1BFF;
	s21 =	sshll.u32 s5, $0x1;
	s2 =	sadd.s32 s19, s18  }
0x9c: {  	s6 =	simm.s32 $0x0;
	s20 =	sshll.u32 s4, $0x1;
	s4 =	sadd.s32 s21, s2  }
0x9d: {  	[timem:s6], [sflag:s22] =	dma.local [hbm:s4], s20  }
0x9e: {  	_ =	swait.ge [sflag:s22], s20  }
0x9f: {  	s3 =	ssub.s32 $0x0, s20;
	[sflag:s22] =	ssyncset.done $0x0  }
0xa0: {  	[sflag:s22] =	ssyncadd.s32 s3;
	_ =	sdelay $0x1  }
0xa1: {  	s23 =	simm.s32 $0x1B8B  }
0xa2: {  	_ =	swait.ge [sflag:s23], $0x1  }
0xa3: {  	[sflag:s23] =	ssyncset.done $0x0  }
0xa4: {  	s25 =	simm.s32 $0x1B8E;
	s24 =	sld [smem:$0x3FFE];
	[sflag:s23] =	ssyncadd.s32 $0xFFFFFFFF  }
0xa5: {  	s26 =	simm.s32 $execute0_lowered;
	[smem:$0x3FD2] =	sst s25  }
0xa6: {  	s4 =	sshll.u32 s26, $0x1;
	_ =	strace $0x8000004C;
	[dreg:$0x1] =	wrdreg $0xFFFFFFFF  }
0xa7: {  	s28 =	simm.s32 $_size_execute0_lowered;
	s2 =	sadd.s32 s2, s4;
	[dreg:$0x0] =	wrdreg $0x0  }
0xa8: {  	s4 =	sshll.u32 s28, $0x1;
	[dreg:$0x2] =	wrdreg s2  }
0xa9: {  	[dreg:$0x3] =	wrdreg s4  }
0xaa: {  	[dreg:$0x4] =	wrdreg $0xC0  }
0xab: {  	_ =	task [dreg:s6], $0x5FFFF  }
0xac: {  	[dreg:$0x1] =	wrdreg $0xFFFFFFFF  }
0xad: {  	[dreg:$0x0] =	wrdreg $0x60  }
0xae: {  	[dreg:$0x2] =	wrdreg s24  }
0xaf: {  	[dreg:$0x3] =	wrdreg $0xB5800  }
0xb0: {  	[dreg:$0x4] =	wrdreg $0xB8100  }
0xb1: {  	[dreg:$0x5] =	wrdreg $0x9  }
0xb2: {  	_ =	task.clear_ibuf [dreg:s6], $0x6FFFF;
	_ =	strace $0x9000004C  }
0xb3: {  	s29 =	simm.s32 $0x9;
	_ =	strace $0x8000004E  }
0xb4: {  	_ =	swait.ge [sflag:s29], $0x1  }
0xb5: {  	[sflag:s29] =	ssyncadd.s32 $0xFFFFFFFF  }
0xb6: {  	_ =	strace $0x9000004E  }
0xb7: {  	_ =	sfence  }
0xb8: {  	s30 =	sld [smem:$0x0];
	_ =	sdelay $0x2  }
0xb9: {  	s31 =	sshll.u32 s1, $0xD;
	s1 =	sshrl.u32 s1, $0x2  }
0xba: {  	s3 =	sand.u32 $0x4000, s31;
	s1 =	sadd.s32 s1, s30  }
0xbb: {  	s0 =	sor.u32 s3, s0;
	s1 =	sshll.u32 s1, $0x11  }
0xbc: {  	s0 =	sor.u32 s1, s0  }
0xbd: {  	s0 =	sadd.s32 $0x8F2B, s0  }
0xbe: {  	[sflag:s0] =	ssyncadd.remote.s32 $0x1  }
0xbf: {  	_ =	sfence.sel $0xFFFF  }
0xc0: {  	[dreg:$0x0] =	wrdreg $0xFFFFFFFF;
	(pc) =	sbr.abs _section_cstart, $3  }
0xc1: {  	[dreg:$0x1] =	wrdreg $0xFFFFFFFF  }
0xc2: {  	_ =	task.clear_ibuf [dreg:s6], $0x2FFFF;
	_ =	strace $0x9FFFFFFF  }
0xc3: {  	(tm) =	ssettm $0x7FFFFFFF  }
tec
execute0_lowered:
.L_overlay_start_1:
0x0: {  	(tag) =	ssettag $0x1  }
0x1: {  	s0 =	rddreg [dreg:$0x0]  }
0x2: {  	s17 =	rddreg [dreg:$0x1]  }
0x3: {  	s2 =	rddreg [dreg:$0x2];
	s3 =	simm.s32 $0x0;
	s1 =	srdreg.scid  }
0x4: {  	s18 =	stileid.u32;
	s19 =	simm.s32 $0xB300;
	s28 =	simm.s32 $0x680  }
0x5: {  	s30 =	simm.s32 $0x780;
	[smem:$0x7FF] =	sst s3;
	s4 =	sadd.s32 $0x3E800, s0  }
0x6: {  	s6 =	sadd.s32 $0x2C00, s0;
	s7 =	sadd.s32 $0xCA00, s0;
	s8 =	smul.u32 $0x500, s18  }
0x7: {  	s1 =	sand.u32 $0x1, s1;
	s5 =	sadd.s32 $0x16800, s0;
	s15 =	smul.u32 $0xA40, s18  }
0x8: {  	s9 =	sadd.s32 $0x3F800, s0;
	s10 =	sadd.s32 $0x49600, s0;
	s26 =	smul.u32 $0x2710, s18  }
0x9: {  	_ =	strace $0x8000004D;
	[dreg:$0x4] =	wrdreg s5;
	s21 =	sshll.u32 s1, $0x4  }
0xa: {  	s11 =	sshll.u32 s1, $0x7;
	s13 =	ssub.s32 $0x2, s1;
	s1 =	smul.u32 $0x27100, s1  }
0xb: {  	s5 =	sor.u32 s18, s21;
	s8 =	sor.u32 s11, s8;
	s11 =	smul.u32 $0x280, s18  }
0xc: {  	s14 =	sshrl.u32 s13, $0x1;
	s24 =	sshrl.u32 s15, $0x2;
	s12 =	smul.u32 $0x1400, s5  }
0xd: {  	s8 =	sshrl.u32 s8, $0x3;
	s22 =	ssub.s32 s13, s14;
	s16 =	smul.u32 $0x500, s5  }
0xe: {  	s14 =	sadd.s32 s24, s17;
	s8 =	sadd.s32 s8, s0;
	s23 =	sshrl.u32 s11, $0x3  }
0xf: {  	[dreg:$0x6] =	wrdreg s14;
	s15 =	sadd.s32 s11, s2;
	s31 =	smax.u32 s22, $0x1  }
0x10: {  	s22 =	simm.s32 $0x2;
	s0 =	sadd.s32 s12, s0;
	s13 =	sadd.s32 s4, s23  }
0x11: {  	s25 =	sshrl.u32 s16, $0x2;
	s29 =	sadd.s32 $0x3EE00, s8;
	[dreg:$0xa] =	wrdreg s31  }
0x12: {  	s23 =	simm.s32 $0x480;
	s8 =	simm.s32 $0x880;
	s12 =	simm.s32 $0x0  }
0x13: {  	[dreg:$0x5] =	wrdreg s13;
	s13 =	smul.u32 $0x290, s18;
	s14 =	sadd.s32 s25, s17  }
0x14: {  	s0 =	sadd.s32 $0x8E800, s0;
	s18 =	smul.u32 $0x2710, s5;
	[dreg:$0x9] =	wrdreg s29  }
0x15: {  	s25 =	simm.s32 $0x280;
	s5 =	simm.s32 $0x380;
	[dreg:$0x7] =	wrdreg s14  }
0x16: {  	[dreg:$0x8] =	wrdreg s0;
	s0 =	sadd.s32 s26, s1;
	s1 =	simm.s32 $0xC8  }
0x17: {  	v0 =	vlaneseq.u32;
	v1 =	vimm.f32 $0.0e+00;
	v2 =	vimm.f32 $1.000000000e+00;
	s26 =	simm.s32 $0x580;
	[dreg:$0xb] =	wrdreg s0;
	s0 =	simm.s32 $0x1  }
.LBB2_1:
0x18: {  	s14 =	rddreg [dreg:$0x5]  }
0x19: {  	[tilespmem:s3], [sflag:$0x2] =	stream.linear.gather [hbm4b:s14+s3], $0x280, $0x38;
	[tilespmem:$0xBA90] =	vst v63  }
0x1a: {  	v3 =	vor.u32 s13, v0;
	_ =	swait.ge [sflag:s22], $0x280  }
0x1b: {  	s17 =	simm.s32 $0x0;
	v3 =	vand.u32 $0x7F, v3;
	[sflag:s22] =	ssyncset.done $0x0  }
0x1c: {  	s16 =	smov.u32 s13;
	s14 =	simm.s32 $0x40;
	v3 =	vadd.s32 $0x2710, v3;
	[sflag:s22] =	ssyncadd.s32 $0xFFFFFD80  }
.LBB2_2:
0x1d: {  	p0 =	sne.s32 s14, $0xA00  }
0x1e: {  	[tilespmem:s17+$0xB000] =	vst v3;
	s16 =	sadd.s32 $0x10, s16;
	s17 =	smov.u32 s14;
	s14 =	sadd.s32 $0x40, s14  }
.Ltmp0:
0x1f: {  	(pc) =	sbr.rel @p0 .LBB2_2-.Ltmp0, $4  }
0x20: {  	_ = 	snop  }
0x21: {  	v3 =	vor.u32 s16, v0  }
0x22: {  	v3 =	vand.u32 $0x7F, v3  }
0x23: {  	s17 =	sshra.s32 s17, $0x2;
	v3 =	vadd.s32 $0x2710, v3  }
0x24: {  	[tilespmem:s17+$0xB000] =	vst v3;
	s14 =	rddreg [dreg:$0x6];
	s16 =	simm.s32 $0xB000  }
0x25: {  	[spmem:s14] =	stream.linear.scatter [tilespmem:s16], [sflag:$0x2], $0x290, $0x38;
	[tilespmem:$0xBA90] =	vst v63  }
0x26: {  	_ =	swait.ge [sflag:s22], $0x290  }
0x27: {  	[sflag:s22] =	ssyncset.done $0x0  }
0x28: {  	[sflag:s22] =	ssyncadd.s32 $0xFFFFFD70  }
0x29: {  	[tilespmem:$0xB300] =	vst v1  }
0x2a: {  	[tilespmem:$0xB310] =	vst v1  }
0x2b: {  	[tilespmem:$0xB320] =	vst v1  }
0x2c: {  	[tilespmem:$0xB330] =	vst v1  }
0x2d: {  	[tilespmem:$0xB340] =	vst v1  }
0x2e: {  	[tilespmem:$0xB350] =	vst v1  }
0x2f: {  	[tilespmem:$0xB360] =	vst v1  }
0x30: {  	[tilespmem:$0xB370] =	vst v1  }
0x31: {  	[tilespmem:$0xB380] =	vst v1  }
0x32: {  	[tilespmem:$0xB390] =	vst v1  }
0x33: {  	[tilespmem:$0xB3A0] =	vst v1  }
0x34: {  	[tilespmem:$0xB3B0] =	vst v1  }
0x35: {  	[tilespmem:$0xB3C0] =	vst v1  }
0x36: {  	[tilespmem:$0xB3D0] =	vst v1  }
0x37: {  	[tilespmem:$0xB3E0] =	vst v1  }
0x38: {  	[tilespmem:$0xB3F0] =	vst v1  }
0x39: {  	[tilespmem:$0xB400] =	vst v1  }
0x3a: {  	[tilespmem:$0xB410] =	vst v1  }
0x3b: {  	[tilespmem:$0xB420] =	vst v1  }
0x3c: {  	[tilespmem:$0xB430] =	vst v1  }
0x3d: {  	[tilespmem:$0xB440] =	vst v1  }
0x3e: {  	[tilespmem:$0xB450] =	vst v1  }
0x3f: {  	[tilespmem:$0xB460] =	vst v1  }
0x40: {  	[tilespmem:$0xB470] =	vst v1  }
0x41: {  	[tilespmem:$0xB480] =	vst v1  }
0x42: {  	[tilespmem:$0xB490] =	vst v1  }
0x43: {  	[tilespmem:$0xB4A0] =	vst v1  }
0x44: {  	[tilespmem:$0xB4B0] =	vst v1  }
0x45: {  	[tilespmem:$0xB4C0] =	vst v1  }
0x46: {  	[tilespmem:$0xB4D0] =	vst v1  }
0x47: {  	[tilespmem:$0xB4E0] =	vst v1  }
0x48: {  	[tilespmem:$0xB4F0] =	vst v1  }
0x49: {  	[tilespmem:$0xB500] =	vst v1  }
0x4a: {  	[tilespmem:$0xB510] =	vst v1  }
0x4b: {  	[tilespmem:$0xB520] =	vst v1  }
0x4c: {  	[tilespmem:$0xB530] =	vst v1  }
0x4d: {  	[tilespmem:$0xB540] =	vst v1  }
0x4e: {  	[tilespmem:$0xB550] =	vst v1  }
0x4f: {  	[tilespmem:$0xB560] =	vst v1  }
0x50: {  	[tilespmem:$0xB570] =	vst v1  }
0x51: {  	[spmem:s15] =	stream.linear.scatter [tilespmem:s19], [sflag:$0x2], $0x280, $0x38;
	[tilespmem:$0xBA90] =	vst v63  }
0x52: {  	_ =	swait.ge [sflag:s22], $0x280  }
0x53: {  	[sflag:s22] =	ssyncset.done $0x0  }
0x54: {  	[sflag:s22] =	ssyncadd.s32 $0xFFFFFD80  }
0x55: {  	[tilespmem:$0x880] =	vst v2  }
0x56: {  	[tilespmem:$0x890] =	vst v2  }
0x57: {  	[tilespmem:$0x8A0] =	vst v2  }
0x58: {  	[tilespmem:$0x8B0] =	vst v2  }
0x59: {  	[tilespmem:$0x8C0] =	vst v2  }
0x5a: {  	[tilespmem:$0x8D0] =	vst v2  }
0x5b: {  	[tilespmem:$0x8E0] =	vst v2  }
0x5c: {  	[tilespmem:$0x8F0] =	vst v2  }
0x5d: {  	[tilespmem:$0x900] =	vst v2  }
0x5e: {  	[tilespmem:$0x910] =	vst v2  }
0x5f: {  	[tilespmem:$0x920] =	vst v2  }
0x60: {  	[tilespmem:$0x930] =	vst v2  }
0x61: {  	[tilespmem:$0x938] =	vst v2  }
0x62: {  	s14 =	simm.s32 $0x0;
	[bflag:$0x0] =	sbarrier.arrive $0xFFFF  }
0x63: {  	v3 =	vld [tilespmem:s14+$0x0];
	_ =	sdelay $0x2  }
0x64: {  	v5 =	vor.u32 s11, v0  }
0x65: {  	s17 =	smov.u32 s11;
	s16 =	simm.s32 $0x40;
	v4 =	vand.u32 $0xFF, v5;
	[tilespmem:s14+$0x980] =	vst v5  }
.LBB2_4:
0x66: {  	s19 =	sshra.s32 s16, $0x2;
	p0 =	sne.s32 s16, $0x9C0;
	s16 =	sadd.s32 $0x40, s16;
	vm0 =	vlt.s32 v3, $0x0;
	v4 =	vor.u32 $0x2800, v4  }
.Ltmp1:
0x67: {  	v4 =	vsel vm0, v4, v3;
	v3 =	vld [tilespmem:s19+$0x0];
	(pc) =	sbr.rel @p0 .LBB2_4-.Ltmp1, $4  }
0x68: {  	[tilespmem:s14+$0xC00] =	vst v4;
	s14 =	smov.u32 s19  }
0x69: {  	s17 =	sadd.s32 $0x10, s17  }
0x6a: {  	v5 =	vor.u32 s17, v0  }
0x6b: {  	v4 =	vand.u32 $0xFF, v5;
	[tilespmem:s14+$0x980] =	vst v5  }
0x6c: {  	vm0 =	vlt.s32 v3, $0x0;
	v4 =	vor.u32 $0x2800, v4  }
0x6d: {  	v3 =	vsel vm0, v4, v3  }
0x6e: {  	s29 =	rddreg [dreg:$0x1];
	s16 =	simm.s32 $0xC00;
	s17 =	simm.s32 $0x980;
	[tilespmem:s14+$0xC00] =	vst v3  }
0x6f: {  	[spmem:s29] =	stream.indirect.scatter [tilespmem:s17], [sflag:$0x2], $0x1, s16, s25, $0xb8;
	[tilespmem:$0xBA90] =	vst v63  }
0x70: {  	_ =	swait.ge [sflag:s22], $0x280  }
0x71: {  	[sflag:s22] =	ssyncset.done $0x0  }
0x72: {  	[sflag:s22] =	ssyncadd.s32 $0xFFFFFD80  }
0x73: {  	[bflag:$0x0] =	sbarrier.arrive $0xFFFF  }
0x74: {  	s20 =	simm.s32 $0xE80;
	s19 =	rddreg [dreg:$0x7]  }
0x75: {  	[tilespmem:s20], [sflag:$0x2] =	stream.linear.gather [spmem:s19], $0x140, $0x38;
	[tilespmem:$0xBA90] =	vst v63  }
0x76: {  	_ =	swait.ge [sflag:s22], $0x140  }
0x77: {  	s24 =	simm.s32 $0x140;
	[sflag:s22] =	ssyncset.done $0x0  }
0x78: {  	s19 =	simm.s32 $0x1000;
	s21 =	rddreg [dreg:$0x4];
	[sflag:s22] =	ssyncadd.s32 $0xFFFFFEC0  }
0x79: {  	[tilespmem:s19], [sflag:$0x1] =	stream.indirect.gather [hbm4b:s21+s24], $0x80, s20, s24, $0xb8;
	[tilespmem:$0xBA90] =	vst v63  }
0x7a: {  	_ =	swait.ge [sflag:s0], $0xA000  }
0x7b: {  	[sflag:s0] =	ssyncset.done $0x0  }
0x7c: {  	s14 =	simm.s32 $0x0;
	s29 =	rddreg [dreg:$0x8];
	[sflag:s0] =	ssyncadd.s32 $0xFFFF6000  }
0x7d: {  	[hbm4b:s29+s14] =	stream.linear.scatter [tilespmem:s19], [sflag:$0x2], $0xA000, $0x38;
	[tilespmem:$0xBA90] =	vst v63  }
0x7e: {  	_ =	swait.ge [sflag:s22], $0xA000  }
0x7f: {  	[sflag:s22] =	ssyncset.done $0x0  }
0x80: {  	s17 =	simm.s32 $0x0;
	s31 =	rddreg [dreg:$0xb];
	[sflag:s22] =	ssyncadd.s32 $0xFFFF6000  }
.LBB2_6:
0x81: {  	s16 =	smul.u32 $0xC8, s17;
	_ =	sdelay $0x1  }
0x82: {  	s20 =	sadd.s32 s18, s16  }
0x83: {  	s19 =	sshrl.u32 s20, $0x3  }
0x84: {  	s21 =	sadd.s32 s6, s19  }
0x85: {  	[tilespmem:s25], [sflag:$0x2] =	stream.linear.gather [hbm4b:s21+s14], $0xC8, $0x38;
	[tilespmem:$0xBA90] =	vst v63  }
0x86: {  	_ =	swait.ge [sflag:s22], $0xC8  }
0x87: {  	[sflag:s22] =	ssyncset.done $0x0  }
0x88: {  	s24 =	sadd.s32 s7, s19;
	[sflag:s22] =	ssyncadd.s32 $0xFFFFFF38  }
0x89: {  	[tilespmem:s5], [sflag:$0x2] =	stream.linear.gather [hbm4b:s24+s14], $0xC8, $0x38;
	[tilespmem:$0xBA90] =	vst v63  }
0x8a: {  	_ =	swait.ge [sflag:s22], $0xC8  }
0x8b: {  	[sflag:s22] =	ssyncset.done $0x0  }
0x8c: {  	[sflag:s22] =	ssyncadd.s32 $0xFFFFFF38  }
0x8d: {  	[tilespmem:s23], [sflag:$0x1] =	stream.indirect.gather [hbm4b:s4+s1], $0x1, s25, s1, $0xb8;
	[tilespmem:$0xBA90] =	vst v63  }
0x8e: {  	_ =	swait.ge [sflag:s0], $0xC8  }
0x8f: {  	[sflag:s0] =	ssyncset.done $0x0  }
0x90: {  	[sflag:s0] =	ssyncadd.s32 $0xFFFFFF38  }
0x91: {  	[tilespmem:s26], [sflag:$0x1] =	stream.indirect.gather [hbm4b:s4+s1], $0x1, s5, s1, $0xb8;
	[tilespmem:$0xBA90] =	vst v63  }
0x92: {  	_ =	swait.ge [sflag:s0], $0xC8  }
0x93: {  	[sflag:s0] =	ssyncset.done $0x0  }
0x94: {  	s29 =	simm.s32 $0x0;
	[sflag:s0] =	ssyncadd.s32 $0xFFFFFF38  }
0x95: {  	v3 =	vld [tilespmem:s29+$0x480]  }
0x96: {  	v4 =	vld [tilespmem:s29+$0x580];
	_ =	sdelay $0x2  }
0x97: {  	s16 =	simm.s32 $0x40;
	s21 =	smov.u32 s31  }
.LBB2_7:
0x98: {  	s24 =	sshra.s32 s16, $0x2;
	v5 =	vadd.s32 s21, v0;
	v6 =	vmov v3;
	p0 =	sne.s32 s16, $0x2C0  }
.Ltmp2:
0x99: {  	s16 =	sadd.s32 $0x40, s16;
	v3 =	vld [tilespmem:s24+$0x480];
	v7 =	vor.u32 v6, v4;
	v5 =	vand.u32 $0x7F, v5;
	v8 =	vmov v4;
	(pc) =	sbr.rel @p0 .LBB2_7-.Ltmp2, $4  }
0x9a: {  	v4 =	vld [tilespmem:s24+$0x580];
	vm0 =	vgt.s32 v7, $0xFFFFFFFF;
	v5 =	vadd.s32 $0x2710, v5  }
0x9b: {  	v6 =	vsel vm0, v6, v5;
	v5 =	vsel vm0, v8, v5  }
0x9c: {  	[tilespmem:s29+$0x780] =	vst v5  }
0x9d: {  	s21 =	sadd.s32 $0x10, s21;
	[tilespmem:s29+$0x680] =	vst v6;
	s29 =	smov.u32 s24  }
0x9e: {  	v5 =	vadd.s32 s21, v0  }
0x9f: {  	v6 =	vor.u32 v3, v4;
	v5 =	vand.u32 $0x7F, v5  }
0xa0: {  	vm0 =	vgt.s32 v6, $0xFFFFFFFF;
	v5 =	vadd.s32 $0x2710, v5  }
0xa1: {  	v61 =	vsel vm0, v4, v5  }
0xa2: {  	v3 =	vsel vm0, v3, v5;
	[tilespmem:s29+$0x780] =	vst v61  }
0xa3: {  	[tilespmem:s29+$0x680] =	vst v3  }
0xa4: {  	v3 =	vld [tilespmem:$0x538]  }
0xa5: {  	v4 =	vld [tilespmem:$0x638];
	_ =	sdelay $0x2  }
0xa6: {  	s16 =	sadd.s32 $0xB8, s20  }
0xa7: {  	v62 =	vadd.s32 s16, v0  }
0xa8: {  	v5 =	vand.u32 $0x7F, v62;
	v63 =	vor.u32 v3, v4  }
0xa9: {  	v5 =	vadd.s32 $0x2710, v5;
	vm15 =	vgt.s32 v63, $0xFFFFFFFF  }
0xaa: {  	v3 =	vsel vm15, v3, v5  }
0xab: {  	[tilespmem:$0x738] =	vst v3;
	v3 =	vsel vm15, v4, v5  }
0xac: {  	s24 =	sadd.s32 s9, s19;
	[tilespmem:$0x838] =	vst v3  }
0xad: {  	[hbm4b:s24+s3] =	stream.linear.scatter [tilespmem:s28], [sflag:$0x2], $0xC8, $0x38;
	[tilespmem:$0xBA90] =	vst v63  }
0xae: {  	_ =	swait.ge [sflag:s22], $0xC8  }
0xaf: {  	[sflag:s22] =	ssyncset.done $0x0  }
0xb0: {  	s29 =	sadd.s32 s10, s19;
	[sflag:s22] =	ssyncadd.s32 $0xFFFFFF38  }
0xb1: {  	[hbm4b:s29+s3] =	stream.linear.scatter [tilespmem:s30], [sflag:$0x2], $0xC8, $0x38;
	[tilespmem:$0xBA90] =	vst v63  }
0xb2: {  	s17 =	sadd.s32 $0x1, s17;
	_ =	swait.ge [sflag:s22], $0xC8  }
0xb3: {  	p0 =	sne.s32 s17, $0x32;
	[sflag:s22] =	ssyncset.done $0x0  }
.Ltmp3:
0xb4: {  	[sflag:s22] =	ssyncadd.s32 $0xFFFFFF38;
	(pc) =	sbr.rel @p0 .LBB2_6-.Ltmp3, $4  }
0xb5: {  	[spmem:s2] =	stream.indirect.scatter.add.f32 [tilespmem:s8], [sflag:$0x2], $0x1, s30, s1, $0xb8;
	[tilespmem:$0xBA90] =	vst v63  }
0xb6: {  	_ =	swait.ge [sflag:s22], $0xC8  }
0xb7: {  	[sflag:s22] =	ssyncset.done $0x0  }
0xb8: {  	s31 =	sadd.s32 $0xC8, s31;
	[sflag:s22] =	ssyncadd.s32 $0xFFFFFF38  }
0xb9: {  	[bflag:$0x0] =	sbarrier.arrive $0xFFFF;
	s19 =	simm.s32 $0xB300  }
0xba: {  	[tilespmem:s19], [sflag:$0x2] =	stream.linear.gather [spmem:s15], $0x280, $0x38;
	[tilespmem:$0xBA90] =	vst v63  }
0xbb: {  	_ =	swait.ge [sflag:s22], $0x280  }
0xbc: {  	s16 =	simm.s32 $0x80;
	[sflag:s22] =	ssyncset.done $0x0  }
0xbd: {  	s17 =	simm.s32 $0x100;
	s14 =	rddreg [dreg:$0x9];
	[sflag:s22] =	ssyncadd.s32 $0xFFFFFD80  }
0xbe: {  	[hbm4b:s14+s16] =	stream.strided.scatter [tilespmem:s19], [sflag:$0x2], $0x280, s17, s16, $0x38;
	[tilespmem:$0xBA90] =	vst v63  }
0xbf: {  	_ =	swait.ge [sflag:s22], $0x280  }
0xc0: {  	s12 =	sadd.s32 $0x1, s12;
	s31 =	rddreg [dreg:$0xa]  }
0xc1: {  	p0 =	sne.s32 s12, s31  }
.Ltmp4:
0xc2: {  	_ = 	snop;
	(pc) =	sbr.rel @p0 .LBB2_1-.Ltmp4, $3  }
0xc3: {  	_ =	sdelay $0x1  }
0xc4: {  	[sflag:s22] =	ssyncset.done $0x0  }
0xc5: {  	[sflag:s22] =	ssyncadd.s32 $0xFFFFFD80  }
0xc6: {  	_ =	sfence.sel $0x180000  }
0xc7: {  	[bflag:$0x0] =	sbarrier.arrive $0xFFFF  }
0xc8: {  	_ =	strace $0x9000004D  }
0xc9: {  	s0 =	stileid.u32;
	[bflag:$0x2] =	sbarrier.arrive $0xFFFF  }
0xca: {  	p0 =	sne.s32 s0, $0x0;
	s0 =	rddreg [dreg:$0x3]  }
0xcb: {  	s0 =	sadd.s32 @!p0 $0x100000, s0  }
0xcc: {  	[sflag:s0] =	ssyncadd.tile.s32 @!p0 $0x1;
	_ =	shalt  }
.Lfunc_end2:
_tile_overlayer_lowered:
.L_overlay_start_2:
0xcd: {  	(tag) =	ssettag $0x2  }
0xce: {  	s0 =	rddreg [dreg:$0x0];
	s2 =	stileid.u32  }
0xcf: {  	s1 =	rddreg [dreg:$0x1];
	p0 =	sne.s32 s2, $0x0  }
0xd0: {  	s3 =	rddreg [dreg:$0x2];
	[bflag:$0x3] =	sbarrier.arrive $0xFFFF;
	s2 =	simm.s32 @!p0 $0x1C02  }
0xd1: {  	[timem:s3], [sflag:s2] =	dma.local @!p0 [hbm:s0], s1  }
0xd2: {  	s0 =	simm.s32 @!p0 $0x2  }
0xd3: {  	_ =	swait.ge @!p0 [sflag:s0], s1  }
0xd4: {  	s1 =	ssub.s32 @!p0 $0x0, s1;
	[sflag:s0] =	ssyncset.done @!p0 $0x0  }
0xd5: {  	[sflag:s0] =	ssyncadd.s32 @!p0 s1  }
0xd6: {  	[bflag:$0x3] =	sbarrier.arrive $0xFFFF  }
0xd7: {  	_ =	shalt  }

// kernel: kernel.20.cloned.1.call-start
scs
__scs_entry_jumppad:
0x0: {  	(pc) =	sbr.rel $0x88, $3  }
0x1: {  	(tag) =	ssettag $0x0;
	lr =	simm.s32 $0x1  }
0x2: {  	[smem:$0x3F97] =	sst lr;
	_ =	strace $0xD0000000  }
0x3: {  	_ = 	snop  }
0x4: {  	_ = 	snop  }
0x5: {  	_ = 	snop  }
0x6: {  	_ = 	snop  }
0x7: {  	_ = 	snop  }
__scs_overlays_trampoline_lowered:
0x8: {  	[smem:$0x3FA6] =	sst s0  }
0x9: {  	[smem:$0x3FA7] =	sst s1  }
0xa: {  	[smem:$0x3FA8] =	sst s2  }
0xb: {  	[smem:$0x3FA9] =	sst s3  }
0xc: {  	[smem:$0x3FAA] =	sst s4  }
0xd: {  	[smem:$0x3FAB] =	sst s5  }
0xe: {  	[smem:$0x3FAC] =	sst s6  }
0xf: {  	[smem:$0x3FAD] =	sst s7  }
0x10: {  	[smem:$0x3FAE] =	sst s8  }
0x11: {  	[smem:$0x3FAF] =	sst s9;
	s0 =	simm.s32 @!p0 $0x0  }
0x12: {  	s1 =	sld [smem:$0x3F95];
	s0 =	simm.s32 @p0 $0x1  }
0x13: {  	[smem:$0x3FB0] =	sst s0;
	s0 =	simm.s32 @!p1 $0x0  }
0x14: {  	s2 =	sld [smem:$0x3F94];
	s0 =	simm.s32 @p1 $0x1  }
0x15: {  	[smem:$0x3FB1] =	sst s0;
	s0 =	simm.s32 @!p2 $0x0  }
0x16: {  	s3 =	sld [smem:$0x3FDB];
	s0 =	simm.s32 @p2 $0x1  }
0x17: {  	s4 =	simm.s32 $0x1BF5;
	[smem:$0x3FB3] =	sst s0  }
0x18: {  	s0 =	sld [smem:$0x3F96];
	_ =	swait.ge [sflag:s4], $0x0  }
0x19: {  	s7 =	sld [smem:$0x3F97]  }
0x1a: {  	s8 =	sadd.s32 $0xFFFFE003, lr  }
0x1b: {  	s9 =	sadd.s32 $0xFFFFFEF7, lr;
	s5 =	simm.s32 $0xFFFFFFFF;
	p2 =	slt.u32 s8, $0xFFFFF086  }
0x1c: {  	p1 =	slt.u32 s9, $0xF7A;
	s5 =	simm.s32 @!p2 $0x0  }
0x1d: {  	s5 =	simm.s32 @p1 $0x1;
	p0 =	seq.s32 s7, s2  }
0x1e: {  	s7 =	smul.u32 @!p0 $0xF7A, s2;
	p2 =	seq.s32 @!p0 s5, $0x0  }
0x1f: {  	s9 =	smul.u32 $0xF7A, s1;
	s8 =	simm.s32 @!p0 $0x1BF5;
	p2 =	por !p2, p0  }
0x20: {  	[sflag:s8] =	ssyncset.s32 @!p0 $0xFFFFF086;
	s6 =	sadd.s32 @!p0 s3, s7;
	s7 =	simm.s32 @!p0 $0x108  }
0x21: {  	s3 =	sadd.s32 s3, s9;
	s6 =	sadd.s32 @!p0 $0x88, s6;
	s7 =	simm.s32 @p2 $0x1082  }
0x22: {  	[simem:s7], [sflag:s8] =	dma.local @!p0 [hbm:s6], $0xF7A  }
0x23: {  	s9 =	sor.u32 $0xD0000000, s2;
	s6 =	simm.s32 $0x108;
	_ =	swait.ge @!p0 [sflag:s8], $0x0  }
0x24: {  	s3 =	sadd.s32 $0x88, s3;
	s6 =	simm.s32 @!p1 $0x1082;
	[sflag:s4] =	ssyncset.s32 $0xFFFFF086  }
0x25: {  	[simem:s6], [sflag:s4] =	dma.local [hbm:s3], $0xF7A  }
0x26: {  	[smem:$0x3F97] =	sst s1;
	(tag) =	ssettag s2;
	_ =	strace s9  }
0x27: {  	s1 =	sld [smem:$0x3FA7]  }
0x28: {  	s2 =	sld [smem:$0x3FA8]  }
0x29: {  	s4 =	sld [smem:$0x3FAA]  }
0x2a: {  	p0 =	seq.s32 s5, $0x0;
	s5 =	sld [smem:$0x3FAB]  }
0x2b: {  	s6 =	sld [smem:$0x3FAC]  }
0x2c: {  	s7 =	sld [smem:$0x3FAD]  }
0x2d: {  	s3 =	simm.s32 $0x108;
	s8 =	sld [smem:$0x3FAE]  }
0x2e: {  	s3 =	simm.s32 @!p0 $0x1082;
	s9 =	sld [smem:$0x3FAF]  }
0x2f: {  	lr =	sadd.s32 s0, s3;
	s0 =	sld [smem:$0x3FA6]  }
0x30: {  	s3 =	sld [smem:$0x3FA9]  }
0x31: {  	[smem:$0x3FB2] =	sst s10  }
0x32: {  	s10 =	sld [smem:$0x3FB0];
	_ =	sdelay $0x3  }
0x33: {  	p0 =	seq.s32 s10, $0x1;
	s10 =	sld [smem:$0x3FB2];
	_ =	sdelay $0x3  }
0x34: {  	[smem:$0x3FB2] =	sst s10  }
0x35: {  	s10 =	sld [smem:$0x3FB1];
	_ =	sdelay $0x3  }
0x36: {  	p1 =	seq.s32 s10, $0x1;
	s10 =	sld [smem:$0x3FB2];
	_ =	sdelay $0x3  }
0x37: {  	[smem:$0x3FB2] =	sst s10  }
0x38: {  	s10 =	sld [smem:$0x3FB3]  }
0x39: {  	_ = 	snop;
	(pc) =	sbr.ind lr, $3  }
0x3a: {  	_ = 	snop  }
0x3b: {  	_ = 	snop  }
0x3c: {  	p2 =	seq.s32 s10, $0x1;
	s10 =	sld [smem:$0x3FB2]  }
0x3d: {  	_ =	shalt  }
0x3e: {  	_ =	shalt  }
0x3f: {  	_ =	shalt  }
0x40: {  	_ =	shalt  }
0x41: {  	_ =	shalt  }
0x42: {  	_ =	shalt  }
0x43: {  	_ =	shalt  }
0x44: {  	_ =	shalt  }
0x45: {  	_ =	shalt  }
0x46: {  	_ =	shalt  }
0x47: {  	_ =	shalt  }
0x48: {  	_ =	shalt  }
0x49: {  	_ =	shalt  }
0x4a: {  	_ =	shalt  }
0x4b: {  	_ =	shalt  }
0x4c: {  	_ =	shalt  }
0x4d: {  	_ =	shalt  }
0x4e: {  	_ =	shalt  }
0x4f: {  	_ =	shalt  }
0x50: {  	_ =	shalt  }
0x51: {  	_ =	shalt  }
0x52: {  	_ =	shalt  }
0x53: {  	_ =	shalt  }
0x54: {  	_ =	shalt  }
0x55: {  	_ =	shalt  }
0x56: {  	_ =	shalt  }
0x57: {  	_ =	shalt  }
0x58: {  	_ =	shalt  }
0x59: {  	_ =	shalt  }
0x5a: {  	_ =	shalt  }
0x5b: {  	_ =	shalt  }
0x5c: {  	_ =	shalt  }
0x5d: {  	_ =	shalt  }
0x5e: {  	_ =	shalt  }
0x5f: {  	_ =	shalt  }
0x60: {  	_ =	shalt  }
0x61: {  	_ =	shalt  }
0x62: {  	_ =	shalt  }
0x63: {  	_ =	shalt  }
0x64: {  	_ =	shalt  }
0x65: {  	_ =	shalt  }
0x66: {  	_ =	shalt  }
0x67: {  	_ =	shalt  }
0x68: {  	_ =	shalt  }
0x69: {  	_ =	shalt  }
0x6a: {  	_ =	shalt  }
0x6b: {  	_ =	shalt  }
0x6c: {  	_ =	shalt  }
0x6d: {  	_ =	shalt  }
0x6e: {  	_ =	shalt  }
0x6f: {  	_ =	shalt  }
0x70: {  	_ =	shalt  }
0x71: {  	_ =	shalt  }
0x72: {  	_ =	shalt  }
0x73: {  	_ =	shalt  }
0x74: {  	_ =	shalt  }
0x75: {  	_ =	shalt  }
0x76: {  	_ =	shalt  }
0x77: {  	_ =	shalt  }
0x78: {  	_ =	shalt  }
0x79: {  	_ =	shalt  }
0x7a: {  	_ =	shalt  }
0x7b: {  	_ =	shalt  }
0x7c: {  	_ =	shalt  }
0x7d: {  	_ =	shalt  }
0x7e: {  	_ =	shalt  }
0x7f: {  	_ =	shalt  }
0x80: {  	_ =	shalt  }
0x81: {  	_ =	shalt  }
0x82: {  	_ =	shalt  }
0x83: {  	_ =	shalt  }
0x84: {  	_ =	shalt  }
0x85: {  	_ =	shalt  }
0x86: {  	_ =	shalt  }
0x87: {  	_ =	shalt  }
.Lfunc_end0:
.L_simem_size_0:
called_computation.3_lowered:
.L_overlay_start_0:
0x88: {  	s2 =	sld [smem:$0x3FD9]  }
0x89: {  	s3 =	sld [smem:$0x3FFE];
	_ =	sdelay $0x1  }
0x8a: {  	s1 =	srdreg.scid  }
0x8b: {  	s0 =	sand.u32 $0x1, s1  }
0x8c: {  	s16 =	sshll.u32 s0, $0xA;
	s2 =	sadd.s32 s3, s2  }
0x8d: {  	s2 =	sadd.s32 s2, s16  }
0x8e: {  	[smem:$0x3FBE] =	sst s2  }
0x8f: {  	_ = 	snop  }
0x90: {  	(tm) =	ssettm $0x1  }
0x91: {  	s17 =	sld [smem:$0x3FFB];
	_ =	sdelay $0x3  }
0x92: {  	_ =	strace s17  }
0x93: {  	s2 =	sld [smem:$0x3FFC];
	_ =	sdelay $0x3  }
0x94: {  	_ =	strace s2  }
0x95: {  	s2 =	sld [smem:$0x3FFD];
	_ =	sdelay $0x3  }
0x96: {  	_ =	strace s2  }
0x97: {  	_ =	strace $0x8FFFFFFF  }
0x98: {  	s18 =	sld [smem:$0x3FDB];
	_ =	sdelay $0x1  }
0x99: {  	s19 =	simm.s32 $_scs_section_size  }
0x9a: {  	s4 =	simm.s32 $_size__tile_overlayer_lowered;
	s5 =	simm.s32 $_tile_overlayer_lowered  }
0x9b: {  	s22 =	simm.s32 $0x1BFF;
	s21 =	sshll.u32 s5, $0x1;
	s2 =	sadd.s32 s19, s18  }
0x9c: {  	s6 =	simm.s32 $0x0;
	s20 =	sshll.u32 s4, $0x1;
	s4 =	sadd.s32 s21, s2  }
0x9d: {  	[timem:s6], [sflag:s22] =	dma.local [hbm:s4], s20  }
0x9e: {  	_ =	swait.ge [sflag:s22], s20  }
0x9f: {  	s3 =	ssub.s32 $0x0, s20;
	[sflag:s22] =	ssyncset.done $0x0  }
0xa0: {  	[sflag:s22] =	ssyncadd.s32 s3;
	_ =	sdelay $0x1  }
0xa1: {  	s23 =	simm.s32 $0x1B8B  }
0xa2: {  	_ =	swait.ge [sflag:s23], $0x1  }
0xa3: {  	[sflag:s23] =	ssyncset.done $0x0  }
0xa4: {  	s25 =	simm.s32 $0x1B8E;
	s24 =	sld [smem:$0x3FFE];
	[sflag:s23] =	ssyncadd.s32 $0xFFFFFFFF  }
0xa5: {  	s26 =	simm.s32 $execute0_lowered;
	[smem:$0x3FD2] =	sst s25  }
0xa6: {  	s4 =	sshll.u32 s26, $0x1;
	_ =	strace $0x8000004F;
	[dreg:$0x1] =	wrdreg $0xFFFFFFFF  }
0xa7: {  	s28 =	simm.s32 $_size_execute0_lowered;
	s2 =	sadd.s32 s2, s4;
	[dreg:$0x0] =	wrdreg $0x0  }
0xa8: {  	s4 =	sshll.u32 s28, $0x1;
	[dreg:$0x2] =	wrdreg s2  }
0xa9: {  	[dreg:$0x3] =	wrdreg s4  }
0xaa: {  	[dreg:$0x4] =	wrdreg $0xC0  }
0xab: {  	_ =	task [dreg:s6], $0x5FFFF  }
0xac: {  	[dreg:$0x1] =	wrdreg $0xFFFFFFFF  }
0xad: {  	[dreg:$0x0] =	wrdreg $0x60  }
0xae: {  	[dreg:$0x2] =	wrdreg s24  }
0xaf: {  	[dreg:$0x3] =	wrdreg $0x66000  }
0xb0: {  	[dreg:$0x4] =	wrdreg $0x9  }
0xb1: {  	_ =	task.clear_ibuf [dreg:s6], $0x5FFFF;
	_ =	strace $0x9000004F  }
0xb2: {  	s29 =	simm.s32 $0x9;
	_ =	strace $0x80000051  }
0xb3: {  	_ =	swait.ge [sflag:s29], $0x1  }
0xb4: {  	[sflag:s29] =	ssyncadd.s32 $0xFFFFFFFF  }
0xb5: {  	_ =	strace $0x90000051  }
0xb6: {  	_ =	sfence  }
0xb7: {  	s30 =	sld [smem:$0x0];
	_ =	sdelay $0x2  }
0xb8: {  	s31 =	sshll.u32 s1, $0xD;
	s1 =	sshrl.u32 s1, $0x2  }
0xb9: {  	s3 =	sand.u32 $0x4000, s31;
	s1 =	sadd.s32 s1, s30  }
0xba: {  	s0 =	sor.u32 s3, s0;
	s1 =	sshll.u32 s1, $0x11  }
0xbb: {  	s0 =	sor.u32 s1, s0  }
0xbc: {  	s0 =	sadd.s32 $0x8F2B, s0  }
0xbd: {  	[sflag:s0] =	ssyncadd.remote.s32 $0x1  }
0xbe: {  	_ =	sfence.sel $0xFFFF  }
0xbf: {  	[dreg:$0x0] =	wrdreg $0xFFFFFFFF;
	(pc) =	sbr.abs _section_cstart, $3  }
0xc0: {  	[dreg:$0x1] =	wrdreg $0xFFFFFFFF  }
0xc1: {  	_ =	task.clear_ibuf [dreg:s6], $0x2FFFF;
	_ =	strace $0x9FFFFFFF  }
0xc2: {  	(tm) =	ssettm $0x7FFFFFFF  }
0xc3: {  	_ =	shalt  }
tec
execute0_lowered:
.L_overlay_start_1:
0x0: {  	(tag) =	ssettag $0x1  }
0x1: {  	s6 =	rddreg [dreg:$0x0]  }
0x2: {  	s2 =	rddreg [dreg:$0x1]  }
0x3: {  	s0 =	srdreg.scid;
	s1 =	rddreg [dreg:$0x2]  }
0x4: {  	s3 =	simm.s32 $0x0;
	s18 =	simm.s32 $0x2;
	s7 =	sand.u32 $0x1, s0  }
0x5: {  	s19 =	simm.s32 $0x100;
	s0 =	stileid.u32;
	s4 =	smul.u32 $0x27100, s7  }
0x6: {  	s20 =	simm.s32 $0xC8;
	s21 =	simm.s32 $0x1;
	s5 =	smul.u32 $0x2710, s0  }
0x7: {  	s22 =	simm.s32 $0x0;
	[smem:$0x7FF] =	sst s3;
	s8 =	smul.u32 $0x50000, s0  }
0x8: {  	s13 =	sadd.s32 $0xB6800, s6;
	s9 =	ssub.s32 $0x2, s7;
	s10 =	smul.u32 $0x14000, s0  }
0x9: {  	_ =	strace $0x80000050;
	s11 =	smul.u32 $0x140000, s7;
	s28 =	sshrl.u32 s9, $0x1  }
0xa: {  	s4 =	sadd.s32 s5, s4;
	s14 =	ssub.s32 s9, s28;
	s29 =	sshrl.u32 s8, $0x2  }
0xb: {  	s12 =	sadd.s32 $0x5000, s10;
	s30 =	sadd.s32 s10, s11;
	s15 =	sadd.s32 $0xA000, s10  }
0xc: {  	s17 =	sadd.s32 $0xF000, s10;
	s5 =	sshrl.u32 s4, $0x3;
	s4 =	sadd.s32 $0x2C00, s6  }
0xd: {  	s7 =	sadd.s32 s12, s2;
	s31 =	sshrl.u32 s30, $0x3;
	s8 =	sadd.s32 s15, s2  }
0xe: {  	s9 =	sadd.s32 s17, s2;
	s12 =	sadd.s32 s11, s12;
	s15 =	sadd.s32 s11, s15  }
0xf: {  	s11 =	sadd.s32 s11, s17;
	s14 =	smax.u32 s14, $0x1;
	s16 =	sadd.s32 s5, s6  }
0x10: {  	s5 =	sadd.s32 $0x66800, s6;
	s6 =	sadd.s32 s29, s2;
	s10 =	sadd.s32 s13, s31  }
0x11: {  	s12 =	sshrl.u32 s12, $0x3;
	s15 =	sshrl.u32 s15, $0x3;
	s17 =	sshrl.u32 s11, $0x3  }
0x12: {  	s11 =	sadd.s32 s13, s12;
	s12 =	sadd.s32 s13, s15;
	s13 =	sadd.s32 s13, s17  }
0x13: {  	s15 =	sadd.s32 $0x49600, s16;
	s16 =	sadd.s32 $0x3F800, s16;
	s17 =	simm.s32 $0x200  }
.LBB2_1:
0x14: {  	[tilespmem:s17], [sflag:$0x2] =	stream.linear.gather [hbm4b:s5+s3], $0x5000, $0x38;
	[tilespmem:$0x1A600] =	vst v63  }
0x15: {  	_ =	swait.ge [sflag:s18], $0x5000  }
0x16: {  	[sflag:s18] =	ssyncset.done $0x0  }
0x17: {  	[sflag:s18] =	ssyncadd.s32 $0xFFFFB000  }
0x18: {  	[spmem:s6] =	stream.linear.scatter [tilespmem:s17], [sflag:$0x2], $0x5000, $0x38;
	[tilespmem:$0x1A600] =	vst v63  }
0x19: {  	_ =	swait.ge [sflag:s18], $0x5000  }
0x1a: {  	[sflag:s18] =	ssyncset.done $0x0  }
0x1b: {  	[sflag:s18] =	ssyncadd.s32 $0xFFFFB000  }
0x1c: {  	[spmem:s7] =	stream.linear.scatter [tilespmem:s17], [sflag:$0x2], $0x5000, $0x38;
	[tilespmem:$0x1A600] =	vst v63  }
0x1d: {  	_ =	swait.ge [sflag:s18], $0x5000  }
0x1e: {  	[sflag:s18] =	ssyncset.done $0x0  }
0x1f: {  	[sflag:s18] =	ssyncadd.s32 $0xFFFFB000  }
0x20: {  	[spmem:s8] =	stream.linear.scatter [tilespmem:s17], [sflag:$0x2], $0x5000, $0x38;
	[tilespmem:$0x1A600] =	vst v63  }
0x21: {  	_ =	swait.ge [sflag:s18], $0x5000  }
0x22: {  	[sflag:s18] =	ssyncset.done $0x0  }
0x23: {  	[sflag:s18] =	ssyncadd.s32 $0xFFFFB000  }
0x24: {  	[spmem:s9] =	stream.linear.scatter [tilespmem:s17], [sflag:$0x2], $0x5000, $0x38;
	[tilespmem:$0x1A600] =	vst v63  }
0x25: {  	_ =	swait.ge [sflag:s18], $0x5000  }
0x26: {  	[sflag:s18] =	ssyncset.done $0x0  }
0x27: {  	[sflag:s18] =	ssyncadd.s32 $0xFFFFB000  }
0x28: {  	s23 =	sadd.s32 $0x0, s16;
	[bflag:$0x0] =	sbarrier.arrive $0xFFFF  }
0x29: {  	[tilespmem:s3], [sflag:$0x2] =	stream.linear.gather [hbm4b:s23+s3], $0xC8, $0x38;
	[tilespmem:$0x1A600] =	vst v63  }
0x2a: {  	_ =	swait.ge [sflag:s18], $0xC8  }
0x2b: {  	[sflag:s18] =	ssyncset.done $0x0  }
0x2c: {  	s31 =	sadd.s32 $0x0, s15;
	[sflag:s18] =	ssyncadd.s32 $0xFFFFFF38  }
0x2d: {  	[tilespmem:s19], [sflag:$0x2] =	stream.linear.gather [hbm4b:s31+s3], $0xC8, $0x38;
	[tilespmem:$0x1A600] =	vst v63  }
0x2e: {  	_ =	swait.ge [sflag:s18], $0xC8  }
0x2f: {  	[sflag:s18] =	ssyncset.done $0x0  }
0x30: {  	[sflag:s18] =	ssyncadd.s32 $0xFFFFFF38  }
0x31: {  	[tilespmem:s17], [sflag:$0x1] =	stream.indirect.gather [hbm4b:s4+s20], $0x80, s3, s20, $0xb8;
	[tilespmem:$0x1A600] =	vst v63  }
0x32: {  	_ =	swait.ge [sflag:s21], $0x6400  }
0x33: {  	[sflag:s21] =	ssyncset.done $0x0  }
0x34: {  	[sflag:s21] =	ssyncadd.s32 $0xFFFF9C00  }
0x35: {  	[spmem:s2] =	stream.indirect.scatter.add.f32 [tilespmem:s17], [sflag:$0x2], $0x80, s19, s20, $0xb8;
	[tilespmem:$0x1A600] =	vst v63  }
0x36: {  	_ =	swait.ge [sflag:s18], $0x6400  }
0x37: {  	s24 =	simm.s32 $0x32;
	s23 =	simm.s32 $0x19;
	[sflag:s18] =	ssyncset.done $0x0  }
.LBB2_2:
0x38: {  	s25 =	sadd.s32 s23, s16  }
0x39: {  	[sflag:s18] =	ssyncadd.s32 $0xFFFF9C00;
	s26 =	smov.u32 s24;
	s28 =	sadd.s32 $0x19, s24  }
0x3a: {  	[tilespmem:s3], [sflag:$0x2] =	stream.linear.gather [hbm4b:s25+s3], $0xC8, $0x38;
	[tilespmem:$0x1A600] =	vst v63  }
0x3b: {  	p0 =	sne.s32 s24, $0x4C9;
	_ =	swait.ge [sflag:s18], $0xC8  }
0x3c: {  	[sflag:s18] =	ssyncset.done $0x0  }
0x3d: {  	s24 =	sadd.s32 s23, s15;
	s23 =	smov.u32 s26;
	[sflag:s18] =	ssyncadd.s32 $0xFFFFFF38  }
0x3e: {  	[tilespmem:s19], [sflag:$0x2] =	stream.linear.gather [hbm4b:s24+s3], $0xC8, $0x38;
	[tilespmem:$0x1A600] =	vst v63  }
0x3f: {  	_ =	swait.ge [sflag:s18], $0xC8  }
0x40: {  	[sflag:s18] =	ssyncset.done $0x0  }
0x41: {  	[sflag:s18] =	ssyncadd.s32 $0xFFFFFF38  }
0x42: {  	[tilespmem:s17], [sflag:$0x1] =	stream.indirect.gather [hbm4b:s4+s20], $0x80, s3, s20, $0xb8;
	[tilespmem:$0x1A600] =	vst v63  }
0x43: {  	_ =	swait.ge [sflag:s21], $0x6400  }
.Ltmp0:
0x44: {  	[sflag:s21] =	ssyncset.done $0x0;
	(pc) =	sbr.rel @p0 .LBB2_2-.Ltmp0, $4  }
0x45: {  	[sflag:s21] =	ssyncadd.s32 $0xFFFF9C00  }
0x46: {  	[spmem:s2] =	stream.indirect.scatter.add.f32 [tilespmem:s17], [sflag:$0x2], $0x80, s19, s20, $0xb8;
	[tilespmem:$0x1A600] =	vst v63  }
0x47: {  	_ =	swait.ge [sflag:s18], $0x6400  }
0x48: {  	s24 =	smov.u32 s28;
	[sflag:s18] =	ssyncset.done $0x0  }
0x49: {  	s24 =	sadd.s32 s23, s16;
	[sflag:s18] =	ssyncadd.s32 $0xFFFF9C00  }
0x4a: {  	[tilespmem:s3], [sflag:$0x2] =	stream.linear.gather [hbm4b:s24+s3], $0xC8, $0x38;
	[tilespmem:$0x1A600] =	vst v63  }
0x4b: {  	_ =	swait.ge [sflag:s18], $0xC8  }
0x4c: {  	[sflag:s18] =	ssyncset.done $0x0  }
0x4d: {  	s31 =	sadd.s32 s23, s15;
	[sflag:s18] =	ssyncadd.s32 $0xFFFFFF38  }
0x4e: {  	[tilespmem:s19], [sflag:$0x2] =	stream.linear.gather [hbm4b:s31+s3], $0xC8, $0x38;
	[tilespmem:$0x1A600] =	vst v63  }
0x4f: {  	_ =	swait.ge [sflag:s18], $0xC8  }
0x50: {  	[sflag:s18] =	ssyncset.done $0x0  }
0x51: {  	[sflag:s18] =	ssyncadd.s32 $0xFFFFFF38  }
0x52: {  	[tilespmem:s17], [sflag:$0x1] =	stream.indirect.gather [hbm4b:s4+s20], $0x80, s3, s20, $0xb8;
	[tilespmem:$0x1A600] =	vst v63  }
0x53: {  	_ =	swait.ge [sflag:s21], $0x6400  }
0x54: {  	[sflag:s21] =	ssyncset.done $0x0  }
0x55: {  	[sflag:s21] =	ssyncadd.s32 $0xFFFF9C00  }
0x56: {  	[spmem:s2] =	stream.indirect.scatter.add.f32 [tilespmem:s17], [sflag:$0x2], $0x80, s19, s20, $0xb8;
	[tilespmem:$0x1A600] =	vst v63  }
0x57: {  	_ =	swait.ge [sflag:s18], $0x6400  }
0x58: {  	[sflag:s18] =	ssyncset.done $0x0  }
0x59: {  	[sflag:s18] =	ssyncadd.s32 $0xFFFF9C00  }
0x5a: {  	[bflag:$0x0] =	sbarrier.arrive $0xFFFF  }
0x5b: {  	[tilespmem:s17], [sflag:$0x2] =	stream.linear.gather [spmem:s6], $0x5000, $0x38;
	[tilespmem:$0x1A600] =	vst v63  }
0x5c: {  	_ =	swait.ge [sflag:s18], $0x5000  }
0x5d: {  	[sflag:s18] =	ssyncset.done $0x0  }
0x5e: {  	[sflag:s18] =	ssyncadd.s32 $0xFFFFB000  }
0x5f: {  	[hbm4b:s10+s3] =	stream.linear.scatter [tilespmem:s17], [sflag:$0x2], $0x5000, $0x38;
	[tilespmem:$0x1A600] =	vst v63  }
0x60: {  	_ =	swait.ge [sflag:s18], $0x5000  }
0x61: {  	[sflag:s18] =	ssyncset.done $0x0  }
0x62: {  	[sflag:s18] =	ssyncadd.s32 $0xFFFFB000  }
0x63: {  	[tilespmem:s17], [sflag:$0x2] =	stream.linear.gather [spmem:s7], $0x5000, $0x38;
	[tilespmem:$0x1A600] =	vst v63  }
0x64: {  	_ =	swait.ge [sflag:s18], $0x5000  }
0x65: {  	[sflag:s18] =	ssyncset.done $0x0  }
0x66: {  	[sflag:s18] =	ssyncadd.s32 $0xFFFFB000  }
0x67: {  	[hbm4b:s11+s3] =	stream.linear.scatter [tilespmem:s17], [sflag:$0x2], $0x5000, $0x38;
	[tilespmem:$0x1A600] =	vst v63  }
0x68: {  	_ =	swait.ge [sflag:s18], $0x5000  }
0x69: {  	[sflag:s18] =	ssyncset.done $0x0  }
0x6a: {  	[sflag:s18] =	ssyncadd.s32 $0xFFFFB000  }
0x6b: {  	[tilespmem:s17], [sflag:$0x2] =	stream.linear.gather [spmem:s8], $0x5000, $0x38;
	[tilespmem:$0x1A600] =	vst v63  }
0x6c: {  	_ =	swait.ge [sflag:s18], $0x5000  }
0x6d: {  	[sflag:s18] =	ssyncset.done $0x0  }
0x6e: {  	[sflag:s18] =	ssyncadd.s32 $0xFFFFB000  }
0x6f: {  	[hbm4b:s12+s3] =	stream.linear.scatter [tilespmem:s17], [sflag:$0x2], $0x5000, $0x38;
	[tilespmem:$0x1A600] =	vst v63  }
0x70: {  	_ =	swait.ge [sflag:s18], $0x5000  }
0x71: {  	[sflag:s18] =	ssyncset.done $0x0  }
0x72: {  	[sflag:s18] =	ssyncadd.s32 $0xFFFFB000  }
0x73: {  	[tilespmem:s17], [sflag:$0x2] =	stream.linear.gather [spmem:s9], $0x5000, $0x38;
	[tilespmem:$0x1A600] =	vst v63  }
0x74: {  	s22 =	sadd.s32 $0x1, s22;
	_ =	swait.ge [sflag:s18], $0x5000  }
0x75: {  	p0 =	sne.s32 s22, s14;
	[sflag:s18] =	ssyncset.done $0x0  }
.Ltmp1:
0x76: {  	[sflag:s18] =	ssyncadd.s32 $0xFFFFB000;
	(pc) =	sbr.rel @p0 .LBB2_1-.Ltmp1, $4  }
0x77: {  	[hbm4b:s13+s3] =	stream.linear.scatter [tilespmem:s17], [sflag:$0x2], $0x5000, $0x38;
	[tilespmem:$0x1A600] =	vst v63  }
0x78: {  	_ =	swait.ge [sflag:s18], $0x5000  }
0x79: {  	[sflag:s18] =	ssyncset.done $0x0  }
0x7a: {  	[sflag:s18] =	ssyncadd.s32 $0xFFFFB000  }
0x7b: {  	_ =	sfence.sel $0x180000  }
0x7c: {  	[bflag:$0x0] =	sbarrier.arrive $0xFFFF  }
0x7d: {  	p0 =	sne.s32 s0, $0x0;
	_ =	strace $0x90000050  }
0x7e: {  	s0 =	sadd.s32 @!p0 $0x100000, s1;
	[bflag:$0x2] =	sbarrier.arrive $0xFFFF  }
0x7f: {  	[sflag:s0] =	ssyncadd.tile.s32 @!p0 $0x1;
	_ =	shalt  }
.Lfunc_end2:
_tile_overlayer_lowered:
.L_overlay_start_2:
0x80: {  	(tag) =	ssettag $0x2  }
0x81: {  	s0 =	rddreg [dreg:$0x0];
	s2 =	stileid.u32  }
0x82: {  	s1 =	rddreg [dreg:$0x1];
	p0 =	sne.s32 s2, $0x0  }
0x83: {  	s3 =	rddreg [dreg:$0x2];
	[bflag:$0x3] =	sbarrier.arrive $0xFFFF;
	s2 =	simm.s32 @!p0 $0x1C02  }
0x84: {  	[timem:s3], [sflag:s2] =	dma.local @!p0 [hbm:s0], s1  }
0x85: {  	s0 =	simm.s32 @!p0 $0x2  }
0x86: {  	_ =	swait.ge @!p0 [sflag:s0], s1  }
0x87: {  	s1 =	ssub.s32 @!p0 $0x0, s1;
	[sflag:s0] =	ssyncset.done @!p0 $0x0  }
0x88: {  	[sflag:s0] =	ssyncadd.s32 @!p0 s1  }
0x89: {  	[bflag:$0x3] =	sbarrier.arrive $0xFFFF  }
0x8a: {  	_ =	shalt  }

</sc_bundles>
